<compile_context>
chip_gen: v7x
topology: tpu7x:2x2x1
jax: 0.10.2.dev20260603
libtpu: 0.0.44.dev20260713+nightly
codegen_flags: <defaults>
</compile_context>

<pallas_src>
import functools

import jax
import jax.numpy as jnp
from jax import lax
from jax.experimental import pallas as pl
from jax.experimental.pallas import tpu as pltpu
from jax.experimental.pallas import tpu_sc as plsc

_TILE = 224.0
_THR = 0.5
_NP = 5120
_K = 128
_NW = 32
_RPW = _NP // _NW
_CH = 256
_TI2 = 64


def _pre_body(x_ref, box_ref, W1a_ref, W1b_ref, W1c_ref, b1_ref, A_ref, B_ref):
    x = x_ref[...]
    b = box_ref[...]
    Wc = W1c_ref[...]
    q = (b[:, 4:5] * Wc[1:2, :] + b[:, 5:6] * Wc[2:3, :]
         + b[:, 6:7] * Wc[3:4, :] + b[:, 7:8] * Wc[4:5, :]) * (1.0 / _TILE)
    A_ref[...] = jnp.dot(x, W1a_ref[...], preferred_element_type=jnp.float32) + q
    hdim = B_ref.shape[-1]
    B_ref[...] = (jnp.dot(x, W1b_ref[...], preferred_element_type=jnp.float32)
                  - q[:, :hdim] + b1_ref[...])


def _neigh_body(x1h, y1h, x2h, y2h, arh, nidx_h, niou_h,
                x1v, y1v, x2v, y2v, arv, idxb, ioub):
    wid = lax.axis_index("s") * 2 + lax.axis_index("c")
    pltpu.sync_copy(x1h, x1v)
    pltpu.sync_copy(y1h, y1v)
    pltpu.sync_copy(x2h, x2v)
    pltpu.sync_copy(y2h, y2v)
    pltpu.sync_copy(arh, arv)
    row0 = wid * _RPW
    lanes = lax.iota(jnp.int32, 16)

    def row_body(r, _):
        i = row0 + r
        ivec = jnp.full((16,), 0, jnp.int32) + i
        bx1 = plsc.load_gather(x1v, [ivec])
        by1 = plsc.load_gather(y1v, [ivec])
        bx2 = plsc.load_gather(x2v, [ivec])
        by2 = plsc.load_gather(y2v, [ivec])
        bar = plsc.load_gather(arv, [ivec])
        rb = r * _K
        for kk in range(_K // 16):
            idxb[pl.ds(rb + kk * 16, 16)] = ivec
            ioub[pl.ds(rb + kk * 16, 16)] = jnp.full((16,), 1.0, jnp.float32)

        def chunk_body(c, ptr_v):
            j0 = c * 16
            jx1 = x1v[pl.ds(j0, 16)]
            jy1 = y1v[pl.ds(j0, 16)]
            jx2 = x2v[pl.ds(j0, 16)]
            jy2 = y2v[pl.ds(j0, 16)]
            jar = arv[pl.ds(j0, 16)]
            iw = jnp.maximum(jnp.minimum(bx2, jx2) - jnp.maximum(bx1, jx1), 0.0)
            ih = jnp.maximum(jnp.minimum(by2, jy2) - jnp.maximum(by1, jy1), 0.0)
            inter = iw * ih
            s = bar + jar
            m = inter * 3.0 > s + 1e-8
            iou = inter / (s - inter + 1e-8)
            pos = plsc.cumsum(m.astype(jnp.int32))
            tgt = ptr_v + pos + (rb - 1)
            m2 = jnp.logical_and(m, ptr_v + pos <= _K)
            plsc.store_scatter(idxb, [tgt], lanes + j0, mask=m2)
            plsc.store_scatter(ioub, [tgt], iou, mask=m2)
            return ptr_v + plsc.all_reduce_population_count(m)

        lax.fori_loop(0, _NP // 16, chunk_body,
                      jnp.zeros((16,), jnp.int32), unroll=2)
        return 0

    lax.fori_loop(0, _RPW, row_body, 0)
    pltpu.sync_copy(idxb, nidx_h.at[pl.ds(row0 * _K, _RPW * _K)])
    pltpu.sync_copy(ioub, niou_h.at[pl.ds(row0 * _K, _RPW * _K)])


def _gather_body(A_h, idx2d_h, out_h, idxv, buf0, buf1, sem0, sem1):
    wid = lax.axis_index("s") * 2 + lax.axis_index("c")
    per_w = _NP * _K // _NW
    base = wid * per_w
    bufs = (buf0, buf1)
    sems = (sem0, sem1)
    nsub = 2048 // _CH

    def fire(off, sb):
        for b in range(_CH // 128):
            pltpu.async_copy(A_h.at[idxv.at[sb * (_CH // 128) + b]],
                             bufs[sb % 2].at[pl.ds(b * 128, 128)],
                             sems[sb % 2])

    def drain_store(off, sb):
        for b in range(_CH // 128):
            pltpu.make_async_copy(A_h.at[idxv.at[sb * (_CH // 128) + b]],
                                  bufs[sb % 2].at[pl.ds(b * 128, 128)],
                                  sems[sb % 2]).wait()
        off2 = pl.multiple_of(off + sb * _CH, _CH)
        pltpu.sync_copy(bufs[sb % 2], out_h.at[pl.ds(off2, _CH)])

    def body(c, _):
        off = pl.multiple_of(base + c * 2048, 2048)
        pltpu.sync_copy(idx2d_h.at[pl.ds(pl.multiple_of(off // 128, 16), 16)],
                        idxv)
        for sb in range(nsub):
            fire(off, sb)
            if sb > 0:
                drain_store(off, sb - 1)
        drain_store(off, nsub - 1)
        return 0

    lax.fori_loop(0, per_w // 2048, body, 0)


def _pairmlp_body(Ag_ref, B_ref, iou_ref, wiou_ref, W2_ref, b2_ref,
                  Wo_ref, bo_ref, xi_ref, out_ref):
    hdim = B_ref.shape[-1]
    iou = iou_ref[...]
    h1 = jnp.maximum(
        Ag_ref[...][:, :hdim].reshape(_TI2, _K, hdim)
        + B_ref[...][:, None, :]
        + iou[:, :, None] * wiou_ref[...][None, :, :], 0.0)
    h1 = h1.reshape(_TI2 * _K, hdim)
    h2 = jnp.maximum(
        jnp.dot(h1, W2_ref[...], preferred_element_type=jnp.float32)
        + b2_ref[...], 0.0)
    pooled = h2.reshape(_TI2, _K, hdim).max(axis=1)
    out_ref[...] = (xi_ref[...]
                    + jnp.dot(pooled, Wo_ref[...],
                              preferred_element_type=jnp.float32)
                    + bo_ref[...])


def _final_body(x_ref, Wf1_ref, bf1_ref, Wf2_ref, bf2_ref, out_ref):
    h = jnp.maximum(
        jnp.dot(x_ref[...], Wf1_ref[...], preferred_element_type=jnp.float32)
        + bf1_ref[...], 0.0)
    out_ref[...] = (jnp.dot(h, Wf2_ref[...], preferred_element_type=jnp.float32)
                    + bf2_ref[...])


_SC_MESH = plsc.VectorSubcoreMesh(core_axis_name="c", subcore_axis_name="s")

_neigh = functools.partial(
    pl.kernel, _neigh_body,
    out_type=[jax.ShapeDtypeStruct((_NP * _K,), jnp.int32),
              jax.ShapeDtypeStruct((_NP * _K,), jnp.float32)],
    mesh=_SC_MESH,
    scratch_types=[pltpu.VMEM((_NP,), jnp.float32)] * 5
    + [pltpu.VMEM((_RPW * _K,), jnp.int32),
       pltpu.VMEM((_RPW * _K,), jnp.float32)],
    compiler_params=pltpu.CompilerParams(needs_layout_passes=False),
)()

_gather = functools.partial(
    pl.kernel, _gather_body,
    out_type=jax.ShapeDtypeStruct((_NP * _K, 128), jnp.float32),
    mesh=_SC_MESH,
    scratch_types=[pltpu.VMEM((16, 128), jnp.int32),
                   pltpu.VMEM((_CH, 128), jnp.float32),
                   pltpu.VMEM((_CH, 128), jnp.float32),
                   pltpu.SemaphoreType.DMA,
                   pltpu.SemaphoreType.DMA],
    compiler_params=pltpu.CompilerParams(needs_layout_passes=False),
)()


def _run_block(x, boxes8, nidx2d, niou, blk, f, h):
    W1 = blk["W1"]
    W1a, W1b, W1c = W1[:f], W1[f:2 * f], W1[2 * f:]
    W1a_p = jnp.pad(W1a, ((0, 0), (0, 128 - h)))
    W1c_p = jnp.pad(W1c, ((0, 0), (0, 128 - h)))
    A, B = pl.pallas_call(
        _pre_body,
        grid=(_NP // 512,),
        in_specs=[
            pl.BlockSpec((512, f), lambda i: (i, 0)),
            pl.BlockSpec((512, 8), lambda i: (i, 0)),
            pl.BlockSpec((f, 128), lambda i: (0, 0)),
            pl.BlockSpec((f, h), lambda i: (0, 0)),
            pl.BlockSpec((5, 128), lambda i: (0, 0)),
            pl.BlockSpec((1, h), lambda i: (0, 0)),
        ],
        out_specs=[
            pl.BlockSpec((512, 128), lambda i: (i, 0)),
            pl.BlockSpec((512, h), lambda i: (i, 0)),
        ],
        out_shape=[
            jax.ShapeDtypeStruct((_NP, 128), jnp.float32),
            jax.ShapeDtypeStruct((_NP, h), jnp.float32),
        ],
    )(x, boxes8, W1a_p, W1b, W1c_p, blk["b1"].reshape(1, h))

    Ag = _gather(A, nidx2d)

    new_x = pl.pallas_call(
        _pairmlp_body,
        grid=(_NP // _TI2,),
        in_specs=[
            pl.BlockSpec((_TI2 * _K, 128), lambda i: (i, 0)),
            pl.BlockSpec((_TI2, h), lambda i: (i, 0)),
            pl.BlockSpec((_TI2, _K), lambda i: (i, 0)),
            pl.BlockSpec((1, h), lambda i: (0, 0)),
            pl.BlockSpec((h, h), lambda i: (0, 0)),
            pl.BlockSpec((1, h), lambda i: (0, 0)),
            pl.BlockSpec((h, f), lambda i: (0, 0)),
            pl.BlockSpec((1, f), lambda i: (0, 0)),
            pl.BlockSpec((_TI2, f), lambda i: (i, 0)),
        ],
        out_specs=pl.BlockSpec((_TI2, f), lambda i: (i, 0)),
        out_shape=jax.ShapeDtypeStruct((_NP, f), jnp.float32),
    )(Ag, B, niou, W1c[0:1], blk["W2"], blk["b2"].reshape(1, h),
      blk["Wo"], blk["bo"].reshape(1, f), x)
    return new_x


def kernel(interpolated, rpn_boxes, params):
    n, f = interpolated.shape
    h = params["blocks"][0]["W1"].shape[1]

    x = jnp.zeros((_NP, f), jnp.float32).at[:n].set(interpolated)
    pad = jnp.stack([jnp.full((_NP - n,), -1e4, jnp.float32),
                     jnp.full((_NP - n,), -1e4, jnp.float32),
                     jnp.full((_NP - n,), -9980.0, jnp.float32),
                     jnp.full((_NP - n,), -9980.0, jnp.float32)], axis=1)
    bx = jnp.concatenate([rpn_boxes.astype(jnp.float32), pad], axis=0)
    x1, y1, x2, y2 = bx[:, 0], bx[:, 1], bx[:, 2], bx[:, 3]
    w, hh = x2 - x1, y2 - y1
    area = w * hh
    boxes8 = jnp.stack([x1, y1, x2, y2, (x1 + x2) * 0.5, (y1 + y2) * 0.5,
                        w, hh], axis=1)

    nidx_flat, niou_flat = _neigh(x1, y1, x2, y2, area)
    nidx2d = nidx_flat.reshape(_NP * _K // 128, 128)
    niou = niou_flat.reshape(_NP, _K)

    for blk in params["blocks"]:
        x = _run_block(x, boxes8, nidx2d, niou, blk, f, h)

    fin = params["final"]
    y = pl.pallas_call(
        _final_body,
        grid=(_NP // 512,),
        in_specs=[
            pl.BlockSpec((512, f), lambda i: (i, 0)),
            pl.BlockSpec((f, h), lambda i: (0, 0)),
            pl.BlockSpec((1, h), lambda i: (0, 0)),
            pl.BlockSpec((h, 1), lambda i: (0, 0)),
            pl.BlockSpec((1, 1), lambda i: (0, 0)),
        ],
        out_specs=pl.BlockSpec((512, 1), lambda i: (i, 0)),
        out_shape=jax.ShapeDtypeStruct((_NP, 1), jnp.float32),
    )(x, fin["W1"], fin["b1"].reshape(1, h), fin["W2"], fin["b2"].reshape(1, 1))
    return y[:n]

# --- scband reference (transcript-rebuilt; emitter-appended) ---
"""Pipeline reference for scband-block-model-9758165696627 (READ-ONLY COPY).

The authoritative reference and input builder live on the scoring server;
editing this copy changes nothing except your own understanding.
"""

import jax, jax.numpy as jnp
import numpy as np

TILE = 224.0
THRESHOLD = 0.5
N = 5000
F = 65
H = 64
NUM_BLOCKS = 2


def _iou_elem(bi, bj):
    x1 = jnp.maximum(bi[:, 0], bj[:, 0])
    y1 = jnp.maximum(bi[:, 1], bj[:, 1])
    x2 = jnp.minimum(bi[:, 2], bj[:, 2])
    y2 = jnp.minimum(bi[:, 3], bj[:, 3])
    iw = jnp.clip(x2 - x1, 0.0)
    ih = jnp.clip(y2 - y1, 0.0)
    inter = iw * ih
    ai = (bi[:, 2] - bi[:, 0]) * (bi[:, 3] - bi[:, 1])
    aj = (bj[:, 2] - bj[:, 0]) * (bj[:, 3] - bj[:, 1])
    return inter / (ai + aj - inter + 1e-8)


def _pair_indices(boxes):
    # dense pairwise IoU; neighborhoods are rows of the (iou > threshold) mask.
    x1, y1, x2, y2 = boxes[:, 0], boxes[:, 1], boxes[:, 2], boxes[:, 3]
    area = (x2 - x1) * (y2 - y1)
    ix1 = jnp.maximum(x1[:, None], x1[None, :])
    iy1 = jnp.maximum(y1[:, None], y1[None, :])
    ix2 = jnp.minimum(x2[:, None], x2[None, :])
    iy2 = jnp.minimum(y2[:, None], y2[None, :])
    inter = jnp.clip(ix2 - ix1, 0.0) * jnp.clip(iy2 - iy1, 0.0)
    iou = inter / (area[:, None] + area[None, :] - inter + 1e-8)
    return iou > THRESHOLD


def _add_info(bi, bj):
    # per-pair geometric features: iou + normalized center/size deltas
    iou = _iou_elem(bi, bj)
    cxi = (bi[:, 0] + bi[:, 2]) * 0.5
    cyi = (bi[:, 1] + bi[:, 3]) * 0.5
    cxj = (bj[:, 0] + bj[:, 2]) * 0.5
    cyj = (bj[:, 1] + bj[:, 3]) * 0.5
    dx = (cxj - cxi) / TILE
    dy = (cyj - cyi) / TILE
    dw = ((bj[:, 2] - bj[:, 0]) - (bi[:, 2] - bi[:, 0])) / TILE
    dh = ((bj[:, 3] - bj[:, 1]) - (bi[:, 3] - bi[:, 1])) / TILE
    return jnp.stack([iou, dx, dy, dw, dh], axis=1)


def setup_inputs(seed: int = 0):
    key = jax.random.key(seed)
    ks = jax.random.split(key, 24)
    interpolated = jax.random.normal(ks[0], (N, F), dtype=jnp.float32) * 0.1
    u = jax.random.uniform(ks[1], (N, 4), dtype=jnp.float32)
    cx = u[:, 0] * TILE
    cy = u[:, 1] * TILE
    w = 20.0 + u[:, 2] * 40.0
    h = 20.0 + u[:, 3] * 40.0
    rpn_boxes = jnp.stack([cx - w / 2, cy - h / 2, cx + w / 2, cy + h / 2], axis=1)
    Din = 2 * F + 5
    blocks = []
    kidx = 2
    for _ in range(NUM_BLOCKS):
        W1 = jax.random.normal(ks[kidx], (Din, H), dtype=jnp.float32) / np.sqrt(Din); kidx += 1
        b1 = jnp.zeros((H,), dtype=jnp.float32)
        W2 = jax.random.normal(ks[kidx], (H, H), dtype=jnp.float32) / np.sqrt(H); kidx += 1
        b2 = jnp.zeros((H,), dtype=jnp.float32)
        Wo = jax.random.normal(ks[kidx], (H, F), dtype=jnp.float32) / np.sqrt(H); kidx += 1
        bo = jnp.zeros((F,), dtype=jnp.float32)
        blocks.append({"W1": W1, "b1": b1, "W2": W2, "b2": b2, "Wo": Wo, "bo": bo})
    Wf1 = jax.random.normal(ks[kidx], (F, H), dtype=jnp.float32) / np.sqrt(F); kidx += 1
    bf1 = jnp.zeros((H,), dtype=jnp.float32)
    Wf2 = jax.random.normal(ks[kidx], (H, 1), dtype=jnp.float32) / np.sqrt(H); kidx += 1
    bf2 = jnp.zeros((1,), dtype=jnp.float32)
    params = {"blocks": blocks, "final": {"W1": Wf1, "b1": bf1, "W2": Wf2, "b2": bf2}}
    return {"interpolated": interpolated, "rpn_boxes": rpn_boxes, "params": params}


def reference(interpolated, rpn_boxes, params):
    mask = _pair_indices(rpn_boxes)
    x = interpolated
    n = x.shape[0]
    for blk in params["blocks"]:
        def body(i, pooled):
            bi = jnp.broadcast_to(rpn_boxes[i], (n, 4))
            add_info = _add_info(bi, rpn_boxes)
            neigh = x
            main = jnp.broadcast_to(x[i], (n, x.shape[1]))
            nb = jnp.concatenate([neigh, main, add_info], axis=1)
            hdd = jax.nn.relu(nb @ blk["W1"] + blk["b1"])
            hdd = jax.nn.relu(hdd @ blk["W2"] + blk["b2"])
            # max-pool each neighborhood back to a single representation
            row = jnp.max(jnp.where(mask[i][:, None], hdd, -jnp.inf), axis=0)
            return pooled.at[i].set(row)
        pooled = jax.lax.fori_loop(0, n, body, jnp.zeros((n, H), dtype=x.dtype))
        out = pooled @ blk["Wo"] + blk["bo"]
        x = x + out
    f = params["final"]
    hf = jax.nn.relu(x @ f["W1"] + f["b1"])
    return hf @ f["W2"] + f["b2"]

if __name__ == "__main__":
    import jax
    _d = setup_inputs()
    print(jax.jit(kernel)(*tuple(_d.values())))

</pallas_src>

<mosaic_0001>
#map = affine_map<(d0, d1) -> (0)>
module attributes {stable_mosaic.version = 14 : i64} {
  func.func @_neigh_body(%arg0: i32, %arg1: i32, %arg2: memref<5120xf32, #tpu.memory_space<hbm>>, %arg3: memref<5120xf32, #tpu.memory_space<hbm>>, %arg4: memref<5120xf32, #tpu.memory_space<hbm>>, %arg5: memref<5120xf32, #tpu.memory_space<hbm>>, %arg6: memref<5120xf32, #tpu.memory_space<hbm>>, %arg7: memref<655360xi32, #tpu.memory_space<hbm>>, %arg8: memref<655360xf32, #tpu.memory_space<hbm>>, %arg9: memref<5120xf32, #tpu.memory_space<vmem>>, %arg10: memref<5120xf32, #tpu.memory_space<vmem>>, %arg11: memref<5120xf32, #tpu.memory_space<vmem>>, %arg12: memref<5120xf32, #tpu.memory_space<vmem>>, %arg13: memref<5120xf32, #tpu.memory_space<vmem>>, %arg14: memref<20480xi32, #tpu.memory_space<vmem>>, %arg15: memref<20480xf32, #tpu.memory_space<vmem>>) attributes {dimension_semantics = [#tpu.dimension_semantics<core_parallel>, #tpu.dimension_semantics<subcore_parallel>], iteration_bounds = array<i64: 2, 16>, scalar_prefetch = 0 : i64, scratch_operands = 7 : i64, tpu.core_type = #tpu.core_type<sc_vector_subcore>, window_params = [{transform_indices = #map}, {transform_indices = #map}, {transform_indices = #map}, {transform_indices = #map}, {transform_indices = #map}, {transform_indices = #map}, {transform_indices = #map}]} {
    %mul3A = arith.constant 2 : i32
    %mul3A_0 = arith.muli %arg1, %mul3A : i32
    %add3A = arith.addi %mul3A_0, %arg0 : i32
    "tpu.region"() ({
      %run_scoped3A = tpu.sem_alloc : memref<!tpu.dma_semaphore, #tpu.memory_space<semaphore_mem>>
      tpu.enqueue_dma source(%arg2 : memref<5120xf32, #tpu.memory_space<hbm>>) target(%arg9 : memref<5120xf32, #tpu.memory_space<vmem>>) target_semaphore(%run_scoped3A : memref<!tpu.dma_semaphore, #tpu.memory_space<semaphore_mem>>)
      tpu.wait_dma2 semaphore(%run_scoped3A : memref<!tpu.dma_semaphore, #tpu.memory_space<semaphore_mem>>) src(%arg2 : memref<5120xf32, #tpu.memory_space<hbm>>) dst(%arg9 : memref<5120xf32, #tpu.memory_space<vmem>>)
      tpu.yield
    }) : () -> ()
    "tpu.region"() ({
      %run_scoped3A = tpu.sem_alloc : memref<!tpu.dma_semaphore, #tpu.memory_space<semaphore_mem>>
      tpu.enqueue_dma source(%arg3 : memref<5120xf32, #tpu.memory_space<hbm>>) target(%arg10 : memref<5120xf32, #tpu.memory_space<vmem>>) target_semaphore(%run_scoped3A : memref<!tpu.dma_semaphore, #tpu.memory_space<semaphore_mem>>)
      tpu.wait_dma2 semaphore(%run_scoped3A : memref<!tpu.dma_semaphore, #tpu.memory_space<semaphore_mem>>) src(%arg3 : memref<5120xf32, #tpu.memory_space<hbm>>) dst(%arg10 : memref<5120xf32, #tpu.memory_space<vmem>>)
      tpu.yield
    }) : () -> ()
    "tpu.region"() ({
      %run_scoped3A = tpu.sem_alloc : memref<!tpu.dma_semaphore, #tpu.memory_space<semaphore_mem>>
      tpu.enqueue_dma source(%arg4 : memref<5120xf32, #tpu.memory_space<hbm>>) target(%arg11 : memref<5120xf32, #tpu.memory_space<vmem>>) target_semaphore(%run_scoped3A : memref<!tpu.dma_semaphore, #tpu.memory_space<semaphore_mem>>)
      tpu.wait_dma2 semaphore(%run_scoped3A : memref<!tpu.dma_semaphore, #tpu.memory_space<semaphore_mem>>) src(%arg4 : memref<5120xf32, #tpu.memory_space<hbm>>) dst(%arg11 : memref<5120xf32, #tpu.memory_space<vmem>>)
      tpu.yield
    }) : () -> ()
    "tpu.region"() ({
      %run_scoped3A = tpu.sem_alloc : memref<!tpu.dma_semaphore, #tpu.memory_space<semaphore_mem>>
      tpu.enqueue_dma source(%arg5 : memref<5120xf32, #tpu.memory_space<hbm>>) target(%arg12 : memref<5120xf32, #tpu.memory_space<vmem>>) target_semaphore(%run_scoped3A : memref<!tpu.dma_semaphore, #tpu.memory_space<semaphore_mem>>)
      tpu.wait_dma2 semaphore(%run_scoped3A : memref<!tpu.dma_semaphore, #tpu.memory_space<semaphore_mem>>) src(%arg5 : memref<5120xf32, #tpu.memory_space<hbm>>) dst(%arg12 : memref<5120xf32, #tpu.memory_space<vmem>>)
      tpu.yield
    }) : () -> ()
    "tpu.region"() ({
      %run_scoped3A = tpu.sem_alloc : memref<!tpu.dma_semaphore, #tpu.memory_space<semaphore_mem>>
      tpu.enqueue_dma source(%arg6 : memref<5120xf32, #tpu.memory_space<hbm>>) target(%arg13 : memref<5120xf32, #tpu.memory_space<vmem>>) target_semaphore(%run_scoped3A : memref<!tpu.dma_semaphore, #tpu.memory_space<semaphore_mem>>)
      tpu.wait_dma2 semaphore(%run_scoped3A : memref<!tpu.dma_semaphore, #tpu.memory_space<semaphore_mem>>) src(%arg6 : memref<5120xf32, #tpu.memory_space<hbm>>) dst(%arg13 : memref<5120xf32, #tpu.memory_space<vmem>>)
      tpu.yield
    }) : () -> ()
    %mul3A_1 = arith.constant 160 : i32
    %mul3A_2 = arith.muli %add3A, %mul3A_1 : i32
    %iota3A = tpu.iota {dimensions = array<i32: 0>} : vector<16xi32>
    %scan3A = arith.constant 0 : i32
    %scan3A_3 = arith.constant 0 : i32
    %scan3A_4 = arith.constant 160 : i32
    %scan3A_5 = arith.addi %scan3A_3, %scan3A_4 : i32
    %scan3A_6 = arith.constant 1 : i32
    %scan3A_7 = scf.for %scan3A_13 = %scan3A_3 to %scan3A_5 step %scan3A_6 iter_args(%scan3A_14 = %scan3A) -> (i32)  : i32 {
      %add3A_15 = arith.addi %mul3A_2, %scan3A_13 : i32
      %broadcast_in_dim3A = arith.constant 0 : i32
      %broadcast_in_dim3A_16 = vector.broadcast %broadcast_in_dim3A : i32 to vector<16xi32>
      %add3A_17 = vector.broadcast %add3A_15 : i32 to vector<16xi32>
      %add3A_18 = arith.addi %broadcast_in_dim3A_16, %add3A_17 : vector<16xi32>
      %gather3A = tpu.vector_load_idx %arg9[%add3A_18] : memref<5120xf32, #tpu.memory_space<vmem>>[vector<16xi32>], vector<16xf32>,
      %gather3A_19 = tpu.vector_load_idx %arg10[%add3A_18] : memref<5120xf32, #tpu.memory_space<vmem>>[vector<16xi32>], vector<16xf32>,
      %gather3A_20 = tpu.vector_load_idx %arg11[%add3A_18] : memref<5120xf32, #tpu.memory_space<vmem>>[vector<16xi32>], vector<16xf32>,
      %gather3A_21 = tpu.vector_load_idx %arg12[%add3A_18] : memref<5120xf32, #tpu.memory_space<vmem>>[vector<16xi32>], vector<16xf32>,
      %gather3A_22 = tpu.vector_load_idx %arg13[%add3A_18] : memref<5120xf32, #tpu.memory_space<vmem>>[vector<16xi32>], vector<16xf32>,
      %mul3A_23 = arith.constant 128 : i32
      %mul3A_24 = arith.muli %scan3A_13, %mul3A_23 : i32
      %add3A_25 = arith.constant 0 : i32
      %add3A_26 = arith.addi %mul3A_24, %add3A_25 : i32
      %swap3A = arith.index_cast %add3A_26 : i32 to index
      %swap3A_27 = tpu.vector_load %arg14[%swap3A] {strides = array<i32>} : memref<20480xi32, #tpu.memory_space<vmem>>, vector<16xi32>,
      tpu.vector_store %arg14[%swap3A], %add3A_18 {strides = array<i32>} : memref<20480xi32, #tpu.memory_space<vmem>>, vector<16xi32>,
      %broadcast_in_dim3A_28 = arith.constant 1.000000e+00 : f32
      %broadcast_in_dim3A_29 = vector.broadcast %broadcast_in_dim3A_28 : f32 to vector<16xf32>
      %add3A_30 = arith.constant 0 : i32
      %add3A_31 = arith.addi %mul3A_24, %add3A_30 : i32
      %swap3A_32 = arith.index_cast %add3A_31 : i32 to index
      %swap3A_33 = tpu.vector_load %arg15[%swap3A_32] {strides = array<i32>} : memref<20480xf32, #tpu.memory_space<vmem>>, vector<16xf32>,
      tpu.vector_store %arg15[%swap3A_32], %broadcast_in_dim3A_29 {strides = array<i32>} : memref<20480xf32, #tpu.memory_space<vmem>>, vector<16xf32>,
      %add3A_34 = arith.constant 16 : i32
      %add3A_35 = arith.addi %mul3A_24, %add3A_34 : i32
      %swap3A_36 = arith.index_cast %add3A_35 : i32 to index
      %swap3A_37 = tpu.vector_load %arg14[%swap3A_36] {strides = array<i32>} : memref<20480xi32, #tpu.memory_space<vmem>>, vector<16xi32>,
      tpu.vector_store %arg14[%swap3A_36], %add3A_18 {strides = array<i32>} : memref<20480xi32, #tpu.memory_space<vmem>>, vector<16xi32>,
      %broadcast_in_dim3A_38 = arith.constant 1.000000e+00 : f32
      %broadcast_in_dim3A_39 = vector.broadcast %broadcast_in_dim3A_38 : f32 to vector<16xf32>
      %add3A_40 = arith.constant 16 : i32
      %add3A_41 = arith.addi %mul3A_24, %add3A_40 : i32
      %swap3A_42 = arith.index_cast %add3A_41 : i32 to index
      %swap3A_43 = tpu.vector_load %arg15[%swap3A_42] {strides = array<i32>} : memref<20480xf32, #tpu.memory_space<vmem>>, vector<16xf32>,
      tpu.vector_store %arg15[%swap3A_42], %broadcast_in_dim3A_39 {strides = array<i32>} : memref<20480xf32, #tpu.memory_space<vmem>>, vector<16xf32>,
      %add3A_44 = arith.constant 32 : i32
      %add3A_45 = arith.addi %mul3A_24, %add3A_44 : i32
      %swap3A_46 = arith.index_cast %add3A_45 : i32 to index
      %swap3A_47 = tpu.vector_load %arg14[%swap3A_46] {strides = array<i32>} : memref<20480xi32, #tpu.memory_space<vmem>>, vector<16xi32>,
      tpu.vector_store %arg14[%swap3A_46], %add3A_18 {strides = array<i32>} : memref<20480xi32, #tpu.memory_space<vmem>>, vector<16xi32>,
      %broadcast_in_dim3A_48 = arith.constant 1.000000e+00 : f32
      %broadcast_in_dim3A_49 = vector.broadcast %broadcast_in_dim3A_48 : f32 to vector<16xf32>
      %add3A_50 = arith.constant 32 : i32
      %add3A_51 = arith.addi %mul3A_24, %add3A_50 : i32
      %swap3A_52 = arith.index_cast %add3A_51 : i32 to index
      %swap3A_53 = tpu.vector_load %arg15[%swap3A_52] {strides = array<i32>} : memref<20480xf32, #tpu.memory_space<vmem>>, vector<16xf32>,
      tpu.vector_store %arg15[%swap3A_52], %broadcast_in_dim3A_49 {strides = array<i32>} : memref<20480xf32, #tpu.memory_space<vmem>>, vector<16xf32>,
      %add3A_54 = arith.constant 48 : i32
      %add3A_55 = arith.addi %mul3A_24, %add3A_54 : i32
      %swap3A_56 = arith.index_cast %add3A_55 : i32 to index
      %swap3A_57 = tpu.vector_load %arg14[%swap3A_56] {strides = array<i32>} : memref<20480xi32, #tpu.memory_space<vmem>>, vector<16xi32>,
      tpu.vector_store %arg14[%swap3A_56], %add3A_18 {strides = array<i32>} : memref<20480xi32, #tpu.memory_space<vmem>>, vector<16xi32>,
      %broadcast_in_dim3A_58 = arith.constant 1.000000e+00 : f32
      %broadcast_in_dim3A_59 = vector.broadcast %broadcast_in_dim3A_58 : f32 to vector<16xf32>
      %add3A_60 = arith.constant 48 : i32
      %add3A_61 = arith.addi %mul3A_24, %add3A_60 : i32
      %swap3A_62 = arith.index_cast %add3A_61 : i32 to index
      %swap3A_63 = tpu.vector_load %arg15[%swap3A_62] {strides = array<i32>} : memref<20480xf32, #tpu.memory_space<vmem>>, vector<16xf32>,
      tpu.vector_store %arg15[%swap3A_62], %broadcast_in_dim3A_59 {strides = array<i32>} : memref<20480xf32, #tpu.memory_space<vmem>>, vector<16xf32>,
      %add3A_64 = arith.constant 64 : i32
      %add3A_65 = arith.addi %mul3A_24, %add3A_64 : i32
      %swap3A_66 = arith.index_cast %add3A_65 : i32 to index
      %swap3A_67 = tpu.vector_load %arg14[%swap3A_66] {strides = array<i32>} : memref<20480xi32, #tpu.memory_space<vmem>>, vector<16xi32>,
      tpu.vector_store %arg14[%swap3A_66], %add3A_18 {strides = array<i32>} : memref<20480xi32, #tpu.memory_space<vmem>>, vector<16xi32>,
      %broadcast_in_dim3A_68 = arith.constant 1.000000e+00 : f32
      %broadcast_in_dim3A_69 = vector.broadcast %broadcast_in_dim3A_68 : f32 to vector<16xf32>
      %add3A_70 = arith.constant 64 : i32
      %add3A_71 = arith.addi %mul3A_24, %add3A_70 : i32
      %swap3A_72 = arith.index_cast %add3A_71 : i32 to index
      %swap3A_73 = tpu.vector_load %arg15[%swap3A_72] {strides = array<i32>} : memref<20480xf32, #tpu.memory_space<vmem>>, vector<16xf32>,
      tpu.vector_store %arg15[%swap3A_72], %broadcast_in_dim3A_69 {strides = array<i32>} : memref<20480xf32, #tpu.memory_space<vmem>>, vector<16xf32>,
      %add3A_74 = arith.constant 80 : i32
      %add3A_75 = arith.addi %mul3A_24, %add3A_74 : i32
      %swap3A_76 = arith.index_cast %add3A_75 : i32 to index
      %swap3A_77 = tpu.vector_load %arg14[%swap3A_76] {strides = array<i32>} : memref<20480xi32, #tpu.memory_space<vmem>>, vector<16xi32>,
      tpu.vector_store %arg14[%swap3A_76], %add3A_18 {strides = array<i32>} : memref<20480xi32, #tpu.memory_space<vmem>>, vector<16xi32>,
      %broadcast_in_dim3A_78 = arith.constant 1.000000e+00 : f32
      %broadcast_in_dim3A_79 = vector.broadcast %broadcast_in_dim3A_78 : f32 to vector<16xf32>
      %add3A_80 = arith.constant 80 : i32
      %add3A_81 = arith.addi %mul3A_24, %add3A_80 : i32
      %swap3A_82 = arith.index_cast %add3A_81 : i32 to index
      %swap3A_83 = tpu.vector_load %arg15[%swap3A_82] {strides = array<i32>} : memref<20480xf32, #tpu.memory_space<vmem>>, vector<16xf32>,
      tpu.vector_store %arg15[%swap3A_82], %broadcast_in_dim3A_79 {strides = array<i32>} : memref<20480xf32, #tpu.memory_space<vmem>>, vector<16xf32>,
      %add3A_84 = arith.constant 96 : i32
      %add3A_85 = arith.addi %mul3A_24, %add3A_84 : i32
      %swap3A_86 = arith.index_cast %add3A_85 : i32 to index
      %swap3A_87 = tpu.vector_load %arg14[%swap3A_86] {strides = array<i32>} : memref<20480xi32, #tpu.memory_space<vmem>>, vector<16xi32>,
      tpu.vector_store %arg14[%swap3A_86], %add3A_18 {strides = array<i32>} : memref<20480xi32, #tpu.memory_space<vmem>>, vector<16xi32>,
      %broadcast_in_dim3A_88 = arith.constant 1.000000e+00 : f32
      %broadcast_in_dim3A_89 = vector.broadcast %broadcast_in_dim3A_88 : f32 to vector<16xf32>
      %add3A_90 = arith.constant 96 : i32
      %add3A_91 = arith.addi %mul3A_24, %add3A_90 : i32
      %swap3A_92 = arith.index_cast %add3A_91 : i32 to index
      %swap3A_93 = tpu.vector_load %arg15[%swap3A_92] {strides = array<i32>} : memref<20480xf32, #tpu.memory_space<vmem>>, vector<16xf32>,
      tpu.vector_store %arg15[%swap3A_92], %broadcast_in_dim3A_89 {strides = array<i32>} : memref<20480xf32, #tpu.memory_space<vmem>>, vector<16xf32>,
      %add3A_94 = arith.constant 112 : i32
      %add3A_95 = arith.addi %mul3A_24, %add3A_94 : i32
      %swap3A_96 = arith.index_cast %add3A_95 : i32 to index
      %swap3A_97 = tpu.vector_load %arg14[%swap3A_96] {strides = array<i32>} : memref<20480xi32, #tpu.memory_space<vmem>>, vector<16xi32>,
      tpu.vector_store %arg14[%swap3A_96], %add3A_18 {strides = array<i32>} : memref<20480xi32, #tpu.memory_space<vmem>>, vector<16xi32>,
      %broadcast_in_dim3A_98 = arith.constant 1.000000e+00 : f32
      %broadcast_in_dim3A_99 = vector.broadcast %broadcast_in_dim3A_98 : f32 to vector<16xf32>
      %add3A_100 = arith.constant 112 : i32
      %add3A_101 = arith.addi %mul3A_24, %add3A_100 : i32
      %swap3A_102 = arith.index_cast %add3A_101 : i32 to index
      %swap3A_103 = tpu.vector_load %arg15[%swap3A_102] {strides = array<i32>} : memref<20480xf32, #tpu.memory_space<vmem>>, vector<16xf32>,
      tpu.vector_store %arg15[%swap3A_102], %broadcast_in_dim3A_99 {strides = array<i32>} : memref<20480xf32, #tpu.memory_space<vmem>>, vector<16xf32>,
      %broadcast_in_dim3A_104 = arith.constant 0 : i32
      %broadcast_in_dim3A_105 = vector.broadcast %broadcast_in_dim3A_104 : i32 to vector<16xi32>
      %scan3A_106 = arith.constant 0 : i32
      %scan3A_107 = arith.constant 320 : i32
      %scan3A_108 = arith.addi %scan3A_106, %scan3A_107 : i32
      %scan3A_109 = arith.constant 2 : i32
      %scan3A_110 = scf.for %scan3A_113 = %scan3A_106 to %scan3A_108 step %scan3A_109 iter_args(%scan3A_114 = %broadcast_in_dim3A_105) -> (vector<16xi32>)  : i32 {
        %mul3A_115 = arith.constant 16 : i32
        %mul3A_116 = arith.muli %scan3A_113, %mul3A_115 : i32
        %get3A = arith.index_cast %mul3A_116 : i32 to index
        %get3A_117 = tpu.vector_load %arg9[%get3A] {strides = array<i32>} : memref<5120xf32, #tpu.memory_space<vmem>>, vector<16xf32>,
        %get3A_118 = arith.index_cast %mul3A_116 : i32 to index
        %get3A_119 = tpu.vector_load %arg10[%get3A_118] {strides = array<i32>} : memref<5120xf32, #tpu.memory_space<vmem>>, vector<16xf32>,
        %get3A_120 = arith.index_cast %mul3A_116 : i32 to index
        %get3A_121 = tpu.vector_load %arg11[%get3A_120] {strides = array<i32>} : memref<5120xf32, #tpu.memory_space<vmem>>, vector<16xf32>,
        %get3A_122 = arith.index_cast %mul3A_116 : i32 to index
        %get3A_123 = tpu.vector_load %arg12[%get3A_122] {strides = array<i32>} : memref<5120xf32, #tpu.memory_space<vmem>>, vector<16xf32>,
        %get3A_124 = arith.index_cast %mul3A_116 : i32 to index
        %get3A_125 = tpu.vector_load %arg13[%get3A_124] {strides = array<i32>} : memref<5120xf32, #tpu.memory_space<vmem>>, vector<16xf32>,
        %min3A = arith.minimumf %gather3A_20, %get3A_121 : vector<16xf32>
        %max3A = arith.maximumf %gather3A, %get3A_117 : vector<16xf32>
        %sub3A = arith.subf %min3A, %max3A : vector<16xf32>
        %max3A_126 = arith.constant 0.000000e+00 : f32
        %max3A_127 = vector.broadcast %max3A_126 : f32 to vector<16xf32>
        %max3A_128 = arith.maximumf %sub3A, %max3A_127 : vector<16xf32>
        %min3A_129 = arith.minimumf %gather3A_21, %get3A_123 : vector<16xf32>
        %max3A_130 = arith.maximumf %gather3A_19, %get3A_119 : vector<16xf32>
        %sub3A_131 = arith.subf %min3A_129, %max3A_130 : vector<16xf32>
        %max3A_132 = arith.constant 0.000000e+00 : f32
        %max3A_133 = vector.broadcast %max3A_132 : f32 to vector<16xf32>
        %max3A_134 = arith.maximumf %sub3A_131, %max3A_133 : vector<16xf32>
        %mul3A_135 = arith.mulf %max3A_128, %max3A_134 : vector<16xf32>
        %add3A_136 = arith.addf %gather3A_22, %get3A_125 : vector<16xf32>
        %mul3A_137 = arith.constant 3.000000e+00 : f32
        %mul3A_138 = vector.broadcast %mul3A_137 : f32 to vector<16xf32>
        %mul3A_139 = arith.mulf %mul3A_135, %mul3A_138 : vector<16xf32>
        %add3A_140 = arith.constant 9.99999993E-9 : f32
        %add3A_141 = vector.broadcast %add3A_140 : f32 to vector<16xf32>
        %add3A_142 = arith.addf %add3A_136, %add3A_141 : vector<16xf32>
        %gt3A = arith.cmpf ogt, %mul3A_139, %add3A_142 : vector<16xf32>
        %sub3A_143 = arith.subf %add3A_136, %mul3A_135 : vector<16xf32>
        %add3A_144 = arith.constant 9.99999993E-9 : f32
        %add3A_145 = vector.broadcast %add3A_144 : f32 to vector<16xf32>
        %add3A_146 = arith.addf %sub3A_143, %add3A_145 : vector<16xf32>
        %div3A = arith.divf %mul3A_135, %add3A_146 : vector<16xf32>
        %convert_element_type3A = arith.extui %gt3A : vector<16xi1> to vector<16xi32>
        %broadcast_in_dim3A_147 = arith.constant true
        %broadcast_in_dim3A_148 = vector.broadcast %broadcast_in_dim3A_147 : i1 to vector<16xi1>
        %masked_cumsum3A = tpu.scan <sum>, %convert_element_type3A masked %broadcast_in_dim3A_148 : vector<16xi32>, vector<16xi1> -> vector<16xi32>
        %add3A_149 = arith.addi %scan3A_114, %masked_cumsum3A : vector<16xi32>
        %sub3A_150 = arith.constant 1 : i32
        %sub3A_151 = arith.subi %mul3A_24, %sub3A_150 : i32
        %add3A_152 = vector.broadcast %sub3A_151 : i32 to vector<16xi32>
        %add3A_153 = arith.addi %add3A_149, %add3A_152 : vector<16xi32>
        %add3A_154 = arith.addi %scan3A_114, %masked_cumsum3A : vector<16xi32>
        %le3A = arith.constant 128 : i32
        %le3A_155 = vector.broadcast %le3A : i32 to vector<16xi32>
        %le3A_156 = arith.cmpi sle, %add3A_154, %le3A_155 : vector<16xi32>
        %and3A = arith.andi %gt3A, %le3A_156 : vector<16xi1>
        %add3A_157 = vector.broadcast %mul3A_116 : i32 to vector<16xi32>
        %add3A_158 = arith.addi %iota3A, %add3A_157 : vector<16xi32>
        tpu.vector_store_idx %arg14[%add3A_153], %add3A_158 masked %and3A : memref<20480xi32, #tpu.memory_space<vmem>>[vector<16xi32>], vector<16xi32>, vector<16xi1>
        tpu.vector_store_idx %arg15[%add3A_153], %div3A masked %and3A : memref<20480xf32, #tpu.memory_space<vmem>>[vector<16xi32>], vector<16xf32>, vector<16xi1>
        %all_reduce_population_count3A = tpu.all_reduce %gt3A {dim = 0 : i64, kind = #tpu.reduction_kind<sum>} : vector<16xi1> -> vector<16xi32>
        %add3A_159 = arith.addi %scan3A_114, %all_reduce_population_count3A : vector<16xi32>
        %scan3A_160 = arith.constant 1 : i32
        %scan3A_161 = arith.addi %scan3A_113, %scan3A_160 : i32
        %mul3A_162 = arith.constant 16 : i32
        %mul3A_163 = arith.muli %scan3A_161, %mul3A_162 : i32
        %get3A_164 = arith.index_cast %mul3A_163 : i32 to index
        %get3A_165 = tpu.vector_load %arg9[%get3A_164] {strides = array<i32>} : memref<5120xf32, #tpu.memory_space<vmem>>, vector<16xf32>,
        %get3A_166 = arith.index_cast %mul3A_163 : i32 to index
        %get3A_167 = tpu.vector_load %arg10[%get3A_166] {strides = array<i32>} : memref<5120xf32, #tpu.memory_space<vmem>>, vector<16xf32>,
        %get3A_168 = arith.index_cast %mul3A_163 : i32 to index
        %get3A_169 = tpu.vector_load %arg11[%get3A_168] {strides = array<i32>} : memref<5120xf32, #tpu.memory_space<vmem>>, vector<16xf32>,
        %get3A_170 = arith.index_cast %mul3A_163 : i32 to index
        %get3A_171 = tpu.vector_load %arg12[%get3A_170] {strides = array<i32>} : memref<5120xf32, #tpu.memory_space<vmem>>, vector<16xf32>,
        %get3A_172 = arith.index_cast %mul3A_163 : i32 to index
        %get3A_173 = tpu.vector_load %arg13[%get3A_172] {strides = array<i32>} : memref<5120xf32, #tpu.memory_space<vmem>>, vector<16xf32>,
        %min3A_174 = arith.minimumf %gather3A_20, %get3A_169 : vector<16xf32>
        %max3A_175 = arith.maximumf %gather3A, %get3A_165 : vector<16xf32>
        %sub3A_176 = arith.subf %min3A_174, %max3A_175 : vector<16xf32>
        %max3A_177 = arith.constant 0.000000e+00 : f32
        %max3A_178 = vector.broadcast %max3A_177 : f32 to vector<16xf32>
        %max3A_179 = arith.maximumf %sub3A_176, %max3A_178 : vector<16xf32>
        %min3A_180 = arith.minimumf %gather3A_21, %get3A_171 : vector<16xf32>
        %max3A_181 = arith.maximumf %gather3A_19, %get3A_167 : vector<16xf32>
        %sub3A_182 = arith.subf %min3A_180, %max3A_181 : vector<16xf32>
        %max3A_183 = arith.constant 0.000000e+00 : f32
        %max3A_184 = vector.broadcast %max3A_183 : f32 to vector<16xf32>
        %max3A_185 = arith.maximumf %sub3A_182, %max3A_184 : vector<16xf32>
        %mul3A_186 = arith.mulf %max3A_179, %max3A_185 : vector<16xf32>
        %add3A_187 = arith.addf %gather3A_22, %get3A_173 : vector<16xf32>
        %mul3A_188 = arith.constant 3.000000e+00 : f32
        %mul3A_189 = vector.broadcast %mul3A_188 : f32 to vector<16xf32>
        %mul3A_190 = arith.mulf %mul3A_186, %mul3A_189 : vector<16xf32>
        %add3A_191 = arith.constant 9.99999993E-9 : f32
        %add3A_192 = vector.broadcast %add3A_191 : f32 to vector<16xf32>
        %add3A_193 = arith.addf %add3A_187, %add3A_192 : vector<16xf32>
        %gt3A_194 = arith.cmpf ogt, %mul3A_190, %add3A_193 : vector<16xf32>
        %sub3A_195 = arith.subf %add3A_187, %mul3A_186 : vector<16xf32>
        %add3A_196 = arith.constant 9.99999993E-9 : f32
        %add3A_197 = vector.broadcast %add3A_196 : f32 to vector<16xf32>
        %add3A_198 = arith.addf %sub3A_195, %add3A_197 : vector<16xf32>
        %div3A_199 = arith.divf %mul3A_186, %add3A_198 : vector<16xf32>
        %convert_element_type3A_200 = arith.extui %gt3A_194 : vector<16xi1> to vector<16xi32>
        %broadcast_in_dim3A_201 = arith.constant true
        %broadcast_in_dim3A_202 = vector.broadcast %broadcast_in_dim3A_201 : i1 to vector<16xi1>
        %masked_cumsum3A_203 = tpu.scan <sum>, %convert_element_type3A_200 masked %broadcast_in_dim3A_202 : vector<16xi32>, vector<16xi1> -> vector<16xi32>
        %add3A_204 = arith.addi %add3A_159, %masked_cumsum3A_203 : vector<16xi32>
        %sub3A_205 = arith.constant 1 : i32
        %sub3A_206 = arith.subi %mul3A_24, %sub3A_205 : i32
        %add3A_207 = vector.broadcast %sub3A_206 : i32 to vector<16xi32>
        %add3A_208 = arith.addi %add3A_204, %add3A_207 : vector<16xi32>
        %add3A_209 = arith.addi %add3A_159, %masked_cumsum3A_203 : vector<16xi32>
        %le3A_210 = arith.constant 128 : i32
        %le3A_211 = vector.broadcast %le3A_210 : i32 to vector<16xi32>
        %le3A_212 = arith.cmpi sle, %add3A_209, %le3A_211 : vector<16xi32>
        %and3A_213 = arith.andi %gt3A_194, %le3A_212 : vector<16xi1>
        %add3A_214 = vector.broadcast %mul3A_163 : i32 to vector<16xi32>
        %add3A_215 = arith.addi %iota3A, %add3A_214 : vector<16xi32>
        tpu.vector_store_idx %arg14[%add3A_208], %add3A_215 masked %and3A_213 : memref<20480xi32, #tpu.memory_space<vmem>>[vector<16xi32>], vector<16xi32>, vector<16xi1>
        tpu.vector_store_idx %arg15[%add3A_208], %div3A_199 masked %and3A_213 : memref<20480xf32, #tpu.memory_space<vmem>>[vector<16xi32>], vector<16xf32>, vector<16xi1>
        %all_reduce_population_count3A_216 = tpu.all_reduce %gt3A_194 {dim = 0 : i64, kind = #tpu.reduction_kind<sum>} : vector<16xi1> -> vector<16xi32>
        %add3A_217 = arith.addi %add3A_159, %all_reduce_population_count3A_216 : vector<16xi32>
        scf.yield %add3A_217 : vector<16xi32>
      }
      %scan3A_111 = arith.constant 320 : i32
      %scan3A_112 = arith.constant 0 : i32
      scf.yield %scan3A_112 : i32
    }
    %scan3A_8 = arith.constant 160 : i32
    %mul3A_9 = arith.constant 128 : i32
    %mul3A_10 = arith.muli %mul3A_2, %mul3A_9 : i32
    "tpu.region"() ({
      %run_scoped3A = tpu.sem_alloc : memref<!tpu.dma_semaphore, #tpu.memory_space<semaphore_mem>>
      %dma_start3A = tpu.memref_slice %arg7[%mul3A_10] : memref<655360xi32, #tpu.memory_space<hbm>> -> memref<20480xi32, #tpu.memory_space<hbm>>
      %dma_start3A_13 = tpu.memref_slice %arg7[%mul3A_10] : memref<655360xi32, #tpu.memory_space<hbm>> -> memref<20480xi32, #tpu.memory_space<hbm>>
      tpu.enqueue_dma source(%arg14 : memref<20480xi32, #tpu.memory_space<vmem>>) target(%dma_start3A_13 : memref<20480xi32, #tpu.memory_space<hbm>>) target_semaphore(%run_scoped3A : memref<!tpu.dma_semaphore, #tpu.memory_space<semaphore_mem>>)
      %dma_wait3A = tpu.memref_slice %arg7[%mul3A_10] : memref<655360xi32, #tpu.memory_space<hbm>> -> memref<20480xi32, #tpu.memory_space<hbm>>
      %dma_wait3A_14 = tpu.memref_slice %arg7[%mul3A_10] : memref<655360xi32, #tpu.memory_space<hbm>> -> memref<20480xi32, #tpu.memory_space<hbm>>
      tpu.wait_dma2 semaphore(%run_scoped3A : memref<!tpu.dma_semaphore, #tpu.memory_space<semaphore_mem>>) src(%arg14 : memref<20480xi32, #tpu.memory_space<vmem>>) dst(%dma_wait3A_14 : memref<20480xi32, #tpu.memory_space<hbm>>)
      tpu.yield
    }) : () -> ()
    %mul3A_11 = arith.constant 128 : i32
    %mul3A_12 = arith.muli %mul3A_2, %mul3A_11 : i32
    "tpu.region"() ({
      %run_scoped3A = tpu.sem_alloc : memref<!tpu.dma_semaphore, #tpu.memory_space<semaphore_mem>>
      %dma_start3A = tpu.memref_slice %arg8[%mul3A_12] : memref<655360xf32, #tpu.memory_space<hbm>> -> memref<20480xf32, #tpu.memory_space<hbm>>
      %dma_start3A_13 = tpu.memref_slice %arg8[%mul3A_12] : memref<655360xf32, #tpu.memory_space<hbm>> -> memref<20480xf32, #tpu.memory_space<hbm>>
      tpu.enqueue_dma source(%arg15 : memref<20480xf32, #tpu.memory_space<vmem>>) target(%dma_start3A_13 : memref<20480xf32, #tpu.memory_space<hbm>>) target_semaphore(%run_scoped3A : memref<!tpu.dma_semaphore, #tpu.memory_space<semaphore_mem>>)
      %dma_wait3A = tpu.memref_slice %arg8[%mul3A_12] : memref<655360xf32, #tpu.memory_space<hbm>> -> memref<20480xf32, #tpu.memory_space<hbm>>
      %dma_wait3A_14 = tpu.memref_slice %arg8[%mul3A_12] : memref<655360xf32, #tpu.memory_space<hbm>> -> memref<20480xf32, #tpu.memory_space<hbm>>
      tpu.wait_dma2 semaphore(%run_scoped3A : memref<!tpu.dma_semaphore, #tpu.memory_space<semaphore_mem>>) src(%arg15 : memref<20480xf32, #tpu.memory_space<vmem>>) dst(%dma_wait3A_14 : memref<20480xf32, #tpu.memory_space<hbm>>)
      tpu.yield
    }) : () -> ()
    return
  }
}

#map = affine_map<(d0, d1) -> (0, 0)>
module attributes {stable_mosaic.version = 14 : i64} {
  func.func @_gather_body(%arg0: i32, %arg1: i32, %arg2: memref<5120x128xf32, #tpu.memory_space<hbm>>, %arg3: memref<5120x128xi32, #tpu.memory_space<hbm>>, %arg4: memref<655360x128xf32, #tpu.memory_space<hbm>>, %arg5: memref<16x128xi32, #tpu.memory_space<vmem>>, %arg6: memref<256x128xf32, #tpu.memory_space<vmem>>, %arg7: memref<256x128xf32, #tpu.memory_space<vmem>>, %arg8: memref<!tpu.dma_semaphore, #tpu.memory_space<semaphore_mem>>, %arg9: memref<!tpu.dma_semaphore, #tpu.memory_space<semaphore_mem>>) attributes {dimension_semantics = [#tpu.dimension_semantics<core_parallel>, #tpu.dimension_semantics<subcore_parallel>], iteration_bounds = array<i64: 2, 16>, scalar_prefetch = 0 : i64, scratch_operands = 5 : i64, tpu.core_type = #tpu.core_type<sc_vector_subcore>, window_params = [{transform_indices = #map}, {transform_indices = #map}, {transform_indices = #map}]} {
    %mul3A = arith.constant 2 : i32
    %mul3A_0 = arith.muli %arg1, %mul3A : i32
    %add3A = arith.addi %mul3A_0, %arg0 : i32
    %mul3A_1 = arith.constant 20480 : i32
    %mul3A_2 = arith.muli %add3A, %mul3A_1 : i32
    %scan3A = arith.constant 0 : i32
    %scan3A_3 = arith.constant 0 : i32
    %scan3A_4 = arith.constant 10 : i32
    %scan3A_5 = arith.addi %scan3A_3, %scan3A_4 : i32
    %scan3A_6 = arith.constant 1 : i32
    %scan3A_7 = scf.for %scan3A_9 = %scan3A_3 to %scan3A_5 step %scan3A_6 iter_args(%scan3A_10 = %scan3A) -> (i32)  : i32 {
      %mul3A_11 = arith.constant 2048 : i32
      %mul3A_12 = arith.muli %scan3A_9, %mul3A_11 : i32
      %add3A_13 = arith.addi %mul3A_2, %mul3A_12 : i32
      %multiple_of3A = tpu.assume_multiple %add3A_13, 2048 : i32
      %jit3A = arith.constant 128 : i32
      %div3A = arith.divsi %multiple_of3A, %jit3A : i32
      %sign3A = arith.constant 0 : i32
      %sign3A_14 = arith.cmpi sgt, %multiple_of3A, %sign3A : i32
      %sign3A_15 = arith.extui %sign3A_14 : i1 to i32
      %sign3A_16 = arith.constant 0 : i32
      %sign3A_17 = arith.cmpi slt, %multiple_of3A, %sign3A_16 : i32
      %sign3A_18 = arith.extui %sign3A_17 : i1 to i32
      %sign3A_19 = arith.subi %sign3A_15, %sign3A_18 : i32
      %sign3A_20 = arith.constant 0 : i32
      %sign3A_21 = arith.cmpi sgt, %jit3A, %sign3A_20 : i32
      %sign3A_22 = arith.extui %sign3A_21 : i1 to i32
      %sign3A_23 = arith.constant 0 : i32
      %sign3A_24 = arith.cmpi slt, %jit3A, %sign3A_23 : i32
      %sign3A_25 = arith.extui %sign3A_24 : i1 to i32
      %sign3A_26 = arith.subi %sign3A_22, %sign3A_25 : i32
      %ne3A = arith.cmpi ne, %sign3A_19, %sign3A_26 : i32
      %rem3A = arith.remsi %multiple_of3A, %jit3A : i32
      %ne3A_27 = arith.constant 0 : i32
      %ne3A_28 = arith.cmpi ne, %rem3A, %ne3A_27 : i32
      %and3A = arith.andi %ne3A, %ne3A_28 : i1
      %sub3A = arith.constant 1 : i32
      %sub3A_29 = arith.subi %div3A, %sub3A : i32
      %select_n3A = arith.select %and3A, %sub3A_29, %div3A : i32
      %multiple_of3A_30 = tpu.assume_multiple %select_n3A, 16 : i32
      "tpu.region"() ({
        %run_scoped3A = tpu.sem_alloc : memref<!tpu.dma_semaphore, #tpu.memory_space<semaphore_mem>>
        %dma_start3A_374 = arith.constant 0 : i32
        %dma_start3A_375 = tpu.memref_slice %arg3[%multiple_of3A_30, %dma_start3A_374] : memref<5120x128xi32, #tpu.memory_space<hbm>> -> memref<16x128xi32, #tpu.memory_space<hbm>>
        %dma_start3A_376 = arith.constant 0 : i32
        %dma_start3A_377 = tpu.memref_slice %arg3[%multiple_of3A_30, %dma_start3A_376] : memref<5120x128xi32, #tpu.memory_space<hbm>> -> memref<16x128xi32, #tpu.memory_space<hbm>>
        tpu.enqueue_dma source(%dma_start3A_377 : memref<16x128xi32, #tpu.memory_space<hbm>>) target(%arg5 : memref<16x128xi32, #tpu.memory_space<vmem>>) target_semaphore(%run_scoped3A : memref<!tpu.dma_semaphore, #tpu.memory_space<semaphore_mem>>)
        %dma_wait3A_378 = arith.constant 0 : i32
        %dma_wait3A_379 = tpu.memref_slice %arg3[%multiple_of3A_30, %dma_wait3A_378] : memref<5120x128xi32, #tpu.memory_space<hbm>> -> memref<16x128xi32, #tpu.memory_space<hbm>>
        %dma_wait3A_380 = arith.constant 0 : i32
        %dma_wait3A_381 = tpu.memref_slice %arg3[%multiple_of3A_30, %dma_wait3A_380] : memref<5120x128xi32, #tpu.memory_space<hbm>> -> memref<16x128xi32, #tpu.memory_space<hbm>>
        tpu.wait_dma2 semaphore(%run_scoped3A : memref<!tpu.dma_semaphore, #tpu.memory_space<semaphore_mem>>) src(%dma_wait3A_381 : memref<16x128xi32, #tpu.memory_space<hbm>>) dst(%arg5 : memref<16x128xi32, #tpu.memory_space<vmem>>)
        tpu.yield
      }) : () -> ()
      %dma_start3A = arith.constant 0 : i32
      %dma_start3A_31 = arith.constant 0 : i32
      %dma_start3A_32 = arith.constant 0 : i32
      %dma_start3A_33 = tpu.memref_slice %arg6[%dma_start3A_31, %dma_start3A_32] : memref<256x128xf32, #tpu.memory_space<vmem>> -> memref<128x128xf32, #tpu.memory_space<vmem>>
      %dma_start3A_34 = arith.constant 0 : i32
      %dma_start3A_35 = tpu.memref_slice %arg5[%dma_start3A, %dma_start3A_34] : memref<16x128xi32, #tpu.memory_space<vmem>> -> memref<1x128xi32, #tpu.memory_space<vmem>>
      %dma_start3A_36 = tpu.memref_squeeze %dma_start3A_35 : memref<1x128xi32, #tpu.memory_space<vmem>> -> memref<128xi32, #tpu.memory_space<vmem>>
      %dma_start3A_37 = arith.constant 0 : i32
      %dma_start3A_38 = arith.constant 0 : i32
      %dma_start3A_39 = tpu.memref_slice %arg2[%dma_start3A_37, %dma_start3A_38] : memref<5120x128xf32, #tpu.memory_space<hbm>> -> memref<5120x128xf32, #tpu.memory_space<hbm>>
      tpu.enqueue_indirect_dma source(%dma_start3A_39 : memref<5120x128xf32, #tpu.memory_space<hbm>>) target(%dma_start3A_33 : memref<128x128xf32, #tpu.memory_space<vmem>>) offsets(%dma_start3A_36 : memref<128xi32, #tpu.memory_space<vmem>>) semaphore(%arg8 : memref<!tpu.dma_semaphore, #tpu.memory_space<semaphore_mem>>)
      %dma_start3A_40 = arith.constant 1 : i32
      %dma_start3A_41 = arith.constant 128 : i32
      %dma_start3A_42 = arith.constant 0 : i32
      %dma_start3A_43 = tpu.memref_slice %arg6[%dma_start3A_41, %dma_start3A_42] : memref<256x128xf32, #tpu.memory_space<vmem>> -> memref<128x128xf32, #tpu.memory_space<vmem>>
      %dma_start3A_44 = arith.constant 0 : i32
      %dma_start3A_45 = tpu.memref_slice %arg5[%dma_start3A_40, %dma_start3A_44] : memref<16x128xi32, #tpu.memory_space<vmem>> -> memref<1x128xi32, #tpu.memory_space<vmem>>
      %dma_start3A_46 = tpu.memref_squeeze %dma_start3A_45 : memref<1x128xi32, #tpu.memory_space<vmem>> -> memref<128xi32, #tpu.memory_space<vmem>>
      %dma_start3A_47 = arith.constant 0 : i32
      %dma_start3A_48 = arith.constant 0 : i32
      %dma_start3A_49 = tpu.memref_slice %arg2[%dma_start3A_47, %dma_start3A_48] : memref<5120x128xf32, #tpu.memory_space<hbm>> -> memref<5120x128xf32, #tpu.memory_space<hbm>>
      tpu.enqueue_indirect_dma source(%dma_start3A_49 : memref<5120x128xf32, #tpu.memory_space<hbm>>) target(%dma_start3A_43 : memref<128x128xf32, #tpu.memory_space<vmem>>) offsets(%dma_start3A_46 : memref<128xi32, #tpu.memory_space<vmem>>) semaphore(%arg8 : memref<!tpu.dma_semaphore, #tpu.memory_space<semaphore_mem>>)
      %dma_start3A_50 = arith.constant 2 : i32
      %dma_start3A_51 = arith.constant 0 : i32
      %dma_start3A_52 = arith.constant 0 : i32
      %dma_start3A_53 = tpu.memref_slice %arg7[%dma_start3A_51, %dma_start3A_52] : memref<256x128xf32, #tpu.memory_space<vmem>> -> memref<128x128xf32, #tpu.memory_space<vmem>>
      %dma_start3A_54 = arith.constant 0 : i32
      %dma_start3A_55 = tpu.memref_slice %arg5[%dma_start3A_50, %dma_start3A_54] : memref<16x128xi32, #tpu.memory_space<vmem>> -> memref<1x128xi32, #tpu.memory_space<vmem>>
      %dma_start3A_56 = tpu.memref_squeeze %dma_start3A_55 : memref<1x128xi32, #tpu.memory_space<vmem>> -> memref<128xi32, #tpu.memory_space<vmem>>
      %dma_start3A_57 = arith.constant 0 : i32
      %dma_start3A_58 = arith.constant 0 : i32
      %dma_start3A_59 = tpu.memref_slice %arg2[%dma_start3A_57, %dma_start3A_58] : memref<5120x128xf32, #tpu.memory_space<hbm>> -> memref<5120x128xf32, #tpu.memory_space<hbm>>
      tpu.enqueue_indirect_dma source(%dma_start3A_59 : memref<5120x128xf32, #tpu.memory_space<hbm>>) target(%dma_start3A_53 : memref<128x128xf32, #tpu.memory_space<vmem>>) offsets(%dma_start3A_56 : memref<128xi32, #tpu.memory_space<vmem>>) semaphore(%arg9 : memref<!tpu.dma_semaphore, #tpu.memory_space<semaphore_mem>>)
      %dma_start3A_60 = arith.constant 3 : i32
      %dma_start3A_61 = arith.constant 128 : i32
      %dma_start3A_62 = arith.constant 0 : i32
      %dma_start3A_63 = tpu.memref_slice %arg7[%dma_start3A_61, %dma_start3A_62] : memref<256x128xf32, #tpu.memory_space<vmem>> -> memref<128x128xf32, #tpu.memory_space<vmem>>
      %dma_start3A_64 = arith.constant 0 : i32
      %dma_start3A_65 = tpu.memref_slice %arg5[%dma_start3A_60, %dma_start3A_64] : memref<16x128xi32, #tpu.memory_space<vmem>> -> memref<1x128xi32, #tpu.memory_space<vmem>>
      %dma_start3A_66 = tpu.memref_squeeze %dma_start3A_65 : memref<1x128xi32, #tpu.memory_space<vmem>> -> memref<128xi32, #tpu.memory_space<vmem>>
      %dma_start3A_67 = arith.constant 0 : i32
      %dma_start3A_68 = arith.constant 0 : i32
      %dma_start3A_69 = tpu.memref_slice %arg2[%dma_start3A_67, %dma_start3A_68] : memref<5120x128xf32, #tpu.memory_space<hbm>> -> memref<5120x128xf32, #tpu.memory_space<hbm>>
      tpu.enqueue_indirect_dma source(%dma_start3A_69 : memref<5120x128xf32, #tpu.memory_space<hbm>>) target(%dma_start3A_63 : memref<128x128xf32, #tpu.memory_space<vmem>>) offsets(%dma_start3A_66 : memref<128xi32, #tpu.memory_space<vmem>>) semaphore(%arg9 : memref<!tpu.dma_semaphore, #tpu.memory_space<semaphore_mem>>)
      %dma_wait3A = arith.constant 0 : i32
      %dma_wait3A_70 = arith.constant 0 : i32
      %dma_wait3A_71 = arith.constant 0 : i32
      %dma_wait3A_72 = tpu.memref_slice %arg6[%dma_wait3A_70, %dma_wait3A_71] : memref<256x128xf32, #tpu.memory_space<vmem>> -> memref<128x128xf32, #tpu.memory_space<vmem>>
      %dma_wait3A_73 = arith.constant 0 : i32
      %dma_wait3A_74 = tpu.memref_slice %arg5[%dma_wait3A, %dma_wait3A_73] : memref<16x128xi32, #tpu.memory_space<vmem>> -> memref<1x128xi32, #tpu.memory_space<vmem>>
      %dma_wait3A_75 = tpu.memref_squeeze %dma_wait3A_74 : memref<1x128xi32, #tpu.memory_space<vmem>> -> memref<128xi32, #tpu.memory_space<vmem>>
      %dma_wait3A_76 = arith.constant 0 : i32
      %dma_wait3A_77 = arith.constant 0 : i32
      %dma_wait3A_78 = tpu.memref_slice %arg2[%dma_wait3A_76, %dma_wait3A_77] : memref<5120x128xf32, #tpu.memory_space<hbm>> -> memref<5120x128xf32, #tpu.memory_space<hbm>>
      tpu.wait_indirect_dma semaphore(%arg8 : memref<!tpu.dma_semaphore, #tpu.memory_space<semaphore_mem>>) src(%dma_wait3A_78 : memref<5120x128xf32, #tpu.memory_space<hbm>>) dst(%dma_wait3A_72 : memref<128x128xf32, #tpu.memory_space<vmem>>)
      %dma_wait3A_79 = arith.constant 1 : i32
      %dma_wait3A_80 = arith.constant 128 : i32
      %dma_wait3A_81 = arith.constant 0 : i32
      %dma_wait3A_82 = tpu.memref_slice %arg6[%dma_wait3A_80, %dma_wait3A_81] : memref<256x128xf32, #tpu.memory_space<vmem>> -> memref<128x128xf32, #tpu.memory_space<vmem>>
      %dma_wait3A_83 = arith.constant 0 : i32
      %dma_wait3A_84 = tpu.memref_slice %arg5[%dma_wait3A_79, %dma_wait3A_83] : memref<16x128xi32, #tpu.memory_space<vmem>> -> memref<1x128xi32, #tpu.memory_space<vmem>>
      %dma_wait3A_85 = tpu.memref_squeeze %dma_wait3A_84 : memref<1x128xi32, #tpu.memory_space<vmem>> -> memref<128xi32, #tpu.memory_space<vmem>>
      %dma_wait3A_86 = arith.constant 0 : i32
      %dma_wait3A_87 = arith.constant 0 : i32
      %dma_wait3A_88 = tpu.memref_slice %arg2[%dma_wait3A_86, %dma_wait3A_87] : memref<5120x128xf32, #tpu.memory_space<hbm>> -> memref<5120x128xf32, #tpu.memory_space<hbm>>
      tpu.wait_indirect_dma semaphore(%arg8 : memref<!tpu.dma_semaphore, #tpu.memory_space<semaphore_mem>>) src(%dma_wait3A_88 : memref<5120x128xf32, #tpu.memory_space<hbm>>) dst(%dma_wait3A_82 : memref<128x128xf32, #tpu.memory_space<vmem>>)
      %add3A_89 = arith.constant 0 : i32
      %add3A_90 = arith.addi %multiple_of3A, %add3A_89 : i32
      %multiple_of3A_91 = tpu.assume_multiple %add3A_90, 256 : i32
      "tpu.region"() ({
        %run_scoped3A = tpu.sem_alloc : memref<!tpu.dma_semaphore, #tpu.memory_space<semaphore_mem>>
        %dma_start3A_374 = arith.constant 0 : i32
        %dma_start3A_375 = tpu.memref_slice %arg4[%multiple_of3A_91, %dma_start3A_374] : memref<655360x128xf32, #tpu.memory_space<hbm>> -> memref<256x128xf32, #tpu.memory_space<hbm>>
        %dma_start3A_376 = arith.constant 0 : i32
        %dma_start3A_377 = tpu.memref_slice %arg4[%multiple_of3A_91, %dma_start3A_376] : memref<655360x128xf32, #tpu.memory_space<hbm>> -> memref<256x128xf32, #tpu.memory_space<hbm>>
        tpu.enqueue_dma source(%arg6 : memref<256x128xf32, #tpu.memory_space<vmem>>) target(%dma_start3A_377 : memref<256x128xf32, #tpu.memory_space<hbm>>) target_semaphore(%run_scoped3A : memref<!tpu.dma_semaphore, #tpu.memory_space<semaphore_mem>>)
        %dma_wait3A_378 = arith.constant 0 : i32
        %dma_wait3A_379 = tpu.memref_slice %arg4[%multiple_of3A_91, %dma_wait3A_378] : memref<655360x128xf32, #tpu.memory_space<hbm>> -> memref<256x128xf32, #tpu.memory_space<hbm>>
        %dma_wait3A_380 = arith.constant 0 : i32
        %dma_wait3A_381 = tpu.memref_slice %arg4[%multiple_of3A_91, %dma_wait3A_380] : memref<655360x128xf32, #tpu.memory_space<hbm>> -> memref<256x128xf32, #tpu.memory_space<hbm>>
        tpu.wait_dma2 semaphore(%run_scoped3A : memref<!tpu.dma_semaphore, #tpu.memory_space<semaphore_mem>>) src(%arg6 : memref<256x128xf32, #tpu.memory_space<vmem>>) dst(%dma_wait3A_381 : memref<256x128xf32, #tpu.memory_space<hbm>>)
        tpu.yield
      }) : () -> ()
      %dma_start3A_92 = arith.constant 4 : i32
      %dma_start3A_93 = arith.constant 0 : i32
      %dma_start3A_94 = arith.constant 0 : i32
      %dma_start3A_95 = tpu.memref_slice %arg6[%dma_start3A_93, %dma_start3A_94] : memref<256x128xf32, #tpu.memory_space<vmem>> -> memref<128x128xf32, #tpu.memory_space<vmem>>
      %dma_start3A_96 = arith.constant 0 : i32
      %dma_start3A_97 = tpu.memref_slice %arg5[%dma_start3A_92, %dma_start3A_96] : memref<16x128xi32, #tpu.memory_space<vmem>> -> memref<1x128xi32, #tpu.memory_space<vmem>>
      %dma_start3A_98 = tpu.memref_squeeze %dma_start3A_97 : memref<1x128xi32, #tpu.memory_space<vmem>> -> memref<128xi32, #tpu.memory_space<vmem>>
      %dma_start3A_99 = arith.constant 0 : i32
      %dma_start3A_100 = arith.constant 0 : i32
      %dma_start3A_101 = tpu.memref_slice %arg2[%dma_start3A_99, %dma_start3A_100] : memref<5120x128xf32, #tpu.memory_space<hbm>> -> memref<5120x128xf32, #tpu.memory_space<hbm>>
      tpu.enqueue_indirect_dma source(%dma_start3A_101 : memref<5120x128xf32, #tpu.memory_space<hbm>>) target(%dma_start3A_95 : memref<128x128xf32, #tpu.memory_space<vmem>>) offsets(%dma_start3A_98 : memref<128xi32, #tpu.memory_space<vmem>>) semaphore(%arg8 : memref<!tpu.dma_semaphore, #tpu.memory_space<semaphore_mem>>)
      %dma_start3A_102 = arith.constant 5 : i32
      %dma_start3A_103 = arith.constant 128 : i32
      %dma_start3A_104 = arith.constant 0 : i32
      %dma_start3A_105 = tpu.memref_slice %arg6[%dma_start3A_103, %dma_start3A_104] : memref<256x128xf32, #tpu.memory_space<vmem>> -> memref<128x128xf32, #tpu.memory_space<vmem>>
      %dma_start3A_106 = arith.constant 0 : i32
      %dma_start3A_107 = tpu.memref_slice %arg5[%dma_start3A_102, %dma_start3A_106] : memref<16x128xi32, #tpu.memory_space<vmem>> -> memref<1x128xi32, #tpu.memory_space<vmem>>
      %dma_start3A_108 = tpu.memref_squeeze %dma_start3A_107 : memref<1x128xi32, #tpu.memory_space<vmem>> -> memref<128xi32, #tpu.memory_space<vmem>>
      %dma_start3A_109 = arith.constant 0 : i32
      %dma_start3A_110 = arith.constant 0 : i32
      %dma_start3A_111 = tpu.memref_slice %arg2[%dma_start3A_109, %dma_start3A_110] : memref<5120x128xf32, #tpu.memory_space<hbm>> -> memref<5120x128xf32, #tpu.memory_space<hbm>>
      tpu.enqueue_indirect_dma source(%dma_start3A_111 : memref<5120x128xf32, #tpu.memory_space<hbm>>) target(%dma_start3A_105 : memref<128x128xf32, #tpu.memory_space<vmem>>) offsets(%dma_start3A_108 : memref<128xi32, #tpu.memory_space<vmem>>) semaphore(%arg8 : memref<!tpu.dma_semaphore, #tpu.memory_space<semaphore_mem>>)
      %dma_wait3A_112 = arith.constant 2 : i32
      %dma_wait3A_113 = arith.constant 0 : i32
      %dma_wait3A_114 = arith.constant 0 : i32
      %dma_wait3A_115 = tpu.memref_slice %arg7[%dma_wait3A_113, %dma_wait3A_114] : memref<256x128xf32, #tpu.memory_space<vmem>> -> memref<128x128xf32, #tpu.memory_space<vmem>>
      %dma_wait3A_116 = arith.constant 0 : i32
      %dma_wait3A_117 = tpu.memref_slice %arg5[%dma_wait3A_112, %dma_wait3A_116] : memref<16x128xi32, #tpu.memory_space<vmem>> -> memref<1x128xi32, #tpu.memory_space<vmem>>
      %dma_wait3A_118 = tpu.memref_squeeze %dma_wait3A_117 : memref<1x128xi32, #tpu.memory_space<vmem>> -> memref<128xi32, #tpu.memory_space<vmem>>
      %dma_wait3A_119 = arith.constant 0 : i32
      %dma_wait3A_120 = arith.constant 0 : i32
      %dma_wait3A_121 = tpu.memref_slice %arg2[%dma_wait3A_119, %dma_wait3A_120] : memref<5120x128xf32, #tpu.memory_space<hbm>> -> memref<5120x128xf32, #tpu.memory_space<hbm>>
      tpu.wait_indirect_dma semaphore(%arg9 : memref<!tpu.dma_semaphore, #tpu.memory_space<semaphore_mem>>) src(%dma_wait3A_121 : memref<5120x128xf32, #tpu.memory_space<hbm>>) dst(%dma_wait3A_115 : memref<128x128xf32, #tpu.memory_space<vmem>>)
      %dma_wait3A_122 = arith.constant 3 : i32
      %dma_wait3A_123 = arith.constant 128 : i32
      %dma_wait3A_124 = arith.constant 0 : i32
      %dma_wait3A_125 = tpu.memref_slice %arg7[%dma_wait3A_123, %dma_wait3A_124] : memref<256x128xf32, #tpu.memory_space<vmem>> -> memref<128x128xf32, #tpu.memory_space<vmem>>
      %dma_wait3A_126 = arith.constant 0 : i32
      %dma_wait3A_127 = tpu.memref_slice %arg5[%dma_wait3A_122, %dma_wait3A_126] : memref<16x128xi32, #tpu.memory_space<vmem>> -> memref<1x128xi32, #tpu.memory_space<vmem>>
      %dma_wait3A_128 = tpu.memref_squeeze %dma_wait3A_127 : memref<1x128xi32, #tpu.memory_space<vmem>> -> memref<128xi32, #tpu.memory_space<vmem>>
      %dma_wait3A_129 = arith.constant 0 : i32
      %dma_wait3A_130 = arith.constant 0 : i32
      %dma_wait3A_131 = tpu.memref_slice %arg2[%dma_wait3A_129, %dma_wait3A_130] : memref<5120x128xf32, #tpu.memory_space<hbm>> -> memref<5120x128xf32, #tpu.memory_space<hbm>>
      tpu.wait_indirect_dma semaphore(%arg9 : memref<!tpu.dma_semaphore, #tpu.memory_space<semaphore_mem>>) src(%dma_wait3A_131 : memref<5120x128xf32, #tpu.memory_space<hbm>>) dst(%dma_wait3A_125 : memref<128x128xf32, #tpu.memory_space<vmem>>)
      %add3A_132 = arith.constant 256 : i32
      %add3A_133 = arith.addi %multiple_of3A, %add3A_132 : i32
      %multiple_of3A_134 = tpu.assume_multiple %add3A_133, 256 : i32
      "tpu.region"() ({
        %run_scoped3A = tpu.sem_alloc : memref<!tpu.dma_semaphore, #tpu.memory_space<semaphore_mem>>
        %dma_start3A_374 = arith.constant 0 : i32
        %dma_start3A_375 = tpu.memref_slice %arg4[%multiple_of3A_134, %dma_start3A_374] : memref<655360x128xf32, #tpu.memory_space<hbm>> -> memref<256x128xf32, #tpu.memory_space<hbm>>
        %dma_start3A_376 = arith.constant 0 : i32
        %dma_start3A_377 = tpu.memref_slice %arg4[%multiple_of3A_134, %dma_start3A_376] : memref<655360x128xf32, #tpu.memory_space<hbm>> -> memref<256x128xf32, #tpu.memory_space<hbm>>
        tpu.enqueue_dma source(%arg7 : memref<256x128xf32, #tpu.memory_space<vmem>>) target(%dma_start3A_377 : memref<256x128xf32, #tpu.memory_space<hbm>>) target_semaphore(%run_scoped3A : memref<!tpu.dma_semaphore, #tpu.memory_space<semaphore_mem>>)
        %dma_wait3A_378 = arith.constant 0 : i32
        %dma_wait3A_379 = tpu.memref_slice %arg4[%multiple_of3A_134, %dma_wait3A_378] : memref<655360x128xf32, #tpu.memory_space<hbm>> -> memref<256x128xf32, #tpu.memory_space<hbm>>
        %dma_wait3A_380 = arith.constant 0 : i32
        %dma_wait3A_381 = tpu.memref_slice %arg4[%multiple_of3A_134, %dma_wait3A_380] : memref<655360x128xf32, #tpu.memory_space<hbm>> -> memref<256x128xf32, #tpu.memory_space<hbm>>
        tpu.wait_dma2 semaphore(%run_scoped3A : memref<!tpu.dma_semaphore, #tpu.memory_space<semaphore_mem>>) src(%arg7 : memref<256x128xf32, #tpu.memory_space<vmem>>) dst(%dma_wait3A_381 : memref<256x128xf32, #tpu.memory_space<hbm>>)
        tpu.yield
      }) : () -> ()
      %dma_start3A_135 = arith.constant 6 : i32
      %dma_start3A_136 = arith.constant 0 : i32
      %dma_start3A_137 = arith.constant 0 : i32
      %dma_start3A_138 = tpu.memref_slice %arg7[%dma_start3A_136, %dma_start3A_137] : memref<256x128xf32, #tpu.memory_space<vmem>> -> memref<128x128xf32, #tpu.memory_space<vmem>>
      %dma_start3A_139 = arith.constant 0 : i32
      %dma_start3A_140 = tpu.memref_slice %arg5[%dma_start3A_135, %dma_start3A_139] : memref<16x128xi32, #tpu.memory_space<vmem>> -> memref<1x128xi32, #tpu.memory_space<vmem>>
      %dma_start3A_141 = tpu.memref_squeeze %dma_start3A_140 : memref<1x128xi32, #tpu.memory_space<vmem>> -> memref<128xi32, #tpu.memory_space<vmem>>
      %dma_start3A_142 = arith.constant 0 : i32
      %dma_start3A_143 = arith.constant 0 : i32
      %dma_start3A_144 = tpu.memref_slice %arg2[%dma_start3A_142, %dma_start3A_143] : memref<5120x128xf32, #tpu.memory_space<hbm>> -> memref<5120x128xf32, #tpu.memory_space<hbm>>
      tpu.enqueue_indirect_dma source(%dma_start3A_144 : memref<5120x128xf32, #tpu.memory_space<hbm>>) target(%dma_start3A_138 : memref<128x128xf32, #tpu.memory_space<vmem>>) offsets(%dma_start3A_141 : memref<128xi32, #tpu.memory_space<vmem>>) semaphore(%arg9 : memref<!tpu.dma_semaphore, #tpu.memory_space<semaphore_mem>>)
      %dma_start3A_145 = arith.constant 7 : i32
      %dma_start3A_146 = arith.constant 128 : i32
      %dma_start3A_147 = arith.constant 0 : i32
      %dma_start3A_148 = tpu.memref_slice %arg7[%dma_start3A_146, %dma_start3A_147] : memref<256x128xf32, #tpu.memory_space<vmem>> -> memref<128x128xf32, #tpu.memory_space<vmem>>
      %dma_start3A_149 = arith.constant 0 : i32
      %dma_start3A_150 = tpu.memref_slice %arg5[%dma_start3A_145, %dma_start3A_149] : memref<16x128xi32, #tpu.memory_space<vmem>> -> memref<1x128xi32, #tpu.memory_space<vmem>>
      %dma_start3A_151 = tpu.memref_squeeze %dma_start3A_150 : memref<1x128xi32, #tpu.memory_space<vmem>> -> memref<128xi32, #tpu.memory_space<vmem>>
      %dma_start3A_152 = arith.constant 0 : i32
      %dma_start3A_153 = arith.constant 0 : i32
      %dma_start3A_154 = tpu.memref_slice %arg2[%dma_start3A_152, %dma_start3A_153] : memref<5120x128xf32, #tpu.memory_space<hbm>> -> memref<5120x128xf32, #tpu.memory_space<hbm>>
      tpu.enqueue_indirect_dma source(%dma_start3A_154 : memref<5120x128xf32, #tpu.memory_space<hbm>>) target(%dma_start3A_148 : memref<128x128xf32, #tpu.memory_space<vmem>>) offsets(%dma_start3A_151 : memref<128xi32, #tpu.memory_space<vmem>>) semaphore(%arg9 : memref<!tpu.dma_semaphore, #tpu.memory_space<semaphore_mem>>)
      %dma_wait3A_155 = arith.constant 4 : i32
      %dma_wait3A_156 = arith.constant 0 : i32
      %dma_wait3A_157 = arith.constant 0 : i32
      %dma_wait3A_158 = tpu.memref_slice %arg6[%dma_wait3A_156, %dma_wait3A_157] : memref<256x128xf32, #tpu.memory_space<vmem>> -> memref<128x128xf32, #tpu.memory_space<vmem>>
      %dma_wait3A_159 = arith.constant 0 : i32
      %dma_wait3A_160 = tpu.memref_slice %arg5[%dma_wait3A_155, %dma_wait3A_159] : memref<16x128xi32, #tpu.memory_space<vmem>> -> memref<1x128xi32, #tpu.memory_space<vmem>>
      %dma_wait3A_161 = tpu.memref_squeeze %dma_wait3A_160 : memref<1x128xi32, #tpu.memory_space<vmem>> -> memref<128xi32, #tpu.memory_space<vmem>>
      %dma_wait3A_162 = arith.constant 0 : i32
      %dma_wait3A_163 = arith.constant 0 : i32
      %dma_wait3A_164 = tpu.memref_slice %arg2[%dma_wait3A_162, %dma_wait3A_163] : memref<5120x128xf32, #tpu.memory_space<hbm>> -> memref<5120x128xf32, #tpu.memory_space<hbm>>
      tpu.wait_indirect_dma semaphore(%arg8 : memref<!tpu.dma_semaphore, #tpu.memory_space<semaphore_mem>>) src(%dma_wait3A_164 : memref<5120x128xf32, #tpu.memory_space<hbm>>) dst(%dma_wait3A_158 : memref<128x128xf32, #tpu.memory_space<vmem>>)
      %dma_wait3A_165 = arith.constant 5 : i32
      %dma_wait3A_166 = arith.constant 128 : i32
      %dma_wait3A_167 = arith.constant 0 : i32
      %dma_wait3A_168 = tpu.memref_slice %arg6[%dma_wait3A_166, %dma_wait3A_167] : memref<256x128xf32, #tpu.memory_space<vmem>> -> memref<128x128xf32, #tpu.memory_space<vmem>>
      %dma_wait3A_169 = arith.constant 0 : i32
      %dma_wait3A_170 = tpu.memref_slice %arg5[%dma_wait3A_165, %dma_wait3A_169] : memref<16x128xi32, #tpu.memory_space<vmem>> -> memref<1x128xi32, #tpu.memory_space<vmem>>
      %dma_wait3A_171 = tpu.memref_squeeze %dma_wait3A_170 : memref<1x128xi32, #tpu.memory_space<vmem>> -> memref<128xi32, #tpu.memory_space<vmem>>
      %dma_wait3A_172 = arith.constant 0 : i32
      %dma_wait3A_173 = arith.constant 0 : i32
      %dma_wait3A_174 = tpu.memref_slice %arg2[%dma_wait3A_172, %dma_wait3A_173] : memref<5120x128xf32, #tpu.memory_space<hbm>> -> memref<5120x128xf32, #tpu.memory_space<hbm>>
      tpu.wait_indirect_dma semaphore(%arg8 : memref<!tpu.dma_semaphore, #tpu.memory_space<semaphore_mem>>) src(%dma_wait3A_174 : memref<5120x128xf32, #tpu.memory_space<hbm>>) dst(%dma_wait3A_168 : memref<128x128xf32, #tpu.memory_space<vmem>>)
      %add3A_175 = arith.constant 512 : i32
      %add3A_176 = arith.addi %multiple_of3A, %add3A_175 : i32
      %multiple_of3A_177 = tpu.assume_multiple %add3A_176, 256 : i32
      "tpu.region"() ({
        %run_scoped3A = tpu.sem_alloc : memref<!tpu.dma_semaphore, #tpu.memory_space<semaphore_mem>>
        %dma_start3A_374 = arith.constant 0 : i32
        %dma_start3A_375 = tpu.memref_slice %arg4[%multiple_of3A_177, %dma_start3A_374] : memref<655360x128xf32, #tpu.memory_space<hbm>> -> memref<256x128xf32, #tpu.memory_space<hbm>>
        %dma_start3A_376 = arith.constant 0 : i32
        %dma_start3A_377 = tpu.memref_slice %arg4[%multiple_of3A_177, %dma_start3A_376] : memref<655360x128xf32, #tpu.memory_space<hbm>> -> memref<256x128xf32, #tpu.memory_space<hbm>>
        tpu.enqueue_dma source(%arg6 : memref<256x128xf32, #tpu.memory_space<vmem>>) target(%dma_start3A_377 : memref<256x128xf32, #tpu.memory_space<hbm>>) target_semaphore(%run_scoped3A : memref<!tpu.dma_semaphore, #tpu.memory_space<semaphore_mem>>)
        %dma_wait3A_378 = arith.constant 0 : i32
        %dma_wait3A_379 = tpu.memref_slice %arg4[%multiple_of3A_177, %dma_wait3A_378] : memref<655360x128xf32, #tpu.memory_space<hbm>> -> memref<256x128xf32, #tpu.memory_space<hbm>>
        %dma_wait3A_380 = arith.constant 0 : i32
        %dma_wait3A_381 = tpu.memref_slice %arg4[%multiple_of3A_177, %dma_wait3A_380] : memref<655360x128xf32, #tpu.memory_space<hbm>> -> memref<256x128xf32, #tpu.memory_space<hbm>>
        tpu.wait_dma2 semaphore(%run_scoped3A : memref<!tpu.dma_semaphore, #tpu.memory_space<semaphore_mem>>) src(%arg6 : memref<256x128xf32, #tpu.memory_space<vmem>>) dst(%dma_wait3A_381 : memref<256x128xf32, #tpu.memory_space<hbm>>)
        tpu.yield
      }) : () -> ()
      %dma_start3A_178 = arith.constant 8 : i32
      %dma_start3A_179 = arith.constant 0 : i32
      %dma_start3A_180 = arith.constant 0 : i32
      %dma_start3A_181 = tpu.memref_slice %arg6[%dma_start3A_179, %dma_start3A_180] : memref<256x128xf32, #tpu.memory_space<vmem>> -> memref<128x128xf32, #tpu.memory_space<vmem>>
      %dma_start3A_182 = arith.constant 0 : i32
      %dma_start3A_183 = tpu.memref_slice %arg5[%dma_start3A_178, %dma_start3A_182] : memref<16x128xi32, #tpu.memory_space<vmem>> -> memref<1x128xi32, #tpu.memory_space<vmem>>
      %dma_start3A_184 = tpu.memref_squeeze %dma_start3A_183 : memref<1x128xi32, #tpu.memory_space<vmem>> -> memref<128xi32, #tpu.memory_space<vmem>>
      %dma_start3A_185 = arith.constant 0 : i32
      %dma_start3A_186 = arith.constant 0 : i32
      %dma_start3A_187 = tpu.memref_slice %arg2[%dma_start3A_185, %dma_start3A_186] : memref<5120x128xf32, #tpu.memory_space<hbm>> -> memref<5120x128xf32, #tpu.memory_space<hbm>>
      tpu.enqueue_indirect_dma source(%dma_start3A_187 : memref<5120x128xf32, #tpu.memory_space<hbm>>) target(%dma_start3A_181 : memref<128x128xf32, #tpu.memory_space<vmem>>) offsets(%dma_start3A_184 : memref<128xi32, #tpu.memory_space<vmem>>) semaphore(%arg8 : memref<!tpu.dma_semaphore, #tpu.memory_space<semaphore_mem>>)
      %dma_start3A_188 = arith.constant 9 : i32
      %dma_start3A_189 = arith.constant 128 : i32
      %dma_start3A_190 = arith.constant 0 : i32
      %dma_start3A_191 = tpu.memref_slice %arg6[%dma_start3A_189, %dma_start3A_190] : memref<256x128xf32, #tpu.memory_space<vmem>> -> memref<128x128xf32, #tpu.memory_space<vmem>>
      %dma_start3A_192 = arith.constant 0 : i32
      %dma_start3A_193 = tpu.memref_slice %arg5[%dma_start3A_188, %dma_start3A_192] : memref<16x128xi32, #tpu.memory_space<vmem>> -> memref<1x128xi32, #tpu.memory_space<vmem>>
      %dma_start3A_194 = tpu.memref_squeeze %dma_start3A_193 : memref<1x128xi32, #tpu.memory_space<vmem>> -> memref<128xi32, #tpu.memory_space<vmem>>
      %dma_start3A_195 = arith.constant 0 : i32
      %dma_start3A_196 = arith.constant 0 : i32
      %dma_start3A_197 = tpu.memref_slice %arg2[%dma_start3A_195, %dma_start3A_196] : memref<5120x128xf32, #tpu.memory_space<hbm>> -> memref<5120x128xf32, #tpu.memory_space<hbm>>
      tpu.enqueue_indirect_dma source(%dma_start3A_197 : memref<5120x128xf32, #tpu.memory_space<hbm>>) target(%dma_start3A_191 : memref<128x128xf32, #tpu.memory_space<vmem>>) offsets(%dma_start3A_194 : memref<128xi32, #tpu.memory_space<vmem>>) semaphore(%arg8 : memref<!tpu.dma_semaphore, #tpu.memory_space<semaphore_mem>>)
      %dma_wait3A_198 = arith.constant 6 : i32
      %dma_wait3A_199 = arith.constant 0 : i32
      %dma_wait3A_200 = arith.constant 0 : i32
      %dma_wait3A_201 = tpu.memref_slice %arg7[%dma_wait3A_199, %dma_wait3A_200] : memref<256x128xf32, #tpu.memory_space<vmem>> -> memref<128x128xf32, #tpu.memory_space<vmem>>
      %dma_wait3A_202 = arith.constant 0 : i32
      %dma_wait3A_203 = tpu.memref_slice %arg5[%dma_wait3A_198, %dma_wait3A_202] : memref<16x128xi32, #tpu.memory_space<vmem>> -> memref<1x128xi32, #tpu.memory_space<vmem>>
      %dma_wait3A_204 = tpu.memref_squeeze %dma_wait3A_203 : memref<1x128xi32, #tpu.memory_space<vmem>> -> memref<128xi32, #tpu.memory_space<vmem>>
      %dma_wait3A_205 = arith.constant 0 : i32
      %dma_wait3A_206 = arith.constant 0 : i32
      %dma_wait3A_207 = tpu.memref_slice %arg2[%dma_wait3A_205, %dma_wait3A_206] : memref<5120x128xf32, #tpu.memory_space<hbm>> -> memref<5120x128xf32, #tpu.memory_space<hbm>>
      tpu.wait_indirect_dma semaphore(%arg9 : memref<!tpu.dma_semaphore, #tpu.memory_space<semaphore_mem>>) src(%dma_wait3A_207 : memref<5120x128xf32, #tpu.memory_space<hbm>>) dst(%dma_wait3A_201 : memref<128x128xf32, #tpu.memory_space<vmem>>)
      %dma_wait3A_208 = arith.constant 7 : i32
      %dma_wait3A_209 = arith.constant 128 : i32
      %dma_wait3A_210 = arith.constant 0 : i32
      %dma_wait3A_211 = tpu.memref_slice %arg7[%dma_wait3A_209, %dma_wait3A_210] : memref<256x128xf32, #tpu.memory_space<vmem>> -> memref<128x128xf32, #tpu.memory_space<vmem>>
      %dma_wait3A_212 = arith.constant 0 : i32
      %dma_wait3A_213 = tpu.memref_slice %arg5[%dma_wait3A_208, %dma_wait3A_212] : memref<16x128xi32, #tpu.memory_space<vmem>> -> memref<1x128xi32, #tpu.memory_space<vmem>>
      %dma_wait3A_214 = tpu.memref_squeeze %dma_wait3A_213 : memref<1x128xi32, #tpu.memory_space<vmem>> -> memref<128xi32, #tpu.memory_space<vmem>>
      %dma_wait3A_215 = arith.constant 0 : i32
      %dma_wait3A_216 = arith.constant 0 : i32
      %dma_wait3A_217 = tpu.memref_slice %arg2[%dma_wait3A_215, %dma_wait3A_216] : memref<5120x128xf32, #tpu.memory_space<hbm>> -> memref<5120x128xf32, #tpu.memory_space<hbm>>
      tpu.wait_indirect_dma semaphore(%arg9 : memref<!tpu.dma_semaphore, #tpu.memory_space<semaphore_mem>>) src(%dma_wait3A_217 : memref<5120x128xf32, #tpu.memory_space<hbm>>) dst(%dma_wait3A_211 : memref<128x128xf32, #tpu.memory_space<vmem>>)
      %add3A_218 = arith.constant 768 : i32
      %add3A_219 = arith.addi %multiple_of3A, %add3A_218 : i32
      %multiple_of3A_220 = tpu.assume_multiple %add3A_219, 256 : i32
      "tpu.region"() ({
        %run_scoped3A = tpu.sem_alloc : memref<!tpu.dma_semaphore, #tpu.memory_space<semaphore_mem>>
        %dma_start3A_374 = arith.constant 0 : i32
        %dma_start3A_375 = tpu.memref_slice %arg4[%multiple_of3A_220, %dma_start3A_374] : memref<655360x128xf32, #tpu.memory_space<hbm>> -> memref<256x128xf32, #tpu.memory_space<hbm>>
        %dma_start3A_376 = arith.constant 0 : i32
        %dma_start3A_377 = tpu.memref_slice %arg4[%multiple_of3A_220, %dma_start3A_376] : memref<655360x128xf32, #tpu.memory_space<hbm>> -> memref<256x128xf32, #tpu.memory_space<hbm>>
        tpu.enqueue_dma source(%arg7 : memref<256x128xf32, #tpu.memory_space<vmem>>) target(%dma_start3A_377 : memref<256x128xf32, #tpu.memory_space<hbm>>) target_semaphore(%run_scoped3A : memref<!tpu.dma_semaphore, #tpu.memory_space<semaphore_mem>>)
        %dma_wait3A_378 = arith.constant 0 : i32
        %dma_wait3A_379 = tpu.memref_slice %arg4[%multiple_of3A_220, %dma_wait3A_378] : memref<655360x128xf32, #tpu.memory_space<hbm>> -> memref<256x128xf32, #tpu.memory_space<hbm>>
        %dma_wait3A_380 = arith.constant 0 : i32
        %dma_wait3A_381 = tpu.memref_slice %arg4[%multiple_of3A_220, %dma_wait3A_380] : memref<655360x128xf32, #tpu.memory_space<hbm>> -> memref<256x128xf32, #tpu.memory_space<hbm>>
        tpu.wait_dma2 semaphore(%run_scoped3A : memref<!tpu.dma_semaphore, #tpu.memory_space<semaphore_mem>>) src(%arg7 : memref<256x128xf32, #tpu.memory_space<vmem>>) dst(%dma_wait3A_381 : memref<256x128xf32, #tpu.memory_space<hbm>>)
        tpu.yield
      }) : () -> ()
      %dma_start3A_221 = arith.constant 10 : i32
      %dma_start3A_222 = arith.constant 0 : i32
      %dma_start3A_223 = arith.constant 0 : i32
      %dma_start3A_224 = tpu.memref_slice %arg7[%dma_start3A_222, %dma_start3A_223] : memref<256x128xf32, #tpu.memory_space<vmem>> -> memref<128x128xf32, #tpu.memory_space<vmem>>
      %dma_start3A_225 = arith.constant 0 : i32
      %dma_start3A_226 = tpu.memref_slice %arg5[%dma_start3A_221, %dma_start3A_225] : memref<16x128xi32, #tpu.memory_space<vmem>> -> memref<1x128xi32, #tpu.memory_space<vmem>>
      %dma_start3A_227 = tpu.memref_squeeze %dma_start3A_226 : memref<1x128xi32, #tpu.memory_space<vmem>> -> memref<128xi32, #tpu.memory_space<vmem>>
      %dma_start3A_228 = arith.constant 0 : i32
      %dma_start3A_229 = arith.constant 0 : i32
      %dma_start3A_230 = tpu.memref_slice %arg2[%dma_start3A_228, %dma_start3A_229] : memref<5120x128xf32, #tpu.memory_space<hbm>> -> memref<5120x128xf32, #tpu.memory_space<hbm>>
      tpu.enqueue_indirect_dma source(%dma_start3A_230 : memref<5120x128xf32, #tpu.memory_space<hbm>>) target(%dma_start3A_224 : memref<128x128xf32, #tpu.memory_space<vmem>>) offsets(%dma_start3A_227 : memref<128xi32, #tpu.memory_space<vmem>>) semaphore(%arg9 : memref<!tpu.dma_semaphore, #tpu.memory_space<semaphore_mem>>)
      %dma_start3A_231 = arith.constant 11 : i32
      %dma_start3A_232 = arith.constant 128 : i32
      %dma_start3A_233 = arith.constant 0 : i32
      %dma_start3A_234 = tpu.memref_slice %arg7[%dma_start3A_232, %dma_start3A_233] : memref<256x128xf32, #tpu.memory_space<vmem>> -> memref<128x128xf32, #tpu.memory_space<vmem>>
      %dma_start3A_235 = arith.constant 0 : i32
      %dma_start3A_236 = tpu.memref_slice %arg5[%dma_start3A_231, %dma_start3A_235] : memref<16x128xi32, #tpu.memory_space<vmem>> -> memref<1x128xi32, #tpu.memory_space<vmem>>
      %dma_start3A_237 = tpu.memref_squeeze %dma_start3A_236 : memref<1x128xi32, #tpu.memory_space<vmem>> -> memref<128xi32, #tpu.memory_space<vmem>>
      %dma_start3A_238 = arith.constant 0 : i32
      %dma_start3A_239 = arith.constant 0 : i32
      %dma_start3A_240 = tpu.memref_slice %arg2[%dma_start3A_238, %dma_start3A_239] : memref<5120x128xf32, #tpu.memory_space<hbm>> -> memref<5120x128xf32, #tpu.memory_space<hbm>>
      tpu.enqueue_indirect_dma source(%dma_start3A_240 : memref<5120x128xf32, #tpu.memory_space<hbm>>) target(%dma_start3A_234 : memref<128x128xf32, #tpu.memory_space<vmem>>) offsets(%dma_start3A_237 : memref<128xi32, #tpu.memory_space<vmem>>) semaphore(%arg9 : memref<!tpu.dma_semaphore, #tpu.memory_space<semaphore_mem>>)
      %dma_wait3A_241 = arith.constant 8 : i32
      %dma_wait3A_242 = arith.constant 0 : i32
      %dma_wait3A_243 = arith.constant 0 : i32
      %dma_wait3A_244 = tpu.memref_slice %arg6[%dma_wait3A_242, %dma_wait3A_243] : memref<256x128xf32, #tpu.memory_space<vmem>> -> memref<128x128xf32, #tpu.memory_space<vmem>>
      %dma_wait3A_245 = arith.constant 0 : i32
      %dma_wait3A_246 = tpu.memref_slice %arg5[%dma_wait3A_241, %dma_wait3A_245] : memref<16x128xi32, #tpu.memory_space<vmem>> -> memref<1x128xi32, #tpu.memory_space<vmem>>
      %dma_wait3A_247 = tpu.memref_squeeze %dma_wait3A_246 : memref<1x128xi32, #tpu.memory_space<vmem>> -> memref<128xi32, #tpu.memory_space<vmem>>
      %dma_wait3A_248 = arith.constant 0 : i32
      %dma_wait3A_249 = arith.constant 0 : i32
      %dma_wait3A_250 = tpu.memref_slice %arg2[%dma_wait3A_248, %dma_wait3A_249] : memref<5120x128xf32, #tpu.memory_space<hbm>> -> memref<5120x128xf32, #tpu.memory_space<hbm>>
      tpu.wait_indirect_dma semaphore(%arg8 : memref<!tpu.dma_semaphore, #tpu.memory_space<semaphore_mem>>) src(%dma_wait3A_250 : memref<5120x128xf32, #tpu.memory_space<hbm>>) dst(%dma_wait3A_244 : memref<128x128xf32, #tpu.memory_space<vmem>>)
      %dma_wait3A_251 = arith.constant 9 : i32
      %dma_wait3A_252 = arith.constant 128 : i32
      %dma_wait3A_253 = arith.constant 0 : i32
      %dma_wait3A_254 = tpu.memref_slice %arg6[%dma_wait3A_252, %dma_wait3A_253] : memref<256x128xf32, #tpu.memory_space<vmem>> -> memref<128x128xf32, #tpu.memory_space<vmem>>
      %dma_wait3A_255 = arith.constant 0 : i32
      %dma_wait3A_256 = tpu.memref_slice %arg5[%dma_wait3A_251, %dma_wait3A_255] : memref<16x128xi32, #tpu.memory_space<vmem>> -> memref<1x128xi32, #tpu.memory_space<vmem>>
      %dma_wait3A_257 = tpu.memref_squeeze %dma_wait3A_256 : memref<1x128xi32, #tpu.memory_space<vmem>> -> memref<128xi32, #tpu.memory_space<vmem>>
      %dma_wait3A_258 = arith.constant 0 : i32
      %dma_wait3A_259 = arith.constant 0 : i32
      %dma_wait3A_260 = tpu.memref_slice %arg2[%dma_wait3A_258, %dma_wait3A_259] : memref<5120x128xf32, #tpu.memory_space<hbm>> -> memref<5120x128xf32, #tpu.memory_space<hbm>>
      tpu.wait_indirect_dma semaphore(%arg8 : memref<!tpu.dma_semaphore, #tpu.memory_space<semaphore_mem>>) src(%dma_wait3A_260 : memref<5120x128xf32, #tpu.memory_space<hbm>>) dst(%dma_wait3A_254 : memref<128x128xf32, #tpu.memory_space<vmem>>)
      %add3A_261 = arith.constant 1024 : i32
      %add3A_262 = arith.addi %multiple_of3A, %add3A_261 : i32
      %multiple_of3A_263 = tpu.assume_multiple %add3A_262, 256 : i32
      "tpu.region"() ({
        %run_scoped3A = tpu.sem_alloc : memref<!tpu.dma_semaphore, #tpu.memory_space<semaphore_mem>>
        %dma_start3A_374 = arith.constant 0 : i32
        %dma_start3A_375 = tpu.memref_slice %arg4[%multiple_of3A_263, %dma_start3A_374] : memref<655360x128xf32, #tpu.memory_space<hbm>> -> memref<256x128xf32, #tpu.memory_space<hbm>>
        %dma_start3A_376 = arith.constant 0 : i32
        %dma_start3A_377 = tpu.memref_slice %arg4[%multiple_of3A_263, %dma_start3A_376] : memref<655360x128xf32, #tpu.memory_space<hbm>> -> memref<256x128xf32, #tpu.memory_space<hbm>>
        tpu.enqueue_dma source(%arg6 : memref<256x128xf32, #tpu.memory_space<vmem>>) target(%dma_start3A_377 : memref<256x128xf32, #tpu.memory_space<hbm>>) target_semaphore(%run_scoped3A : memref<!tpu.dma_semaphore, #tpu.memory_space<semaphore_mem>>)
        %dma_wait3A_378 = arith.constant 0 : i32
        %dma_wait3A_379 = tpu.memref_slice %arg4[%multiple_of3A_263, %dma_wait3A_378] : memref<655360x128xf32, #tpu.memory_space<hbm>> -> memref<256x128xf32, #tpu.memory_space<hbm>>
        %dma_wait3A_380 = arith.constant 0 : i32
        %dma_wait3A_381 = tpu.memref_slice %arg4[%multiple_of3A_263, %dma_wait3A_380] : memref<655360x128xf32, #tpu.memory_space<hbm>> -> memref<256x128xf32, #tpu.memory_space<hbm>>
        tpu.wait_dma2 semaphore(%run_scoped3A : memref<!tpu.dma_semaphore, #tpu.memory_space<semaphore_mem>>) src(%arg6 : memref<256x128xf32, #tpu.memory_space<vmem>>) dst(%dma_wait3A_381 : memref<256x128xf32, #tpu.memory_space<hbm>>)
        tpu.yield
      }) : () -> ()
      %dma_start3A_264 = arith.constant 12 : i32
      %dma_start3A_265 = arith.constant 0 : i32
      %dma_start3A_266 = arith.constant 0 : i32
      %dma_start3A_267 = tpu.memref_slice %arg6[%dma_start3A_265, %dma_start3A_266] : memref<256x128xf32, #tpu.memory_space<vmem>> -> memref<128x128xf32, #tpu.memory_space<vmem>>
      %dma_start3A_268 = arith.constant 0 : i32
      %dma_start3A_269 = tpu.memref_slice %arg5[%dma_start3A_264, %dma_start3A_268] : memref<16x128xi32, #tpu.memory_space<vmem>> -> memref<1x128xi32, #tpu.memory_space<vmem>>
      %dma_start3A_270 = tpu.memref_squeeze %dma_start3A_269 : memref<1x128xi32, #tpu.memory_space<vmem>> -> memref<128xi32, #tpu.memory_space<vmem>>
      %dma_start3A_271 = arith.constant 0 : i32
      %dma_start3A_272 = arith.constant 0 : i32
      %dma_start3A_273 = tpu.memref_slice %arg2[%dma_start3A_271, %dma_start3A_272] : memref<5120x128xf32, #tpu.memory_space<hbm>> -> memref<5120x128xf32, #tpu.memory_space<hbm>>
      tpu.enqueue_indirect_dma source(%dma_start3A_273 : memref<5120x128xf32, #tpu.memory_space<hbm>>) target(%dma_start3A_267 : memref<128x128xf32, #tpu.memory_space<vmem>>) offsets(%dma_start3A_270 : memref<128xi32, #tpu.memory_space<vmem>>) semaphore(%arg8 : memref<!tpu.dma_semaphore, #tpu.memory_space<semaphore_mem>>)
      %dma_start3A_274 = arith.constant 13 : i32
      %dma_start3A_275 = arith.constant 128 : i32
      %dma_start3A_276 = arith.constant 0 : i32
      %dma_start3A_277 = tpu.memref_slice %arg6[%dma_start3A_275, %dma_start3A_276] : memref<256x128xf32, #tpu.memory_space<vmem>> -> memref<128x128xf32, #tpu.memory_space<vmem>>
      %dma_start3A_278 = arith.constant 0 : i32
      %dma_start3A_279 = tpu.memref_slice %arg5[%dma_start3A_274, %dma_start3A_278] : memref<16x128xi32, #tpu.memory_space<vmem>> -> memref<1x128xi32, #tpu.memory_space<vmem>>
      %dma_start3A_280 = tpu.memref_squeeze %dma_start3A_279 : memref<1x128xi32, #tpu.memory_space<vmem>> -> memref<128xi32, #tpu.memory_space<vmem>>
      %dma_start3A_281 = arith.constant 0 : i32
      %dma_start3A_282 = arith.constant 0 : i32
      %dma_start3A_283 = tpu.memref_slice %arg2[%dma_start3A_281, %dma_start3A_282] : memref<5120x128xf32, #tpu.memory_space<hbm>> -> memref<5120x128xf32, #tpu.memory_space<hbm>>
      tpu.enqueue_indirect_dma source(%dma_start3A_283 : memref<5120x128xf32, #tpu.memory_space<hbm>>) target(%dma_start3A_277 : memref<128x128xf32, #tpu.memory_space<vmem>>) offsets(%dma_start3A_280 : memref<128xi32, #tpu.memory_space<vmem>>) semaphore(%arg8 : memref<!tpu.dma_semaphore, #tpu.memory_space<semaphore_mem>>)
      %dma_wait3A_284 = arith.constant 10 : i32
      %dma_wait3A_285 = arith.constant 0 : i32
      %dma_wait3A_286 = arith.constant 0 : i32
      %dma_wait3A_287 = tpu.memref_slice %arg7[%dma_wait3A_285, %dma_wait3A_286] : memref<256x128xf32, #tpu.memory_space<vmem>> -> memref<128x128xf32, #tpu.memory_space<vmem>>
      %dma_wait3A_288 = arith.constant 0 : i32
      %dma_wait3A_289 = tpu.memref_slice %arg5[%dma_wait3A_284, %dma_wait3A_288] : memref<16x128xi32, #tpu.memory_space<vmem>> -> memref<1x128xi32, #tpu.memory_space<vmem>>
      %dma_wait3A_290 = tpu.memref_squeeze %dma_wait3A_289 : memref<1x128xi32, #tpu.memory_space<vmem>> -> memref<128xi32, #tpu.memory_space<vmem>>
      %dma_wait3A_291 = arith.constant 0 : i32
      %dma_wait3A_292 = arith.constant 0 : i32
      %dma_wait3A_293 = tpu.memref_slice %arg2[%dma_wait3A_291, %dma_wait3A_292] : memref<5120x128xf32, #tpu.memory_space<hbm>> -> memref<5120x128xf32, #tpu.memory_space<hbm>>
      tpu.wait_indirect_dma semaphore(%arg9 : memref<!tpu.dma_semaphore, #tpu.memory_space<semaphore_mem>>) src(%dma_wait3A_293 : memref<5120x128xf32, #tpu.memory_space<hbm>>) dst(%dma_wait3A_287 : memref<128x128xf32, #tpu.memory_space<vmem>>)
      %dma_wait3A_294 = arith.constant 11 : i32
      %dma_wait3A_295 = arith.constant 128 : i32
      %dma_wait3A_296 = arith.constant 0 : i32
      %dma_wait3A_297 = tpu.memref_slice %arg7[%dma_wait3A_295, %dma_wait3A_296] : memref<256x128xf32, #tpu.memory_space<vmem>> -> memref<128x128xf32, #tpu.memory_space<vmem>>
      %dma_wait3A_298 = arith.constant 0 : i32
      %dma_wait3A_299 = tpu.memref_slice %arg5[%dma_wait3A_294, %dma_wait3A_298] : memref<16x128xi32, #tpu.memory_space<vmem>> -> memref<1x128xi32, #tpu.memory_space<vmem>>
      %dma_wait3A_300 = tpu.memref_squeeze %dma_wait3A_299 : memref<1x128xi32, #tpu.memory_space<vmem>> -> memref<128xi32, #tpu.memory_space<vmem>>
      %dma_wait3A_301 = arith.constant 0 : i32
      %dma_wait3A_302 = arith.constant 0 : i32
      %dma_wait3A_303 = tpu.memref_slice %arg2[%dma_wait3A_301, %dma_wait3A_302] : memref<5120x128xf32, #tpu.memory_space<hbm>> -> memref<5120x128xf32, #tpu.memory_space<hbm>>
      tpu.wait_indirect_dma semaphore(%arg9 : memref<!tpu.dma_semaphore, #tpu.memory_space<semaphore_mem>>) src(%dma_wait3A_303 : memref<5120x128xf32, #tpu.memory_space<hbm>>) dst(%dma_wait3A_297 : memref<128x128xf32, #tpu.memory_space<vmem>>)
      %add3A_304 = arith.constant 1280 : i32
      %add3A_305 = arith.addi %multiple_of3A, %add3A_304 : i32
      %multiple_of3A_306 = tpu.assume_multiple %add3A_305, 256 : i32
      "tpu.region"() ({
        %run_scoped3A = tpu.sem_alloc : memref<!tpu.dma_semaphore, #tpu.memory_space<semaphore_mem>>
        %dma_start3A_374 = arith.constant 0 : i32
        %dma_start3A_375 = tpu.memref_slice %arg4[%multiple_of3A_306, %dma_start3A_374] : memref<655360x128xf32, #tpu.memory_space<hbm>> -> memref<256x128xf32, #tpu.memory_space<hbm>>
        %dma_start3A_376 = arith.constant 0 : i32
        %dma_start3A_377 = tpu.memref_slice %arg4[%multiple_of3A_306, %dma_start3A_376] : memref<655360x128xf32, #tpu.memory_space<hbm>> -> memref<256x128xf32, #tpu.memory_space<hbm>>
        tpu.enqueue_dma source(%arg7 : memref<256x128xf32, #tpu.memory_space<vmem>>) target(%dma_start3A_377 : memref<256x128xf32, #tpu.memory_space<hbm>>) target_semaphore(%run_scoped3A : memref<!tpu.dma_semaphore, #tpu.memory_space<semaphore_mem>>)
        %dma_wait3A_378 = arith.constant 0 : i32
        %dma_wait3A_379 = tpu.memref_slice %arg4[%multiple_of3A_306, %dma_wait3A_378] : memref<655360x128xf32, #tpu.memory_space<hbm>> -> memref<256x128xf32, #tpu.memory_space<hbm>>
        %dma_wait3A_380 = arith.constant 0 : i32
        %dma_wait3A_381 = tpu.memref_slice %arg4[%multiple_of3A_306, %dma_wait3A_380] : memref<655360x128xf32, #tpu.memory_space<hbm>> -> memref<256x128xf32, #tpu.memory_space<hbm>>
        tpu.wait_dma2 semaphore(%run_scoped3A : memref<!tpu.dma_semaphore, #tpu.memory_space<semaphore_mem>>) src(%arg7 : memref<256x128xf32, #tpu.memory_space<vmem>>) dst(%dma_wait3A_381 : memref<256x128xf32, #tpu.memory_space<hbm>>)
        tpu.yield
      }) : () -> ()
      %dma_start3A_307 = arith.constant 14 : i32
      %dma_start3A_308 = arith.constant 0 : i32
      %dma_start3A_309 = arith.constant 0 : i32
      %dma_start3A_310 = tpu.memref_slice %arg7[%dma_start3A_308, %dma_start3A_309] : memref<256x128xf32, #tpu.memory_space<vmem>> -> memref<128x128xf32, #tpu.memory_space<vmem>>
      %dma_start3A_311 = arith.constant 0 : i32
      %dma_start3A_312 = tpu.memref_slice %arg5[%dma_start3A_307, %dma_start3A_311] : memref<16x128xi32, #tpu.memory_space<vmem>> -> memref<1x128xi32, #tpu.memory_space<vmem>>
      %dma_start3A_313 = tpu.memref_squeeze %dma_start3A_312 : memref<1x128xi32, #tpu.memory_space<vmem>> -> memref<128xi32, #tpu.memory_space<vmem>>
      %dma_start3A_314 = arith.constant 0 : i32
      %dma_start3A_315 = arith.constant 0 : i32
      %dma_start3A_316 = tpu.memref_slice %arg2[%dma_start3A_314, %dma_start3A_315] : memref<5120x128xf32, #tpu.memory_space<hbm>> -> memref<5120x128xf32, #tpu.memory_space<hbm>>
      tpu.enqueue_indirect_dma source(%dma_start3A_316 : memref<5120x128xf32, #tpu.memory_space<hbm>>) target(%dma_start3A_310 : memref<128x128xf32, #tpu.memory_space<vmem>>) offsets(%dma_start3A_313 : memref<128xi32, #tpu.memory_space<vmem>>) semaphore(%arg9 : memref<!tpu.dma_semaphore, #tpu.memory_space<semaphore_mem>>)
      %dma_start3A_317 = arith.constant 15 : i32
      %dma_start3A_318 = arith.constant 128 : i32
      %dma_start3A_319 = arith.constant 0 : i32
      %dma_start3A_320 = tpu.memref_slice %arg7[%dma_start3A_318, %dma_start3A_319] : memref<256x128xf32, #tpu.memory_space<vmem>> -> memref<128x128xf32, #tpu.memory_space<vmem>>
      %dma_start3A_321 = arith.constant 0 : i32
      %dma_start3A_322 = tpu.memref_slice %arg5[%dma_start3A_317, %dma_start3A_321] : memref<16x128xi32, #tpu.memory_space<vmem>> -> memref<1x128xi32, #tpu.memory_space<vmem>>
      %dma_start3A_323 = tpu.memref_squeeze %dma_start3A_322 : memref<1x128xi32, #tpu.memory_space<vmem>> -> memref<128xi32, #tpu.memory_space<vmem>>
      %dma_start3A_324 = arith.constant 0 : i32
      %dma_start3A_325 = arith.constant 0 : i32
      %dma_start3A_326 = tpu.memref_slice %arg2[%dma_start3A_324, %dma_start3A_325] : memref<5120x128xf32, #tpu.memory_space<hbm>> -> memref<5120x128xf32, #tpu.memory_space<hbm>>
      tpu.enqueue_indirect_dma source(%dma_start3A_326 : memref<5120x128xf32, #tpu.memory_space<hbm>>) target(%dma_start3A_320 : memref<128x128xf32, #tpu.memory_space<vmem>>) offsets(%dma_start3A_323 : memref<128xi32, #tpu.memory_space<vmem>>) semaphore(%arg9 : memref<!tpu.dma_semaphore, #tpu.memory_space<semaphore_mem>>)
      %dma_wait3A_327 = arith.constant 12 : i32
      %dma_wait3A_328 = arith.constant 0 : i32
      %dma_wait3A_329 = arith.constant 0 : i32
      %dma_wait3A_330 = tpu.memref_slice %arg6[%dma_wait3A_328, %dma_wait3A_329] : memref<256x128xf32, #tpu.memory_space<vmem>> -> memref<128x128xf32, #tpu.memory_space<vmem>>
      %dma_wait3A_331 = arith.constant 0 : i32
      %dma_wait3A_332 = tpu.memref_slice %arg5[%dma_wait3A_327, %dma_wait3A_331] : memref<16x128xi32, #tpu.memory_space<vmem>> -> memref<1x128xi32, #tpu.memory_space<vmem>>
      %dma_wait3A_333 = tpu.memref_squeeze %dma_wait3A_332 : memref<1x128xi32, #tpu.memory_space<vmem>> -> memref<128xi32, #tpu.memory_space<vmem>>
      %dma_wait3A_334 = arith.constant 0 : i32
      %dma_wait3A_335 = arith.constant 0 : i32
      %dma_wait3A_336 = tpu.memref_slice %arg2[%dma_wait3A_334, %dma_wait3A_335] : memref<5120x128xf32, #tpu.memory_space<hbm>> -> memref<5120x128xf32, #tpu.memory_space<hbm>>
      tpu.wait_indirect_dma semaphore(%arg8 : memref<!tpu.dma_semaphore, #tpu.memory_space<semaphore_mem>>) src(%dma_wait3A_336 : memref<5120x128xf32, #tpu.memory_space<hbm>>) dst(%dma_wait3A_330 : memref<128x128xf32, #tpu.memory_space<vmem>>)
      %dma_wait3A_337 = arith.constant 13 : i32
      %dma_wait3A_338 = arith.constant 128 : i32
      %dma_wait3A_339 = arith.constant 0 : i32
      %dma_wait3A_340 = tpu.memref_slice %arg6[%dma_wait3A_338, %dma_wait3A_339] : memref<256x128xf32, #tpu.memory_space<vmem>> -> memref<128x128xf32, #tpu.memory_space<vmem>>
      %dma_wait3A_341 = arith.constant 0 : i32
      %dma_wait3A_342 = tpu.memref_slice %arg5[%dma_wait3A_337, %dma_wait3A_341] : memref<16x128xi32, #tpu.memory_space<vmem>> -> memref<1x128xi32, #tpu.memory_space<vmem>>
      %dma_wait3A_343 = tpu.memref_squeeze %dma_wait3A_342 : memref<1x128xi32, #tpu.memory_space<vmem>> -> memref<128xi32, #tpu.memory_space<vmem>>
      %dma_wait3A_344 = arith.constant 0 : i32
      %dma_wait3A_345 = arith.constant 0 : i32
      %dma_wait3A_346 = tpu.memref_slice %arg2[%dma_wait3A_344, %dma_wait3A_345] : memref<5120x128xf32, #tpu.memory_space<hbm>> -> memref<5120x128xf32, #tpu.memory_space<hbm>>
      tpu.wait_indirect_dma semaphore(%arg8 : memref<!tpu.dma_semaphore, #tpu.memory_space<semaphore_mem>>) src(%dma_wait3A_346 : memref<5120x128xf32, #tpu.memory_space<hbm>>) dst(%dma_wait3A_340 : memref<128x128xf32, #tpu.memory_space<vmem>>)
      %add3A_347 = arith.constant 1536 : i32
      %add3A_348 = arith.addi %multiple_of3A, %add3A_347 : i32
      %multiple_of3A_349 = tpu.assume_multiple %add3A_348, 256 : i32
      "tpu.region"() ({
        %run_scoped3A = tpu.sem_alloc : memref<!tpu.dma_semaphore, #tpu.memory_space<semaphore_mem>>
        %dma_start3A_374 = arith.constant 0 : i32
        %dma_start3A_375 = tpu.memref_slice %arg4[%multiple_of3A_349, %dma_start3A_374] : memref<655360x128xf32, #tpu.memory_space<hbm>> -> memref<256x128xf32, #tpu.memory_space<hbm>>
        %dma_start3A_376 = arith.constant 0 : i32
        %dma_start3A_377 = tpu.memref_slice %arg4[%multiple_of3A_349, %dma_start3A_376] : memref<655360x128xf32, #tpu.memory_space<hbm>> -> memref<256x128xf32, #tpu.memory_space<hbm>>
        tpu.enqueue_dma source(%arg6 : memref<256x128xf32, #tpu.memory_space<vmem>>) target(%dma_start3A_377 : memref<256x128xf32, #tpu.memory_space<hbm>>) target_semaphore(%run_scoped3A : memref<!tpu.dma_semaphore, #tpu.memory_space<semaphore_mem>>)
        %dma_wait3A_378 = arith.constant 0 : i32
        %dma_wait3A_379 = tpu.memref_slice %arg4[%multiple_of3A_349, %dma_wait3A_378] : memref<655360x128xf32, #tpu.memory_space<hbm>> -> memref<256x128xf32, #tpu.memory_space<hbm>>
        %dma_wait3A_380 = arith.constant 0 : i32
        %dma_wait3A_381 = tpu.memref_slice %arg4[%multiple_of3A_349, %dma_wait3A_380] : memref<655360x128xf32, #tpu.memory_space<hbm>> -> memref<256x128xf32, #tpu.memory_space<hbm>>
        tpu.wait_dma2 semaphore(%run_scoped3A : memref<!tpu.dma_semaphore, #tpu.memory_space<semaphore_mem>>) src(%arg6 : memref<256x128xf32, #tpu.memory_space<vmem>>) dst(%dma_wait3A_381 : memref<256x128xf32, #tpu.memory_space<hbm>>)
        tpu.yield
      }) : () -> ()
      %dma_wait3A_350 = arith.constant 14 : i32
      %dma_wait3A_351 = arith.constant 0 : i32
      %dma_wait3A_352 = arith.constant 0 : i32
      %dma_wait3A_353 = tpu.memref_slice %arg7[%dma_wait3A_351, %dma_wait3A_352] : memref<256x128xf32, #tpu.memory_space<vmem>> -> memref<128x128xf32, #tpu.memory_space<vmem>>
      %dma_wait3A_354 = arith.constant 0 : i32
      %dma_wait3A_355 = tpu.memref_slice %arg5[%dma_wait3A_350, %dma_wait3A_354] : memref<16x128xi32, #tpu.memory_space<vmem>> -> memref<1x128xi32, #tpu.memory_space<vmem>>
      %dma_wait3A_356 = tpu.memref_squeeze %dma_wait3A_355 : memref<1x128xi32, #tpu.memory_space<vmem>> -> memref<128xi32, #tpu.memory_space<vmem>>
      %dma_wait3A_357 = arith.constant 0 : i32
      %dma_wait3A_358 = arith.constant 0 : i32
      %dma_wait3A_359 = tpu.memref_slice %arg2[%dma_wait3A_357, %dma_wait3A_358] : memref<5120x128xf32, #tpu.memory_space<hbm>> -> memref<5120x128xf32, #tpu.memory_space<hbm>>
      tpu.wait_indirect_dma semaphore(%arg9 : memref<!tpu.dma_semaphore, #tpu.memory_space<semaphore_mem>>) src(%dma_wait3A_359 : memref<5120x128xf32, #tpu.memory_space<hbm>>) dst(%dma_wait3A_353 : memref<128x128xf32, #tpu.memory_space<vmem>>)
      %dma_wait3A_360 = arith.constant 15 : i32
      %dma_wait3A_361 = arith.constant 128 : i32
      %dma_wait3A_362 = arith.constant 0 : i32
      %dma_wait3A_363 = tpu.memref_slice %arg7[%dma_wait3A_361, %dma_wait3A_362] : memref<256x128xf32, #tpu.memory_space<vmem>> -> memref<128x128xf32, #tpu.memory_space<vmem>>
      %dma_wait3A_364 = arith.constant 0 : i32
      %dma_wait3A_365 = tpu.memref_slice %arg5[%dma_wait3A_360, %dma_wait3A_364] : memref<16x128xi32, #tpu.memory_space<vmem>> -> memref<1x128xi32, #tpu.memory_space<vmem>>
      %dma_wait3A_366 = tpu.memref_squeeze %dma_wait3A_365 : memref<1x128xi32, #tpu.memory_space<vmem>> -> memref<128xi32, #tpu.memory_space<vmem>>
      %dma_wait3A_367 = arith.constant 0 : i32
      %dma_wait3A_368 = arith.constant 0 : i32
      %dma_wait3A_369 = tpu.memref_slice %arg2[%dma_wait3A_367, %dma_wait3A_368] : memref<5120x128xf32, #tpu.memory_space<hbm>> -> memref<5120x128xf32, #tpu.memory_space<hbm>>
      tpu.wait_indirect_dma semaphore(%arg9 : memref<!tpu.dma_semaphore, #tpu.memory_space<semaphore_mem>>) src(%dma_wait3A_369 : memref<5120x128xf32, #tpu.memory_space<hbm>>) dst(%dma_wait3A_363 : memref<128x128xf32, #tpu.memory_space<vmem>>)
      %add3A_370 = arith.constant 1792 : i32
      %add3A_371 = arith.addi %multiple_of3A, %add3A_370 : i32
      %multiple_of3A_372 = tpu.assume_multiple %add3A_371, 256 : i32
      "tpu.region"() ({
        %run_scoped3A = tpu.sem_alloc : memref<!tpu.dma_semaphore, #tpu.memory_space<semaphore_mem>>
        %dma_start3A_374 = arith.constant 0 : i32
        %dma_start3A_375 = tpu.memref_slice %arg4[%multiple_of3A_372, %dma_start3A_374] : memref<655360x128xf32, #tpu.memory_space<hbm>> -> memref<256x128xf32, #tpu.memory_space<hbm>>
        %dma_start3A_376 = arith.constant 0 : i32
        %dma_start3A_377 = tpu.memref_slice %arg4[%multiple_of3A_372, %dma_start3A_376] : memref<655360x128xf32, #tpu.memory_space<hbm>> -> memref<256x128xf32, #tpu.memory_space<hbm>>
        tpu.enqueue_dma source(%arg7 : memref<256x128xf32, #tpu.memory_space<vmem>>) target(%dma_start3A_377 : memref<256x128xf32, #tpu.memory_space<hbm>>) target_semaphore(%run_scoped3A : memref<!tpu.dma_semaphore, #tpu.memory_space<semaphore_mem>>)
        %dma_wait3A_378 = arith.constant 0 : i32
        %dma_wait3A_379 = tpu.memref_slice %arg4[%multiple_of3A_372, %dma_wait3A_378] : memref<655360x128xf32, #tpu.memory_space<hbm>> -> memref<256x128xf32, #tpu.memory_space<hbm>>
        %dma_wait3A_380 = arith.constant 0 : i32
        %dma_wait3A_381 = tpu.memref_slice %arg4[%multiple_of3A_372, %dma_wait3A_380] : memref<655360x128xf32, #tpu.memory_space<hbm>> -> memref<256x128xf32, #tpu.memory_space<hbm>>
        tpu.wait_dma2 semaphore(%run_scoped3A : memref<!tpu.dma_semaphore, #tpu.memory_space<semaphore_mem>>) src(%arg7 : memref<256x128xf32, #tpu.memory_space<vmem>>) dst(%dma_wait3A_381 : memref<256x128xf32, #tpu.memory_space<hbm>>)
        tpu.yield
      }) : () -> ()
      %scan3A_373 = arith.constant 0 : i32
      scf.yield %scan3A_373 : i32
    }
    %scan3A_8 = arith.constant 10 : i32
    return
  }
}

#map = affine_map<(d0, d1) -> (0, 0)>
module attributes {stable_mosaic.version = 14 : i64} {
  func.func @_gather_body(%arg0: i32, %arg1: i32, %arg2: memref<5120x128xf32, #tpu.memory_space<hbm>>, %arg3: memref<5120x128xi32, #tpu.memory_space<hbm>>, %arg4: memref<655360x128xf32, #tpu.memory_space<hbm>>, %arg5: memref<16x128xi32, #tpu.memory_space<vmem>>, %arg6: memref<256x128xf32, #tpu.memory_space<vmem>>, %arg7: memref<256x128xf32, #tpu.memory_space<vmem>>, %arg8: memref<!tpu.dma_semaphore, #tpu.memory_space<semaphore_mem>>, %arg9: memref<!tpu.dma_semaphore, #tpu.memory_space<semaphore_mem>>) attributes {dimension_semantics = [#tpu.dimension_semantics<core_parallel>, #tpu.dimension_semantics<subcore_parallel>], iteration_bounds = array<i64: 2, 16>, scalar_prefetch = 0 : i64, scratch_operands = 5 : i64, tpu.core_type = #tpu.core_type<sc_vector_subcore>, window_params = [{transform_indices = #map}, {transform_indices = #map}, {transform_indices = #map}]} {
    %mul3A = arith.constant 2 : i32
    %mul3A_0 = arith.muli %arg1, %mul3A : i32
    %add3A = arith.addi %mul3A_0, %arg0 : i32
    %mul3A_1 = arith.constant 20480 : i32
    %mul3A_2 = arith.muli %add3A, %mul3A_1 : i32
    %scan3A = arith.constant 0 : i32
    %scan3A_3 = arith.constant 0 : i32
    %scan3A_4 = arith.constant 10 : i32
    %scan3A_5 = arith.addi %scan3A_3, %scan3A_4 : i32
    %scan3A_6 = arith.constant 1 : i32
    %scan3A_7 = scf.for %scan3A_9 = %scan3A_3 to %scan3A_5 step %scan3A_6 iter_args(%scan3A_10 = %scan3A) -> (i32)  : i32 {
      %mul3A_11 = arith.constant 2048 : i32
      %mul3A_12 = arith.muli %scan3A_9, %mul3A_11 : i32
      %add3A_13 = arith.addi %mul3A_2, %mul3A_12 : i32
      %multiple_of3A = tpu.assume_multiple %add3A_13, 2048 : i32
      %jit3A = arith.constant 128 : i32
      %div3A = arith.divsi %multiple_of3A, %jit3A : i32
      %sign3A = arith.constant 0 : i32
      %sign3A_14 = arith.cmpi sgt, %multiple_of3A, %sign3A : i32
      %sign3A_15 = arith.extui %sign3A_14 : i1 to i32
      %sign3A_16 = arith.constant 0 : i32
      %sign3A_17 = arith.cmpi slt, %multiple_of3A, %sign3A_16 : i32
      %sign3A_18 = arith.extui %sign3A_17 : i1 to i32
      %sign3A_19 = arith.subi %sign3A_15, %sign3A_18 : i32
      %sign3A_20 = arith.constant 0 : i32
      %sign3A_21 = arith.cmpi sgt, %jit3A, %sign3A_20 : i32
      %sign3A_22 = arith.extui %sign3A_21 : i1 to i32
      %sign3A_23 = arith.constant 0 : i32
      %sign3A_24 = arith.cmpi slt, %jit3A, %sign3A_23 : i32
      %sign3A_25 = arith.extui %sign3A_24 : i1 to i32
      %sign3A_26 = arith.subi %sign3A_22, %sign3A_25 : i32
      %ne3A = arith.cmpi ne, %sign3A_19, %sign3A_26 : i32
      %rem3A = arith.remsi %multiple_of3A, %jit3A : i32
      %ne3A_27 = arith.constant 0 : i32
      %ne3A_28 = arith.cmpi ne, %rem3A, %ne3A_27 : i32
      %and3A = arith.andi %ne3A, %ne3A_28 : i1
      %sub3A = arith.constant 1 : i32
      %sub3A_29 = arith.subi %div3A, %sub3A : i32
      %select_n3A = arith.select %and3A, %sub3A_29, %div3A : i32
      %multiple_of3A_30 = tpu.assume_multiple %select_n3A, 16 : i32
      "tpu.region"() ({
        %run_scoped3A = tpu.sem_alloc : memref<!tpu.dma_semaphore, #tpu.memory_space<semaphore_mem>>
        %dma_start3A_374 = arith.constant 0 : i32
        %dma_start3A_375 = tpu.memref_slice %arg3[%multiple_of3A_30, %dma_start3A_374] : memref<5120x128xi32, #tpu.memory_space<hbm>> -> memref<16x128xi32, #tpu.memory_space<hbm>>
        %dma_start3A_376 = arith.constant 0 : i32
        %dma_start3A_377 = tpu.memref_slice %arg3[%multiple_of3A_30, %dma_start3A_376] : memref<5120x128xi32, #tpu.memory_space<hbm>> -> memref<16x128xi32, #tpu.memory_space<hbm>>
        tpu.enqueue_dma source(%dma_start3A_377 : memref<16x128xi32, #tpu.memory_space<hbm>>) target(%arg5 : memref<16x128xi32, #tpu.memory_space<vmem>>) target_semaphore(%run_scoped3A : memref<!tpu.dma_semaphore, #tpu.memory_space<semaphore_mem>>)
        %dma_wait3A_378 = arith.constant 0 : i32
        %dma_wait3A_379 = tpu.memref_slice %arg3[%multiple_of3A_30, %dma_wait3A_378] : memref<5120x128xi32, #tpu.memory_space<hbm>> -> memref<16x128xi32, #tpu.memory_space<hbm>>
        %dma_wait3A_380 = arith.constant 0 : i32
        %dma_wait3A_381 = tpu.memref_slice %arg3[%multiple_of3A_30, %dma_wait3A_380] : memref<5120x128xi32, #tpu.memory_space<hbm>> -> memref<16x128xi32, #tpu.memory_space<hbm>>
        tpu.wait_dma2 semaphore(%run_scoped3A : memref<!tpu.dma_semaphore, #tpu.memory_space<semaphore_mem>>) src(%dma_wait3A_381 : memref<16x128xi32, #tpu.memory_space<hbm>>) dst(%arg5 : memref<16x128xi32, #tpu.memory_space<vmem>>)
        tpu.yield
      }) : () -> ()
      %dma_start3A = arith.constant 0 : i32
      %dma_start3A_31 = arith.constant 0 : i32
      %dma_start3A_32 = arith.constant 0 : i32
      %dma_start3A_33 = tpu.memref_slice %arg6[%dma_start3A_31, %dma_start3A_32] : memref<256x128xf32, #tpu.memory_space<vmem>> -> memref<128x128xf32, #tpu.memory_space<vmem>>
      %dma_start3A_34 = arith.constant 0 : i32
      %dma_start3A_35 = tpu.memref_slice %arg5[%dma_start3A, %dma_start3A_34] : memref<16x128xi32, #tpu.memory_space<vmem>> -> memref<1x128xi32, #tpu.memory_space<vmem>>
      %dma_start3A_36 = tpu.memref_squeeze %dma_start3A_35 : memref<1x128xi32, #tpu.memory_space<vmem>> -> memref<128xi32, #tpu.memory_space<vmem>>
      %dma_start3A_37 = arith.constant 0 : i32
      %dma_start3A_38 = arith.constant 0 : i32
      %dma_start3A_39 = tpu.memref_slice %arg2[%dma_start3A_37, %dma_start3A_38] : memref<5120x128xf32, #tpu.memory_space<hbm>> -> memref<5120x128xf32, #tpu.memory_space<hbm>>
      tpu.enqueue_indirect_dma source(%dma_start3A_39 : memref<5120x128xf32, #tpu.memory_space<hbm>>) target(%dma_start3A_33 : memref<128x128xf32, #tpu.memory_space<vmem>>) offsets(%dma_start3A_36 : memref<128xi32, #tpu.memory_space<vmem>>) semaphore(%arg8 : memref<!tpu.dma_semaphore, #tpu.memory_space<semaphore_mem>>)
      %dma_start3A_40 = arith.constant 1 : i32
      %dma_start3A_41 = arith.constant 128 : i32
      %dma_start3A_42 = arith.constant 0 : i32
      %dma_start3A_43 = tpu.memref_slice %arg6[%dma_start3A_41, %dma_start3A_42] : memref<256x128xf32, #tpu.memory_space<vmem>> -> memref<128x128xf32, #tpu.memory_space<vmem>>
      %dma_start3A_44 = arith.constant 0 : i32
      %dma_start3A_45 = tpu.memref_slice %arg5[%dma_start3A_40, %dma_start3A_44] : memref<16x128xi32, #tpu.memory_space<vmem>> -> memref<1x128xi32, #tpu.memory_space<vmem>>
      %dma_start3A_46 = tpu.memref_squeeze %dma_start3A_45 : memref<1x128xi32, #tpu.memory_space<vmem>> -> memref<128xi32, #tpu.memory_space<vmem>>
      %dma_start3A_47 = arith.constant 0 : i32
      %dma_start3A_48 = arith.constant 0 : i32
      %dma_start3A_49 = tpu.memref_slice %arg2[%dma_start3A_47, %dma_start3A_48] : memref<5120x128xf32, #tpu.memory_space<hbm>> -> memref<5120x128xf32, #tpu.memory_space<hbm>>
      tpu.enqueue_indirect_dma source(%dma_start3A_49 : memref<5120x128xf32, #tpu.memory_space<hbm>>) target(%dma_start3A_43 : memref<128x128xf32, #tpu.memory_space<vmem>>) offsets(%dma_start3A_46 : memref<128xi32, #tpu.memory_space<vmem>>) semaphore(%arg8 : memref<!tpu.dma_semaphore, #tpu.memory_space<semaphore_mem>>)
      %dma_start3A_50 = arith.constant 2 : i32
      %dma_start3A_51 = arith.constant 0 : i32
      %dma_start3A_52 = arith.constant 0 : i32
      %dma_start3A_53 = tpu.memref_slice %arg7[%dma_start3A_51, %dma_start3A_52] : memref<256x128xf32, #tpu.memory_space<vmem>> -> memref<128x128xf32, #tpu.memory_space<vmem>>
      %dma_start3A_54 = arith.constant 0 : i32
      %dma_start3A_55 = tpu.memref_slice %arg5[%dma_start3A_50, %dma_start3A_54] : memref<16x128xi32, #tpu.memory_space<vmem>> -> memref<1x128xi32, #tpu.memory_space<vmem>>
      %dma_start3A_56 = tpu.memref_squeeze %dma_start3A_55 : memref<1x128xi32, #tpu.memory_space<vmem>> -> memref<128xi32, #tpu.memory_space<vmem>>
      %dma_start3A_57 = arith.constant 0 : i32
      %dma_start3A_58 = arith.constant 0 : i32
      %dma_start3A_59 = tpu.memref_slice %arg2[%dma_start3A_57, %dma_start3A_58] : memref<5120x128xf32, #tpu.memory_space<hbm>> -> memref<5120x128xf32, #tpu.memory_space<hbm>>
      tpu.enqueue_indirect_dma source(%dma_start3A_59 : memref<5120x128xf32, #tpu.memory_space<hbm>>) target(%dma_start3A_53 : memref<128x128xf32, #tpu.memory_space<vmem>>) offsets(%dma_start3A_56 : memref<128xi32, #tpu.memory_space<vmem>>) semaphore(%arg9 : memref<!tpu.dma_semaphore, #tpu.memory_space<semaphore_mem>>)
      %dma_start3A_60 = arith.constant 3 : i32
      %dma_start3A_61 = arith.constant 128 : i32
      %dma_start3A_62 = arith.constant 0 : i32
      %dma_start3A_63 = tpu.memref_slice %arg7[%dma_start3A_61, %dma_start3A_62] : memref<256x128xf32, #tpu.memory_space<vmem>> -> memref<128x128xf32, #tpu.memory_space<vmem>>
      %dma_start3A_64 = arith.constant 0 : i32
      %dma_start3A_65 = tpu.memref_slice %arg5[%dma_start3A_60, %dma_start3A_64] : memref<16x128xi32, #tpu.memory_space<vmem>> -> memref<1x128xi32, #tpu.memory_space<vmem>>
      %dma_start3A_66 = tpu.memref_squeeze %dma_start3A_65 : memref<1x128xi32, #tpu.memory_space<vmem>> -> memref<128xi32, #tpu.memory_space<vmem>>
      %dma_start3A_67 = arith.constant 0 : i32
      %dma_start3A_68 = arith.constant 0 : i32
      %dma_start3A_69 = tpu.memref_slice %arg2[%dma_start3A_67, %dma_start3A_68] : memref<5120x128xf32, #tpu.memory_space<hbm>> -> memref<5120x128xf32, #tpu.memory_space<hbm>>
      tpu.enqueue_indirect_dma source(%dma_start3A_69 : memref<5120x128xf32, #tpu.memory_space<hbm>>) target(%dma_start3A_63 : memref<128x128xf32, #tpu.memory_space<vmem>>) offsets(%dma_start3A_66 : memref<128xi32, #tpu.memory_space<vmem>>) semaphore(%arg9 : memref<!tpu.dma_semaphore, #tpu.memory_space<semaphore_mem>>)
      %dma_wait3A = arith.constant 0 : i32
      %dma_wait3A_70 = arith.constant 0 : i32
      %dma_wait3A_71 = arith.constant 0 : i32
      %dma_wait3A_72 = tpu.memref_slice %arg6[%dma_wait3A_70, %dma_wait3A_71] : memref<256x128xf32, #tpu.memory_space<vmem>> -> memref<128x128xf32, #tpu.memory_space<vmem>>
      %dma_wait3A_73 = arith.constant 0 : i32
      %dma_wait3A_74 = tpu.memref_slice %arg5[%dma_wait3A, %dma_wait3A_73] : memref<16x128xi32, #tpu.memory_space<vmem>> -> memref<1x128xi32, #tpu.memory_space<vmem>>
      %dma_wait3A_75 = tpu.memref_squeeze %dma_wait3A_74 : memref<1x128xi32, #tpu.memory_space<vmem>> -> memref<128xi32, #tpu.memory_space<vmem>>
      %dma_wait3A_76 = arith.constant 0 : i32
      %dma_wait3A_77 = arith.constant 0 : i32
      %dma_wait3A_78 = tpu.memref_slice %arg2[%dma_wait3A_76, %dma_wait3A_77] : memref<5120x128xf32, #tpu.memory_space<hbm>> -> memref<5120x128xf32, #tpu.memory_space<hbm>>
      tpu.wait_indirect_dma semaphore(%arg8 : memref<!tpu.dma_semaphore, #tpu.memory_space<semaphore_mem>>) src(%dma_wait3A_78 : memref<5120x128xf32, #tpu.memory_space<hbm>>) dst(%dma_wait3A_72 : memref<128x128xf32, #tpu.memory_space<vmem>>)
      %dma_wait3A_79 = arith.constant 1 : i32
      %dma_wait3A_80 = arith.constant 128 : i32
      %dma_wait3A_81 = arith.constant 0 : i32
      %dma_wait3A_82 = tpu.memref_slice %arg6[%dma_wait3A_80, %dma_wait3A_81] : memref<256x128xf32, #tpu.memory_space<vmem>> -> memref<128x128xf32, #tpu.memory_space<vmem>>
      %dma_wait3A_83 = arith.constant 0 : i32
      %dma_wait3A_84 = tpu.memref_slice %arg5[%dma_wait3A_79, %dma_wait3A_83] : memref<16x128xi32, #tpu.memory_space<vmem>> -> memref<1x128xi32, #tpu.memory_space<vmem>>
      %dma_wait3A_85 = tpu.memref_squeeze %dma_wait3A_84 : memref<1x128xi32, #tpu.memory_space<vmem>> -> memref<128xi32, #tpu.memory_space<vmem>>
      %dma_wait3A_86 = arith.constant 0 : i32
      %dma_wait3A_87 = arith.constant 0 : i32
      %dma_wait3A_88 = tpu.memref_slice %arg2[%dma_wait3A_86, %dma_wait3A_87] : memref<5120x128xf32, #tpu.memory_space<hbm>> -> memref<5120x128xf32, #tpu.memory_space<hbm>>
      tpu.wait_indirect_dma semaphore(%arg8 : memref<!tpu.dma_semaphore, #tpu.memory_space<semaphore_mem>>) src(%dma_wait3A_88 : memref<5120x128xf32, #tpu.memory_space<hbm>>) dst(%dma_wait3A_82 : memref<128x128xf32, #tpu.memory_space<vmem>>)
      %add3A_89 = arith.constant 0 : i32
      %add3A_90 = arith.addi %multiple_of3A, %add3A_89 : i32
      %multiple_of3A_91 = tpu.assume_multiple %add3A_90, 256 : i32
      "tpu.region"() ({
        %run_scoped3A = tpu.sem_alloc : memref<!tpu.dma_semaphore, #tpu.memory_space<semaphore_mem>>
        %dma_start3A_374 = arith.constant 0 : i32
        %dma_start3A_375 = tpu.memref_slice %arg4[%multiple_of3A_91, %dma_start3A_374] : memref<655360x128xf32, #tpu.memory_space<hbm>> -> memref<256x128xf32, #tpu.memory_space<hbm>>
        %dma_start3A_376 = arith.constant 0 : i32
        %dma_start3A_377 = tpu.memref_slice %arg4[%multiple_of3A_91, %dma_start3A_376] : memref<655360x128xf32, #tpu.memory_space<hbm>> -> memref<256x128xf32, #tpu.memory_space<hbm>>
        tpu.enqueue_dma source(%arg6 : memref<256x128xf32, #tpu.memory_space<vmem>>) target(%dma_start3A_377 : memref<256x128xf32, #tpu.memory_space<hbm>>) target_semaphore(%run_scoped3A : memref<!tpu.dma_semaphore, #tpu.memory_space<semaphore_mem>>)
        %dma_wait3A_378 = arith.constant 0 : i32
        %dma_wait3A_379 = tpu.memref_slice %arg4[%multiple_of3A_91, %dma_wait3A_378] : memref<655360x128xf32, #tpu.memory_space<hbm>> -> memref<256x128xf32, #tpu.memory_space<hbm>>
        %dma_wait3A_380 = arith.constant 0 : i32
        %dma_wait3A_381 = tpu.memref_slice %arg4[%multiple_of3A_91, %dma_wait3A_380] : memref<655360x128xf32, #tpu.memory_space<hbm>> -> memref<256x128xf32, #tpu.memory_space<hbm>>
        tpu.wait_dma2 semaphore(%run_scoped3A : memref<!tpu.dma_semaphore, #tpu.memory_space<semaphore_mem>>) src(%arg6 : memref<256x128xf32, #tpu.memory_space<vmem>>) dst(%dma_wait3A_381 : memref<256x128xf32, #tpu.memory_space<hbm>>)
        tpu.yield
      }) : () -> ()
      %dma_start3A_92 = arith.constant 4 : i32
      %dma_start3A_93 = arith.constant 0 : i32
      %dma_start3A_94 = arith.constant 0 : i32
      %dma_start3A_95 = tpu.memref_slice %arg6[%dma_start3A_93, %dma_start3A_94] : memref<256x128xf32, #tpu.memory_space<vmem>> -> memref<128x128xf32, #tpu.memory_space<vmem>>
      %dma_start3A_96 = arith.constant 0 : i32
      %dma_start3A_97 = tpu.memref_slice %arg5[%dma_start3A_92, %dma_start3A_96] : memref<16x128xi32, #tpu.memory_space<vmem>> -> memref<1x128xi32, #tpu.memory_space<vmem>>
      %dma_start3A_98 = tpu.memref_squeeze %dma_start3A_97 : memref<1x128xi32, #tpu.memory_space<vmem>> -> memref<128xi32, #tpu.memory_space<vmem>>
      %dma_start3A_99 = arith.constant 0 : i32
      %dma_start3A_100 = arith.constant 0 : i32
      %dma_start3A_101 = tpu.memref_slice %arg2[%dma_start3A_99, %dma_start3A_100] : memref<5120x128xf32, #tpu.memory_space<hbm>> -> memref<5120x128xf32, #tpu.memory_space<hbm>>
      tpu.enqueue_indirect_dma source(%dma_start3A_101 : memref<5120x128xf32, #tpu.memory_space<hbm>>) target(%dma_start3A_95 : memref<128x128xf32, #tpu.memory_space<vmem>>) offsets(%dma_start3A_98 : memref<128xi32, #tpu.memory_space<vmem>>) semaphore(%arg8 : memref<!tpu.dma_semaphore, #tpu.memory_space<semaphore_mem>>)
      %dma_start3A_102 = arith.constant 5 : i32
      %dma_start3A_103 = arith.constant 128 : i32
      %dma_start3A_104 = arith.constant 0 : i32
      %dma_start3A_105 = tpu.memref_slice %arg6[%dma_start3A_103, %dma_start3A_104] : memref<256x128xf32, #tpu.memory_space<vmem>> -> memref<128x128xf32, #tpu.memory_space<vmem>>
      %dma_start3A_106 = arith.constant 0 : i32
      %dma_start3A_107 = tpu.memref_slice %arg5[%dma_start3A_102, %dma_start3A_106] : memref<16x128xi32, #tpu.memory_space<vmem>> -> memref<1x128xi32, #tpu.memory_space<vmem>>
      %dma_start3A_108 = tpu.memref_squeeze %dma_start3A_107 : memref<1x128xi32, #tpu.memory_space<vmem>> -> memref<128xi32, #tpu.memory_space<vmem>>
      %dma_start3A_109 = arith.constant 0 : i32
      %dma_start3A_110 = arith.constant 0 : i32
      %dma_start3A_111 = tpu.memref_slice %arg2[%dma_start3A_109, %dma_start3A_110] : memref<5120x128xf32, #tpu.memory_space<hbm>> -> memref<5120x128xf32, #tpu.memory_space<hbm>>
      tpu.enqueue_indirect_dma source(%dma_start3A_111 : memref<5120x128xf32, #tpu.memory_space<hbm>>) target(%dma_start3A_105 : memref<128x128xf32, #tpu.memory_space<vmem>>) offsets(%dma_start3A_108 : memref<128xi32, #tpu.memory_space<vmem>>) semaphore(%arg8 : memref<!tpu.dma_semaphore, #tpu.memory_space<semaphore_mem>>)
      %dma_wait3A_112 = arith.constant 2 : i32
      %dma_wait3A_113 = arith.constant 0 : i32
      %dma_wait3A_114 = arith.constant 0 : i32
      %dma_wait3A_115 = tpu.memref_slice %arg7[%dma_wait3A_113, %dma_wait3A_114] : memref<256x128xf32, #tpu.memory_space<vmem>> -> memref<128x128xf32, #tpu.memory_space<vmem>>
      %dma_wait3A_116 = arith.constant 0 : i32
      %dma_wait3A_117 = tpu.memref_slice %arg5[%dma_wait3A_112, %dma_wait3A_116] : memref<16x128xi32, #tpu.memory_space<vmem>> -> memref<1x128xi32, #tpu.memory_space<vmem>>
      %dma_wait3A_118 = tpu.memref_squeeze %dma_wait3A_117 : memref<1x128xi32, #tpu.memory_space<vmem>> -> memref<128xi32, #tpu.memory_space<vmem>>
      %dma_wait3A_119 = arith.constant 0 : i32
      %dma_wait3A_120 = arith.constant 0 : i32
      %dma_wait3A_121 = tpu.memref_slice %arg2[%dma_wait3A_119, %dma_wait3A_120] : memref<5120x128xf32, #tpu.memory_space<hbm>> -> memref<5120x128xf32, #tpu.memory_space<hbm>>
      tpu.wait_indirect_dma semaphore(%arg9 : memref<!tpu.dma_semaphore, #tpu.memory_space<semaphore_mem>>) src(%dma_wait3A_121 : memref<5120x128xf32, #tpu.memory_space<hbm>>) dst(%dma_wait3A_115 : memref<128x128xf32, #tpu.memory_space<vmem>>)
      %dma_wait3A_122 = arith.constant 3 : i32
      %dma_wait3A_123 = arith.constant 128 : i32
      %dma_wait3A_124 = arith.constant 0 : i32
      %dma_wait3A_125 = tpu.memref_slice %arg7[%dma_wait3A_123, %dma_wait3A_124] : memref<256x128xf32, #tpu.memory_space<vmem>> -> memref<128x128xf32, #tpu.memory_space<vmem>>
      %dma_wait3A_126 = arith.constant 0 : i32
      %dma_wait3A_127 = tpu.memref_slice %arg5[%dma_wait3A_122, %dma_wait3A_126] : memref<16x128xi32, #tpu.memory_space<vmem>> -> memref<1x128xi32, #tpu.memory_space<vmem>>
      %dma_wait3A_128 = tpu.memref_squeeze %dma_wait3A_127 : memref<1x128xi32, #tpu.memory_space<vmem>> -> memref<128xi32, #tpu.memory_space<vmem>>
      %dma_wait3A_129 = arith.constant 0 : i32
      %dma_wait3A_130 = arith.constant 0 : i32
      %dma_wait3A_131 = tpu.memref_slice %arg2[%dma_wait3A_129, %dma_wait3A_130] : memref<5120x128xf32, #tpu.memory_space<hbm>> -> memref<5120x128xf32, #tpu.memory_space<hbm>>
      tpu.wait_indirect_dma semaphore(%arg9 : memref<!tpu.dma_semaphore, #tpu.memory_space<semaphore_mem>>) src(%dma_wait3A_131 : memref<5120x128xf32, #tpu.memory_space<hbm>>) dst(%dma_wait3A_125 : memref<128x128xf32, #tpu.memory_space<vmem>>)
      %add3A_132 = arith.constant 256 : i32
      %add3A_133 = arith.addi %multiple_of3A, %add3A_132 : i32
      %multiple_of3A_134 = tpu.assume_multiple %add3A_133, 256 : i32
      "tpu.region"() ({
        %run_scoped3A = tpu.sem_alloc : memref<!tpu.dma_semaphore, #tpu.memory_space<semaphore_mem>>
        %dma_start3A_374 = arith.constant 0 : i32
        %dma_start3A_375 = tpu.memref_slice %arg4[%multiple_of3A_134, %dma_start3A_374] : memref<655360x128xf32, #tpu.memory_space<hbm>> -> memref<256x128xf32, #tpu.memory_space<hbm>>
        %dma_start3A_376 = arith.constant 0 : i32
        %dma_start3A_377 = tpu.memref_slice %arg4[%multiple_of3A_134, %dma_start3A_376] : memref<655360x128xf32, #tpu.memory_space<hbm>> -> memref<256x128xf32, #tpu.memory_space<hbm>>
        tpu.enqueue_dma source(%arg7 : memref<256x128xf32, #tpu.memory_space<vmem>>) target(%dma_start3A_377 : memref<256x128xf32, #tpu.memory_space<hbm>>) target_semaphore(%run_scoped3A : memref<!tpu.dma_semaphore, #tpu.memory_space<semaphore_mem>>)
        %dma_wait3A_378 = arith.constant 0 : i32
        %dma_wait3A_379 = tpu.memref_slice %arg4[%multiple_of3A_134, %dma_wait3A_378] : memref<655360x128xf32, #tpu.memory_space<hbm>> -> memref<256x128xf32, #tpu.memory_space<hbm>>
        %dma_wait3A_380 = arith.constant 0 : i32
        %dma_wait3A_381 = tpu.memref_slice %arg4[%multiple_of3A_134, %dma_wait3A_380] : memref<655360x128xf32, #tpu.memory_space<hbm>> -> memref<256x128xf32, #tpu.memory_space<hbm>>
        tpu.wait_dma2 semaphore(%run_scoped3A : memref<!tpu.dma_semaphore, #tpu.memory_space<semaphore_mem>>) src(%arg7 : memref<256x128xf32, #tpu.memory_space<vmem>>) dst(%dma_wait3A_381 : memref<256x128xf32, #tpu.memory_space<hbm>>)
        tpu.yield
      }) : () -> ()
      %dma_start3A_135 = arith.constant 6 : i32
      %dma_start3A_136 = arith.constant 0 : i32
      %dma_start3A_137 = arith.constant 0 : i32
      %dma_start3A_138 = tpu.memref_slice %arg7[%dma_start3A_136, %dma_start3A_137] : memref<256x128xf32, #tpu.memory_space<vmem>> -> memref<128x128xf32, #tpu.memory_space<vmem>>
      %dma_start3A_139 = arith.constant 0 : i32
      %dma_start3A_140 = tpu.memref_slice %arg5[%dma_start3A_135, %dma_start3A_139] : memref<16x128xi32, #tpu.memory_space<vmem>> -> memref<1x128xi32, #tpu.memory_space<vmem>>
      %dma_start3A_141 = tpu.memref_squeeze %dma_start3A_140 : memref<1x128xi32, #tpu.memory_space<vmem>> -> memref<128xi32, #tpu.memory_space<vmem>>
      %dma_start3A_142 = arith.constant 0 : i32
      %dma_start3A_143 = arith.constant 0 : i32
      %dma_start3A_144 = tpu.memref_slice %arg2[%dma_start3A_142, %dma_start3A_143] : memref<5120x128xf32, #tpu.memory_space<hbm>> -> memref<5120x128xf32, #tpu.memory_space<hbm>>
      tpu.enqueue_indirect_dma source(%dma_start3A_144 : memref<5120x128xf32, #tpu.memory_space<hbm>>) target(%dma_start3A_138 : memref<128x128xf32, #tpu.memory_space<vmem>>) offsets(%dma_start3A_141 : memref<128xi32, #tpu.memory_space<vmem>>) semaphore(%arg9 : memref<!tpu.dma_semaphore, #tpu.memory_space<semaphore_mem>>)
      %dma_start3A_145 = arith.constant 7 : i32
      %dma_start3A_146 = arith.constant 128 : i32
      %dma_start3A_147 = arith.constant 0 : i32
      %dma_start3A_148 = tpu.memref_slice %arg7[%dma_start3A_146, %dma_start3A_147] : memref<256x128xf32, #tpu.memory_space<vmem>> -> memref<128x128xf32, #tpu.memory_space<vmem>>
      %dma_start3A_149 = arith.constant 0 : i32
      %dma_start3A_150 = tpu.memref_slice %arg5[%dma_start3A_145, %dma_start3A_149] : memref<16x128xi32, #tpu.memory_space<vmem>> -> memref<1x128xi32, #tpu.memory_space<vmem>>
      %dma_start3A_151 = tpu.memref_squeeze %dma_start3A_150 : memref<1x128xi32, #tpu.memory_space<vmem>> -> memref<128xi32, #tpu.memory_space<vmem>>
      %dma_start3A_152 = arith.constant 0 : i32
      %dma_start3A_153 = arith.constant 0 : i32
      %dma_start3A_154 = tpu.memref_slice %arg2[%dma_start3A_152, %dma_start3A_153] : memref<5120x128xf32, #tpu.memory_space<hbm>> -> memref<5120x128xf32, #tpu.memory_space<hbm>>
      tpu.enqueue_indirect_dma source(%dma_start3A_154 : memref<5120x128xf32, #tpu.memory_space<hbm>>) target(%dma_start3A_148 : memref<128x128xf32, #tpu.memory_space<vmem>>) offsets(%dma_start3A_151 : memref<128xi32, #tpu.memory_space<vmem>>) semaphore(%arg9 : memref<!tpu.dma_semaphore, #tpu.memory_space<semaphore_mem>>)
      %dma_wait3A_155 = arith.constant 4 : i32
      %dma_wait3A_156 = arith.constant 0 : i32
      %dma_wait3A_157 = arith.constant 0 : i32
      %dma_wait3A_158 = tpu.memref_slice %arg6[%dma_wait3A_156, %dma_wait3A_157] : memref<256x128xf32, #tpu.memory_space<vmem>> -> memref<128x128xf32, #tpu.memory_space<vmem>>
      %dma_wait3A_159 = arith.constant 0 : i32
      %dma_wait3A_160 = tpu.memref_slice %arg5[%dma_wait3A_155, %dma_wait3A_159] : memref<16x128xi32, #tpu.memory_space<vmem>> -> memref<1x128xi32, #tpu.memory_space<vmem>>
      %dma_wait3A_161 = tpu.memref_squeeze %dma_wait3A_160 : memref<1x128xi32, #tpu.memory_space<vmem>> -> memref<128xi32, #tpu.memory_space<vmem>>
      %dma_wait3A_162 = arith.constant 0 : i32
      %dma_wait3A_163 = arith.constant 0 : i32
      %dma_wait3A_164 = tpu.memref_slice %arg2[%dma_wait3A_162, %dma_wait3A_163] : memref<5120x128xf32, #tpu.memory_space<hbm>> -> memref<5120x128xf32, #tpu.memory_space<hbm>>
      tpu.wait_indirect_dma semaphore(%arg8 : memref<!tpu.dma_semaphore, #tpu.memory_space<semaphore_mem>>) src(%dma_wait3A_164 : memref<5120x128xf32, #tpu.memory_space<hbm>>) dst(%dma_wait3A_158 : memref<128x128xf32, #tpu.memory_space<vmem>>)
      %dma_wait3A_165 = arith.constant 5 : i32
      %dma_wait3A_166 = arith.constant 128 : i32
      %dma_wait3A_167 = arith.constant 0 : i32
      %dma_wait3A_168 = tpu.memref_slice %arg6[%dma_wait3A_166, %dma_wait3A_167] : memref<256x128xf32, #tpu.memory_space<vmem>> -> memref<128x128xf32, #tpu.memory_space<vmem>>
      %dma_wait3A_169 = arith.constant 0 : i32
      %dma_wait3A_170 = tpu.memref_slice %arg5[%dma_wait3A_165, %dma_wait3A_169] : memref<16x128xi32, #tpu.memory_space<vmem>> -> memref<1x128xi32, #tpu.memory_space<vmem>>
      %dma_wait3A_171 = tpu.memref_squeeze %dma_wait3A_170 : memref<1x128xi32, #tpu.memory_space<vmem>> -> memref<128xi32, #tpu.memory_space<vmem>>
      %dma_wait3A_172 = arith.constant 0 : i32
      %dma_wait3A_173 = arith.constant 0 : i32
      %dma_wait3A_174 = tpu.memref_slice %arg2[%dma_wait3A_172, %dma_wait3A_173] : memref<5120x128xf32, #tpu.memory_space<hbm>> -> memref<5120x128xf32, #tpu.memory_space<hbm>>
      tpu.wait_indirect_dma semaphore(%arg8 : memref<!tpu.dma_semaphore, #tpu.memory_space<semaphore_mem>>) src(%dma_wait3A_174 : memref<5120x128xf32, #tpu.memory_space<hbm>>) dst(%dma_wait3A_168 : memref<128x128xf32, #tpu.memory_space<vmem>>)
      %add3A_175 = arith.constant 512 : i32
      %add3A_176 = arith.addi %multiple_of3A, %add3A_175 : i32
      %multiple_of3A_177 = tpu.assume_multiple %add3A_176, 256 : i32
      "tpu.region"() ({
        %run_scoped3A = tpu.sem_alloc : memref<!tpu.dma_semaphore, #tpu.memory_space<semaphore_mem>>
        %dma_start3A_374 = arith.constant 0 : i32
        %dma_start3A_375 = tpu.memref_slice %arg4[%multiple_of3A_177, %dma_start3A_374] : memref<655360x128xf32, #tpu.memory_space<hbm>> -> memref<256x128xf32, #tpu.memory_space<hbm>>
        %dma_start3A_376 = arith.constant 0 : i32
        %dma_start3A_377 = tpu.memref_slice %arg4[%multiple_of3A_177, %dma_start3A_376] : memref<655360x128xf32, #tpu.memory_space<hbm>> -> memref<256x128xf32, #tpu.memory_space<hbm>>
        tpu.enqueue_dma source(%arg6 : memref<256x128xf32, #tpu.memory_space<vmem>>) target(%dma_start3A_377 : memref<256x128xf32, #tpu.memory_space<hbm>>) target_semaphore(%run_scoped3A : memref<!tpu.dma_semaphore, #tpu.memory_space<semaphore_mem>>)
        %dma_wait3A_378 = arith.constant 0 : i32
        %dma_wait3A_379 = tpu.memref_slice %arg4[%multiple_of3A_177, %dma_wait3A_378] : memref<655360x128xf32, #tpu.memory_space<hbm>> -> memref<256x128xf32, #tpu.memory_space<hbm>>
        %dma_wait3A_380 = arith.constant 0 : i32
        %dma_wait3A_381 = tpu.memref_slice %arg4[%multiple_of3A_177, %dma_wait3A_380] : memref<655360x128xf32, #tpu.memory_space<hbm>> -> memref<256x128xf32, #tpu.memory_space<hbm>>
        tpu.wait_dma2 semaphore(%run_scoped3A : memref<!tpu.dma_semaphore, #tpu.memory_space<semaphore_mem>>) src(%arg6 : memref<256x128xf32, #tpu.memory_space<vmem>>) dst(%dma_wait3A_381 : memref<256x128xf32, #tpu.memory_space<hbm>>)
        tpu.yield
      }) : () -> ()
      %dma_start3A_178 = arith.constant 8 : i32
      %dma_start3A_179 = arith.constant 0 : i32
      %dma_start3A_180 = arith.constant 0 : i32
      %dma_start3A_181 = tpu.memref_slice %arg6[%dma_start3A_179, %dma_start3A_180] : memref<256x128xf32, #tpu.memory_space<vmem>> -> memref<128x128xf32, #tpu.memory_space<vmem>>
      %dma_start3A_182 = arith.constant 0 : i32
      %dma_start3A_183 = tpu.memref_slice %arg5[%dma_start3A_178, %dma_start3A_182] : memref<16x128xi32, #tpu.memory_space<vmem>> -> memref<1x128xi32, #tpu.memory_space<vmem>>
      %dma_start3A_184 = tpu.memref_squeeze %dma_start3A_183 : memref<1x128xi32, #tpu.memory_space<vmem>> -> memref<128xi32, #tpu.memory_space<vmem>>
      %dma_start3A_185 = arith.constant 0 : i32
      %dma_start3A_186 = arith.constant 0 : i32
      %dma_start3A_187 = tpu.memref_slice %arg2[%dma_start3A_185, %dma_start3A_186] : memref<5120x128xf32, #tpu.memory_space<hbm>> -> memref<5120x128xf32, #tpu.memory_space<hbm>>
      tpu.enqueue_indirect_dma source(%dma_start3A_187 : memref<5120x128xf32, #tpu.memory_space<hbm>>) target(%dma_start3A_181 : memref<128x128xf32, #tpu.memory_space<vmem>>) offsets(%dma_start3A_184 : memref<128xi32, #tpu.memory_space<vmem>>) semaphore(%arg8 : memref<!tpu.dma_semaphore, #tpu.memory_space<semaphore_mem>>)
      %dma_start3A_188 = arith.constant 9 : i32
      %dma_start3A_189 = arith.constant 128 : i32
      %dma_start3A_190 = arith.constant 0 : i32
      %dma_start3A_191 = tpu.memref_slice %arg6[%dma_start3A_189, %dma_start3A_190] : memref<256x128xf32, #tpu.memory_space<vmem>> -> memref<128x128xf32, #tpu.memory_space<vmem>>
      %dma_start3A_192 = arith.constant 0 : i32
      %dma_start3A_193 = tpu.memref_slice %arg5[%dma_start3A_188, %dma_start3A_192] : memref<16x128xi32, #tpu.memory_space<vmem>> -> memref<1x128xi32, #tpu.memory_space<vmem>>
      %dma_start3A_194 = tpu.memref_squeeze %dma_start3A_193 : memref<1x128xi32, #tpu.memory_space<vmem>> -> memref<128xi32, #tpu.memory_space<vmem>>
      %dma_start3A_195 = arith.constant 0 : i32
      %dma_start3A_196 = arith.constant 0 : i32
      %dma_start3A_197 = tpu.memref_slice %arg2[%dma_start3A_195, %dma_start3A_196] : memref<5120x128xf32, #tpu.memory_space<hbm>> -> memref<5120x128xf32, #tpu.memory_space<hbm>>
      tpu.enqueue_indirect_dma source(%dma_start3A_197 : memref<5120x128xf32, #tpu.memory_space<hbm>>) target(%dma_start3A_191 : memref<128x128xf32, #tpu.memory_space<vmem>>) offsets(%dma_start3A_194 : memref<128xi32, #tpu.memory_space<vmem>>) semaphore(%arg8 : memref<!tpu.dma_semaphore, #tpu.memory_space<semaphore_mem>>)
      %dma_wait3A_198 = arith.constant 6 : i32
      %dma_wait3A_199 = arith.constant 0 : i32
      %dma_wait3A_200 = arith.constant 0 : i32
      %dma_wait3A_201 = tpu.memref_slice %arg7[%dma_wait3A_199, %dma_wait3A_200] : memref<256x128xf32, #tpu.memory_space<vmem>> -> memref<128x128xf32, #tpu.memory_space<vmem>>
      %dma_wait3A_202 = arith.constant 0 : i32
      %dma_wait3A_203 = tpu.memref_slice %arg5[%dma_wait3A_198, %dma_wait3A_202] : memref<16x128xi32, #tpu.memory_space<vmem>> -> memref<1x128xi32, #tpu.memory_space<vmem>>
      %dma_wait3A_204 = tpu.memref_squeeze %dma_wait3A_203 : memref<1x128xi32, #tpu.memory_space<vmem>> -> memref<128xi32, #tpu.memory_space<vmem>>
      %dma_wait3A_205 = arith.constant 0 : i32
      %dma_wait3A_206 = arith.constant 0 : i32
      %dma_wait3A_207 = tpu.memref_slice %arg2[%dma_wait3A_205, %dma_wait3A_206] : memref<5120x128xf32, #tpu.memory_space<hbm>> -> memref<5120x128xf32, #tpu.memory_space<hbm>>
      tpu.wait_indirect_dma semaphore(%arg9 : memref<!tpu.dma_semaphore, #tpu.memory_space<semaphore_mem>>) src(%dma_wait3A_207 : memref<5120x128xf32, #tpu.memory_space<hbm>>) dst(%dma_wait3A_201 : memref<128x128xf32, #tpu.memory_space<vmem>>)
      %dma_wait3A_208 = arith.constant 7 : i32
      %dma_wait3A_209 = arith.constant 128 : i32
      %dma_wait3A_210 = arith.constant 0 : i32
      %dma_wait3A_211 = tpu.memref_slice %arg7[%dma_wait3A_209, %dma_wait3A_210] : memref<256x128xf32, #tpu.memory_space<vmem>> -> memref<128x128xf32, #tpu.memory_space<vmem>>
      %dma_wait3A_212 = arith.constant 0 : i32
      %dma_wait3A_213 = tpu.memref_slice %arg5[%dma_wait3A_208, %dma_wait3A_212] : memref<16x128xi32, #tpu.memory_space<vmem>> -> memref<1x128xi32, #tpu.memory_space<vmem>>
      %dma_wait3A_214 = tpu.memref_squeeze %dma_wait3A_213 : memref<1x128xi32, #tpu.memory_space<vmem>> -> memref<128xi32, #tpu.memory_space<vmem>>
      %dma_wait3A_215 = arith.constant 0 : i32
      %dma_wait3A_216 = arith.constant 0 : i32
      %dma_wait3A_217 = tpu.memref_slice %arg2[%dma_wait3A_215, %dma_wait3A_216] : memref<5120x128xf32, #tpu.memory_space<hbm>> -> memref<5120x128xf32, #tpu.memory_space<hbm>>
      tpu.wait_indirect_dma semaphore(%arg9 : memref<!tpu.dma_semaphore, #tpu.memory_space<semaphore_mem>>) src(%dma_wait3A_217 : memref<5120x128xf32, #tpu.memory_space<hbm>>) dst(%dma_wait3A_211 : memref<128x128xf32, #tpu.memory_space<vmem>>)
      %add3A_218 = arith.constant 768 : i32
      %add3A_219 = arith.addi %multiple_of3A, %add3A_218 : i32
      %multiple_of3A_220 = tpu.assume_multiple %add3A_219, 256 : i32
      "tpu.region"() ({
        %run_scoped3A = tpu.sem_alloc : memref<!tpu.dma_semaphore, #tpu.memory_space<semaphore_mem>>
        %dma_start3A_374 = arith.constant 0 : i32
        %dma_start3A_375 = tpu.memref_slice %arg4[%multiple_of3A_220, %dma_start3A_374] : memref<655360x128xf32, #tpu.memory_space<hbm>> -> memref<256x128xf32, #tpu.memory_space<hbm>>
        %dma_start3A_376 = arith.constant 0 : i32
        %dma_start3A_377 = tpu.memref_slice %arg4[%multiple_of3A_220, %dma_start3A_376] : memref<655360x128xf32, #tpu.memory_space<hbm>> -> memref<256x128xf32, #tpu.memory_space<hbm>>
        tpu.enqueue_dma source(%arg7 : memref<256x128xf32, #tpu.memory_space<vmem>>) target(%dma_start3A_377 : memref<256x128xf32, #tpu.memory_space<hbm>>) target_semaphore(%run_scoped3A : memref<!tpu.dma_semaphore, #tpu.memory_space<semaphore_mem>>)
        %dma_wait3A_378 = arith.constant 0 : i32
        %dma_wait3A_379 = tpu.memref_slice %arg4[%multiple_of3A_220, %dma_wait3A_378] : memref<655360x128xf32, #tpu.memory_space<hbm>> -> memref<256x128xf32, #tpu.memory_space<hbm>>
        %dma_wait3A_380 = arith.constant 0 : i32
        %dma_wait3A_381 = tpu.memref_slice %arg4[%multiple_of3A_220, %dma_wait3A_380] : memref<655360x128xf32, #tpu.memory_space<hbm>> -> memref<256x128xf32, #tpu.memory_space<hbm>>
        tpu.wait_dma2 semaphore(%run_scoped3A : memref<!tpu.dma_semaphore, #tpu.memory_space<semaphore_mem>>) src(%arg7 : memref<256x128xf32, #tpu.memory_space<vmem>>) dst(%dma_wait3A_381 : memref<256x128xf32, #tpu.memory_space<hbm>>)
        tpu.yield
      }) : () -> ()
      %dma_start3A_221 = arith.constant 10 : i32
      %dma_start3A_222 = arith.constant 0 : i32
      %dma_start3A_223 = arith.constant 0 : i32
      %dma_start3A_224 = tpu.memref_slice %arg7[%dma_start3A_222, %dma_start3A_223] : memref<256x128xf32, #tpu.memory_space<vmem>> -> memref<128x128xf32, #tpu.memory_space<vmem>>
      %dma_start3A_225 = arith.constant 0 : i32
      %dma_start3A_226 = tpu.memref_slice %arg5[%dma_start3A_221, %dma_start3A_225] : memref<16x128xi32, #tpu.memory_space<vmem>> -> memref<1x128xi32, #tpu.memory_space<vmem>>
      %dma_start3A_227 = tpu.memref_squeeze %dma_start3A_226 : memref<1x128xi32, #tpu.memory_space<vmem>> -> memref<128xi32, #tpu.memory_space<vmem>>
      %dma_start3A_228 = arith.constant 0 : i32
      %dma_start3A_229 = arith.constant 0 : i32
      %dma_start3A_230 = tpu.memref_slice %arg2[%dma_start3A_228, %dma_start3A_229] : memref<5120x128xf32, #tpu.memory_space<hbm>> -> memref<5120x128xf32, #tpu.memory_space<hbm>>
      tpu.enqueue_indirect_dma source(%dma_start3A_230 : memref<5120x128xf32, #tpu.memory_space<hbm>>) target(%dma_start3A_224 : memref<128x128xf32, #tpu.memory_space<vmem>>) offsets(%dma_start3A_227 : memref<128xi32, #tpu.memory_space<vmem>>) semaphore(%arg9 : memref<!tpu.dma_semaphore, #tpu.memory_space<semaphore_mem>>)
      %dma_start3A_231 = arith.constant 11 : i32
      %dma_start3A_232 = arith.constant 128 : i32
      %dma_start3A_233 = arith.constant 0 : i32
      %dma_start3A_234 = tpu.memref_slice %arg7[%dma_start3A_232, %dma_start3A_233] : memref<256x128xf32, #tpu.memory_space<vmem>> -> memref<128x128xf32, #tpu.memory_space<vmem>>
      %dma_start3A_235 = arith.constant 0 : i32
      %dma_start3A_236 = tpu.memref_slice %arg5[%dma_start3A_231, %dma_start3A_235] : memref<16x128xi32, #tpu.memory_space<vmem>> -> memref<1x128xi32, #tpu.memory_space<vmem>>
      %dma_start3A_237 = tpu.memref_squeeze %dma_start3A_236 : memref<1x128xi32, #tpu.memory_space<vmem>> -> memref<128xi32, #tpu.memory_space<vmem>>
      %dma_start3A_238 = arith.constant 0 : i32
      %dma_start3A_239 = arith.constant 0 : i32
      %dma_start3A_240 = tpu.memref_slice %arg2[%dma_start3A_238, %dma_start3A_239] : memref<5120x128xf32, #tpu.memory_space<hbm>> -> memref<5120x128xf32, #tpu.memory_space<hbm>>
      tpu.enqueue_indirect_dma source(%dma_start3A_240 : memref<5120x128xf32, #tpu.memory_space<hbm>>) target(%dma_start3A_234 : memref<128x128xf32, #tpu.memory_space<vmem>>) offsets(%dma_start3A_237 : memref<128xi32, #tpu.memory_space<vmem>>) semaphore(%arg9 : memref<!tpu.dma_semaphore, #tpu.memory_space<semaphore_mem>>)
      %dma_wait3A_241 = arith.constant 8 : i32
      %dma_wait3A_242 = arith.constant 0 : i32
      %dma_wait3A_243 = arith.constant 0 : i32
      %dma_wait3A_244 = tpu.memref_slice %arg6[%dma_wait3A_242, %dma_wait3A_243] : memref<256x128xf32, #tpu.memory_space<vmem>> -> memref<128x128xf32, #tpu.memory_space<vmem>>
      %dma_wait3A_245 = arith.constant 0 : i32
      %dma_wait3A_246 = tpu.memref_slice %arg5[%dma_wait3A_241, %dma_wait3A_245] : memref<16x128xi32, #tpu.memory_space<vmem>> -> memref<1x128xi32, #tpu.memory_space<vmem>>
      %dma_wait3A_247 = tpu.memref_squeeze %dma_wait3A_246 : memref<1x128xi32, #tpu.memory_space<vmem>> -> memref<128xi32, #tpu.memory_space<vmem>>
      %dma_wait3A_248 = arith.constant 0 : i32
      %dma_wait3A_249 = arith.constant 0 : i32
      %dma_wait3A_250 = tpu.memref_slice %arg2[%dma_wait3A_248, %dma_wait3A_249] : memref<5120x128xf32, #tpu.memory_space<hbm>> -> memref<5120x128xf32, #tpu.memory_space<hbm>>
      tpu.wait_indirect_dma semaphore(%arg8 : memref<!tpu.dma_semaphore, #tpu.memory_space<semaphore_mem>>) src(%dma_wait3A_250 : memref<5120x128xf32, #tpu.memory_space<hbm>>) dst(%dma_wait3A_244 : memref<128x128xf32, #tpu.memory_space<vmem>>)
      %dma_wait3A_251 = arith.constant 9 : i32
      %dma_wait3A_252 = arith.constant 128 : i32
      %dma_wait3A_253 = arith.constant 0 : i32
      %dma_wait3A_254 = tpu.memref_slice %arg6[%dma_wait3A_252, %dma_wait3A_253] : memref<256x128xf32, #tpu.memory_space<vmem>> -> memref<128x128xf32, #tpu.memory_space<vmem>>
      %dma_wait3A_255 = arith.constant 0 : i32
      %dma_wait3A_256 = tpu.memref_slice %arg5[%dma_wait3A_251, %dma_wait3A_255] : memref<16x128xi32, #tpu.memory_space<vmem>> -> memref<1x128xi32, #tpu.memory_space<vmem>>
      %dma_wait3A_257 = tpu.memref_squeeze %dma_wait3A_256 : memref<1x128xi32, #tpu.memory_space<vmem>> -> memref<128xi32, #tpu.memory_space<vmem>>
      %dma_wait3A_258 = arith.constant 0 : i32
      %dma_wait3A_259 = arith.constant 0 : i32
      %dma_wait3A_260 = tpu.memref_slice %arg2[%dma_wait3A_258, %dma_wait3A_259] : memref<5120x128xf32, #tpu.memory_space<hbm>> -> memref<5120x128xf32, #tpu.memory_space<hbm>>
      tpu.wait_indirect_dma semaphore(%arg8 : memref<!tpu.dma_semaphore, #tpu.memory_space<semaphore_mem>>) src(%dma_wait3A_260 : memref<5120x128xf32, #tpu.memory_space<hbm>>) dst(%dma_wait3A_254 : memref<128x128xf32, #tpu.memory_space<vmem>>)
      %add3A_261 = arith.constant 1024 : i32
      %add3A_262 = arith.addi %multiple_of3A, %add3A_261 : i32
      %multiple_of3A_263 = tpu.assume_multiple %add3A_262, 256 : i32
      "tpu.region"() ({
        %run_scoped3A = tpu.sem_alloc : memref<!tpu.dma_semaphore, #tpu.memory_space<semaphore_mem>>
        %dma_start3A_374 = arith.constant 0 : i32
        %dma_start3A_375 = tpu.memref_slice %arg4[%multiple_of3A_263, %dma_start3A_374] : memref<655360x128xf32, #tpu.memory_space<hbm>> -> memref<256x128xf32, #tpu.memory_space<hbm>>
        %dma_start3A_376 = arith.constant 0 : i32
        %dma_start3A_377 = tpu.memref_slice %arg4[%multiple_of3A_263, %dma_start3A_376] : memref<655360x128xf32, #tpu.memory_space<hbm>> -> memref<256x128xf32, #tpu.memory_space<hbm>>
        tpu.enqueue_dma source(%arg6 : memref<256x128xf32, #tpu.memory_space<vmem>>) target(%dma_start3A_377 : memref<256x128xf32, #tpu.memory_space<hbm>>) target_semaphore(%run_scoped3A : memref<!tpu.dma_semaphore, #tpu.memory_space<semaphore_mem>>)
        %dma_wait3A_378 = arith.constant 0 : i32
        %dma_wait3A_379 = tpu.memref_slice %arg4[%multiple_of3A_263, %dma_wait3A_378] : memref<655360x128xf32, #tpu.memory_space<hbm>> -> memref<256x128xf32, #tpu.memory_space<hbm>>
        %dma_wait3A_380 = arith.constant 0 : i32
        %dma_wait3A_381 = tpu.memref_slice %arg4[%multiple_of3A_263, %dma_wait3A_380] : memref<655360x128xf32, #tpu.memory_space<hbm>> -> memref<256x128xf32, #tpu.memory_space<hbm>>
        tpu.wait_dma2 semaphore(%run_scoped3A : memref<!tpu.dma_semaphore, #tpu.memory_space<semaphore_mem>>) src(%arg6 : memref<256x128xf32, #tpu.memory_space<vmem>>) dst(%dma_wait3A_381 : memref<256x128xf32, #tpu.memory_space<hbm>>)
        tpu.yield
      }) : () -> ()
      %dma_start3A_264 = arith.constant 12 : i32
      %dma_start3A_265 = arith.constant 0 : i32
      %dma_start3A_266 = arith.constant 0 : i32
      %dma_start3A_267 = tpu.memref_slice %arg6[%dma_start3A_265, %dma_start3A_266] : memref<256x128xf32, #tpu.memory_space<vmem>> -> memref<128x128xf32, #tpu.memory_space<vmem>>
      %dma_start3A_268 = arith.constant 0 : i32
      %dma_start3A_269 = tpu.memref_slice %arg5[%dma_start3A_264, %dma_start3A_268] : memref<16x128xi32, #tpu.memory_space<vmem>> -> memref<1x128xi32, #tpu.memory_space<vmem>>
      %dma_start3A_270 = tpu.memref_squeeze %dma_start3A_269 : memref<1x128xi32, #tpu.memory_space<vmem>> -> memref<128xi32, #tpu.memory_space<vmem>>
      %dma_start3A_271 = arith.constant 0 : i32
      %dma_start3A_272 = arith.constant 0 : i32
      %dma_start3A_273 = tpu.memref_slice %arg2[%dma_start3A_271, %dma_start3A_272] : memref<5120x128xf32, #tpu.memory_space<hbm>> -> memref<5120x128xf32, #tpu.memory_space<hbm>>
      tpu.enqueue_indirect_dma source(%dma_start3A_273 : memref<5120x128xf32, #tpu.memory_space<hbm>>) target(%dma_start3A_267 : memref<128x128xf32, #tpu.memory_space<vmem>>) offsets(%dma_start3A_270 : memref<128xi32, #tpu.memory_space<vmem>>) semaphore(%arg8 : memref<!tpu.dma_semaphore, #tpu.memory_space<semaphore_mem>>)
      %dma_start3A_274 = arith.constant 13 : i32
      %dma_start3A_275 = arith.constant 128 : i32
      %dma_start3A_276 = arith.constant 0 : i32
      %dma_start3A_277 = tpu.memref_slice %arg6[%dma_start3A_275, %dma_start3A_276] : memref<256x128xf32, #tpu.memory_space<vmem>> -> memref<128x128xf32, #tpu.memory_space<vmem>>
      %dma_start3A_278 = arith.constant 0 : i32
      %dma_start3A_279 = tpu.memref_slice %arg5[%dma_start3A_274, %dma_start3A_278] : memref<16x128xi32, #tpu.memory_space<vmem>> -> memref<1x128xi32, #tpu.memory_space<vmem>>
      %dma_start3A_280 = tpu.memref_squeeze %dma_start3A_279 : memref<1x128xi32, #tpu.memory_space<vmem>> -> memref<128xi32, #tpu.memory_space<vmem>>
      %dma_start3A_281 = arith.constant 0 : i32
      %dma_start3A_282 = arith.constant 0 : i32
      %dma_start3A_283 = tpu.memref_slice %arg2[%dma_start3A_281, %dma_start3A_282] : memref<5120x128xf32, #tpu.memory_space<hbm>> -> memref<5120x128xf32, #tpu.memory_space<hbm>>
      tpu.enqueue_indirect_dma source(%dma_start3A_283 : memref<5120x128xf32, #tpu.memory_space<hbm>>) target(%dma_start3A_277 : memref<128x128xf32, #tpu.memory_space<vmem>>) offsets(%dma_start3A_280 : memref<128xi32, #tpu.memory_space<vmem>>) semaphore(%arg8 : memref<!tpu.dma_semaphore, #tpu.memory_space<semaphore_mem>>)
      %dma_wait3A_284 = arith.constant 10 : i32
      %dma_wait3A_285 = arith.constant 0 : i32
      %dma_wait3A_286 = arith.constant 0 : i32
      %dma_wait3A_287 = tpu.memref_slice %arg7[%dma_wait3A_285, %dma_wait3A_286] : memref<256x128xf32, #tpu.memory_space<vmem>> -> memref<128x128xf32, #tpu.memory_space<vmem>>
      %dma_wait3A_288 = arith.constant 0 : i32
      %dma_wait3A_289 = tpu.memref_slice %arg5[%dma_wait3A_284, %dma_wait3A_288] : memref<16x128xi32, #tpu.memory_space<vmem>> -> memref<1x128xi32, #tpu.memory_space<vmem>>
      %dma_wait3A_290 = tpu.memref_squeeze %dma_wait3A_289 : memref<1x128xi32, #tpu.memory_space<vmem>> -> memref<128xi32, #tpu.memory_space<vmem>>
      %dma_wait3A_291 = arith.constant 0 : i32
      %dma_wait3A_292 = arith.constant 0 : i32
      %dma_wait3A_293 = tpu.memref_slice %arg2[%dma_wait3A_291, %dma_wait3A_292] : memref<5120x128xf32, #tpu.memory_space<hbm>> -> memref<5120x128xf32, #tpu.memory_space<hbm>>
      tpu.wait_indirect_dma semaphore(%arg9 : memref<!tpu.dma_semaphore, #tpu.memory_space<semaphore_mem>>) src(%dma_wait3A_293 : memref<5120x128xf32, #tpu.memory_space<hbm>>) dst(%dma_wait3A_287 : memref<128x128xf32, #tpu.memory_space<vmem>>)
      %dma_wait3A_294 = arith.constant 11 : i32
      %dma_wait3A_295 = arith.constant 128 : i32
      %dma_wait3A_296 = arith.constant 0 : i32
      %dma_wait3A_297 = tpu.memref_slice %arg7[%dma_wait3A_295, %dma_wait3A_296] : memref<256x128xf32, #tpu.memory_space<vmem>> -> memref<128x128xf32, #tpu.memory_space<vmem>>
      %dma_wait3A_298 = arith.constant 0 : i32
      %dma_wait3A_299 = tpu.memref_slice %arg5[%dma_wait3A_294, %dma_wait3A_298] : memref<16x128xi32, #tpu.memory_space<vmem>> -> memref<1x128xi32, #tpu.memory_space<vmem>>
      %dma_wait3A_300 = tpu.memref_squeeze %dma_wait3A_299 : memref<1x128xi32, #tpu.memory_space<vmem>> -> memref<128xi32, #tpu.memory_space<vmem>>
      %dma_wait3A_301 = arith.constant 0 : i32
      %dma_wait3A_302 = arith.constant 0 : i32
      %dma_wait3A_303 = tpu.memref_slice %arg2[%dma_wait3A_301, %dma_wait3A_302] : memref<5120x128xf32, #tpu.memory_space<hbm>> -> memref<5120x128xf32, #tpu.memory_space<hbm>>
      tpu.wait_indirect_dma semaphore(%arg9 : memref<!tpu.dma_semaphore, #tpu.memory_space<semaphore_mem>>) src(%dma_wait3A_303 : memref<5120x128xf32, #tpu.memory_space<hbm>>) dst(%dma_wait3A_297 : memref<128x128xf32, #tpu.memory_space<vmem>>)
      %add3A_304 = arith.constant 1280 : i32
      %add3A_305 = arith.addi %multiple_of3A, %add3A_304 : i32
      %multiple_of3A_306 = tpu.assume_multiple %add3A_305, 256 : i32
      "tpu.region"() ({
        %run_scoped3A = tpu.sem_alloc : memref<!tpu.dma_semaphore, #tpu.memory_space<semaphore_mem>>
        %dma_start3A_374 = arith.constant 0 : i32
        %dma_start3A_375 = tpu.memref_slice %arg4[%multiple_of3A_306, %dma_start3A_374] : memref<655360x128xf32, #tpu.memory_space<hbm>> -> memref<256x128xf32, #tpu.memory_space<hbm>>
        %dma_start3A_376 = arith.constant 0 : i32
        %dma_start3A_377 = tpu.memref_slice %arg4[%multiple_of3A_306, %dma_start3A_376] : memref<655360x128xf32, #tpu.memory_space<hbm>> -> memref<256x128xf32, #tpu.memory_space<hbm>>
        tpu.enqueue_dma source(%arg7 : memref<256x128xf32, #tpu.memory_space<vmem>>) target(%dma_start3A_377 : memref<256x128xf32, #tpu.memory_space<hbm>>) target_semaphore(%run_scoped3A : memref<!tpu.dma_semaphore, #tpu.memory_space<semaphore_mem>>)
        %dma_wait3A_378 = arith.constant 0 : i32
        %dma_wait3A_379 = tpu.memref_slice %arg4[%multiple_of3A_306, %dma_wait3A_378] : memref<655360x128xf32, #tpu.memory_space<hbm>> -> memref<256x128xf32, #tpu.memory_space<hbm>>
        %dma_wait3A_380 = arith.constant 0 : i32
        %dma_wait3A_381 = tpu.memref_slice %arg4[%multiple_of3A_306, %dma_wait3A_380] : memref<655360x128xf32, #tpu.memory_space<hbm>> -> memref<256x128xf32, #tpu.memory_space<hbm>>
        tpu.wait_dma2 semaphore(%run_scoped3A : memref<!tpu.dma_semaphore, #tpu.memory_space<semaphore_mem>>) src(%arg7 : memref<256x128xf32, #tpu.memory_space<vmem>>) dst(%dma_wait3A_381 : memref<256x128xf32, #tpu.memory_space<hbm>>)
        tpu.yield
      }) : () -> ()
      %dma_start3A_307 = arith.constant 14 : i32
      %dma_start3A_308 = arith.constant 0 : i32
      %dma_start3A_309 = arith.constant 0 : i32
      %dma_start3A_310 = tpu.memref_slice %arg7[%dma_start3A_308, %dma_start3A_309] : memref<256x128xf32, #tpu.memory_space<vmem>> -> memref<128x128xf32, #tpu.memory_space<vmem>>
      %dma_start3A_311 = arith.constant 0 : i32
      %dma_start3A_312 = tpu.memref_slice %arg5[%dma_start3A_307, %dma_start3A_311] : memref<16x128xi32, #tpu.memory_space<vmem>> -> memref<1x128xi32, #tpu.memory_space<vmem>>
      %dma_start3A_313 = tpu.memref_squeeze %dma_start3A_312 : memref<1x128xi32, #tpu.memory_space<vmem>> -> memref<128xi32, #tpu.memory_space<vmem>>
      %dma_start3A_314 = arith.constant 0 : i32
      %dma_start3A_315 = arith.constant 0 : i32
      %dma_start3A_316 = tpu.memref_slice %arg2[%dma_start3A_314, %dma_start3A_315] : memref<5120x128xf32, #tpu.memory_space<hbm>> -> memref<5120x128xf32, #tpu.memory_space<hbm>>
      tpu.enqueue_indirect_dma source(%dma_start3A_316 : memref<5120x128xf32, #tpu.memory_space<hbm>>) target(%dma_start3A_310 : memref<128x128xf32, #tpu.memory_space<vmem>>) offsets(%dma_start3A_313 : memref<128xi32, #tpu.memory_space<vmem>>) semaphore(%arg9 : memref<!tpu.dma_semaphore, #tpu.memory_space<semaphore_mem>>)
      %dma_start3A_317 = arith.constant 15 : i32
      %dma_start3A_318 = arith.constant 128 : i32
      %dma_start3A_319 = arith.constant 0 : i32
      %dma_start3A_320 = tpu.memref_slice %arg7[%dma_start3A_318, %dma_start3A_319] : memref<256x128xf32, #tpu.memory_space<vmem>> -> memref<128x128xf32, #tpu.memory_space<vmem>>
      %dma_start3A_321 = arith.constant 0 : i32
      %dma_start3A_322 = tpu.memref_slice %arg5[%dma_start3A_317, %dma_start3A_321] : memref<16x128xi32, #tpu.memory_space<vmem>> -> memref<1x128xi32, #tpu.memory_space<vmem>>
      %dma_start3A_323 = tpu.memref_squeeze %dma_start3A_322 : memref<1x128xi32, #tpu.memory_space<vmem>> -> memref<128xi32, #tpu.memory_space<vmem>>
      %dma_start3A_324 = arith.constant 0 : i32
      %dma_start3A_325 = arith.constant 0 : i32
      %dma_start3A_326 = tpu.memref_slice %arg2[%dma_start3A_324, %dma_start3A_325] : memref<5120x128xf32, #tpu.memory_space<hbm>> -> memref<5120x128xf32, #tpu.memory_space<hbm>>
      tpu.enqueue_indirect_dma source(%dma_start3A_326 : memref<5120x128xf32, #tpu.memory_space<hbm>>) target(%dma_start3A_320 : memref<128x128xf32, #tpu.memory_space<vmem>>) offsets(%dma_start3A_323 : memref<128xi32, #tpu.memory_space<vmem>>) semaphore(%arg9 : memref<!tpu.dma_semaphore, #tpu.memory_space<semaphore_mem>>)
      %dma_wait3A_327 = arith.constant 12 : i32
      %dma_wait3A_328 = arith.constant 0 : i32
      %dma_wait3A_329 = arith.constant 0 : i32
      %dma_wait3A_330 = tpu.memref_slice %arg6[%dma_wait3A_328, %dma_wait3A_329] : memref<256x128xf32, #tpu.memory_space<vmem>> -> memref<128x128xf32, #tpu.memory_space<vmem>>
      %dma_wait3A_331 = arith.constant 0 : i32
      %dma_wait3A_332 = tpu.memref_slice %arg5[%dma_wait3A_327, %dma_wait3A_331] : memref<16x128xi32, #tpu.memory_space<vmem>> -> memref<1x128xi32, #tpu.memory_space<vmem>>
      %dma_wait3A_333 = tpu.memref_squeeze %dma_wait3A_332 : memref<1x128xi32, #tpu.memory_space<vmem>> -> memref<128xi32, #tpu.memory_space<vmem>>
      %dma_wait3A_334 = arith.constant 0 : i32
      %dma_wait3A_335 = arith.constant 0 : i32
      %dma_wait3A_336 = tpu.memref_slice %arg2[%dma_wait3A_334, %dma_wait3A_335] : memref<5120x128xf32, #tpu.memory_space<hbm>> -> memref<5120x128xf32, #tpu.memory_space<hbm>>
      tpu.wait_indirect_dma semaphore(%arg8 : memref<!tpu.dma_semaphore, #tpu.memory_space<semaphore_mem>>) src(%dma_wait3A_336 : memref<5120x128xf32, #tpu.memory_space<hbm>>) dst(%dma_wait3A_330 : memref<128x128xf32, #tpu.memory_space<vmem>>)
      %dma_wait3A_337 = arith.constant 13 : i32
      %dma_wait3A_338 = arith.constant 128 : i32
      %dma_wait3A_339 = arith.constant 0 : i32
      %dma_wait3A_340 = tpu.memref_slice %arg6[%dma_wait3A_338, %dma_wait3A_339] : memref<256x128xf32, #tpu.memory_space<vmem>> -> memref<128x128xf32, #tpu.memory_space<vmem>>
      %dma_wait3A_341 = arith.constant 0 : i32
      %dma_wait3A_342 = tpu.memref_slice %arg5[%dma_wait3A_337, %dma_wait3A_341] : memref<16x128xi32, #tpu.memory_space<vmem>> -> memref<1x128xi32, #tpu.memory_space<vmem>>
      %dma_wait3A_343 = tpu.memref_squeeze %dma_wait3A_342 : memref<1x128xi32, #tpu.memory_space<vmem>> -> memref<128xi32, #tpu.memory_space<vmem>>
      %dma_wait3A_344 = arith.constant 0 : i32
      %dma_wait3A_345 = arith.constant 0 : i32
      %dma_wait3A_346 = tpu.memref_slice %arg2[%dma_wait3A_344, %dma_wait3A_345] : memref<5120x128xf32, #tpu.memory_space<hbm>> -> memref<5120x128xf32, #tpu.memory_space<hbm>>
      tpu.wait_indirect_dma semaphore(%arg8 : memref<!tpu.dma_semaphore, #tpu.memory_space<semaphore_mem>>) src(%dma_wait3A_346 : memref<5120x128xf32, #tpu.memory_space<hbm>>) dst(%dma_wait3A_340 : memref<128x128xf32, #tpu.memory_space<vmem>>)
      %add3A_347 = arith.constant 1536 : i32
      %add3A_348 = arith.addi %multiple_of3A, %add3A_347 : i32
      %multiple_of3A_349 = tpu.assume_multiple %add3A_348, 256 : i32
      "tpu.region"() ({
        %run_scoped3A = tpu.sem_alloc : memref<!tpu.dma_semaphore, #tpu.memory_space<semaphore_mem>>
        %dma_start3A_374 = arith.constant 0 : i32
        %dma_start3A_375 = tpu.memref_slice %arg4[%multiple_of3A_349, %dma_start3A_374] : memref<655360x128xf32, #tpu.memory_space<hbm>> -> memref<256x128xf32, #tpu.memory_space<hbm>>
        %dma_start3A_376 = arith.constant 0 : i32
        %dma_start3A_377 = tpu.memref_slice %arg4[%multiple_of3A_349, %dma_start3A_376] : memref<655360x128xf32, #tpu.memory_space<hbm>> -> memref<256x128xf32, #tpu.memory_space<hbm>>
        tpu.enqueue_dma source(%arg6 : memref<256x128xf32, #tpu.memory_space<vmem>>) target(%dma_start3A_377 : memref<256x128xf32, #tpu.memory_space<hbm>>) target_semaphore(%run_scoped3A : memref<!tpu.dma_semaphore, #tpu.memory_space<semaphore_mem>>)
        %dma_wait3A_378 = arith.constant 0 : i32
        %dma_wait3A_379 = tpu.memref_slice %arg4[%multiple_of3A_349, %dma_wait3A_378] : memref<655360x128xf32, #tpu.memory_space<hbm>> -> memref<256x128xf32, #tpu.memory_space<hbm>>
        %dma_wait3A_380 = arith.constant 0 : i32
        %dma_wait3A_381 = tpu.memref_slice %arg4[%multiple_of3A_349, %dma_wait3A_380] : memref<655360x128xf32, #tpu.memory_space<hbm>> -> memref<256x128xf32, #tpu.memory_space<hbm>>
        tpu.wait_dma2 semaphore(%run_scoped3A : memref<!tpu.dma_semaphore, #tpu.memory_space<semaphore_mem>>) src(%arg6 : memref<256x128xf32, #tpu.memory_space<vmem>>) dst(%dma_wait3A_381 : memref<256x128xf32, #tpu.memory_space<hbm>>)
        tpu.yield
      }) : () -> ()
      %dma_wait3A_350 = arith.constant 14 : i32
      %dma_wait3A_351 = arith.constant 0 : i32
      %dma_wait3A_352 = arith.constant 0 : i32
      %dma_wait3A_353 = tpu.memref_slice %arg7[%dma_wait3A_351, %dma_wait3A_352] : memref<256x128xf32, #tpu.memory_space<vmem>> -> memref<128x128xf32, #tpu.memory_space<vmem>>
      %dma_wait3A_354 = arith.constant 0 : i32
      %dma_wait3A_355 = tpu.memref_slice %arg5[%dma_wait3A_350, %dma_wait3A_354] : memref<16x128xi32, #tpu.memory_space<vmem>> -> memref<1x128xi32, #tpu.memory_space<vmem>>
      %dma_wait3A_356 = tpu.memref_squeeze %dma_wait3A_355 : memref<1x128xi32, #tpu.memory_space<vmem>> -> memref<128xi32, #tpu.memory_space<vmem>>
      %dma_wait3A_357 = arith.constant 0 : i32
      %dma_wait3A_358 = arith.constant 0 : i32
      %dma_wait3A_359 = tpu.memref_slice %arg2[%dma_wait3A_357, %dma_wait3A_358] : memref<5120x128xf32, #tpu.memory_space<hbm>> -> memref<5120x128xf32, #tpu.memory_space<hbm>>
      tpu.wait_indirect_dma semaphore(%arg9 : memref<!tpu.dma_semaphore, #tpu.memory_space<semaphore_mem>>) src(%dma_wait3A_359 : memref<5120x128xf32, #tpu.memory_space<hbm>>) dst(%dma_wait3A_353 : memref<128x128xf32, #tpu.memory_space<vmem>>)
      %dma_wait3A_360 = arith.constant 15 : i32
      %dma_wait3A_361 = arith.constant 128 : i32
      %dma_wait3A_362 = arith.constant 0 : i32
      %dma_wait3A_363 = tpu.memref_slice %arg7[%dma_wait3A_361, %dma_wait3A_362] : memref<256x128xf32, #tpu.memory_space<vmem>> -> memref<128x128xf32, #tpu.memory_space<vmem>>
      %dma_wait3A_364 = arith.constant 0 : i32
      %dma_wait3A_365 = tpu.memref_slice %arg5[%dma_wait3A_360, %dma_wait3A_364] : memref<16x128xi32, #tpu.memory_space<vmem>> -> memref<1x128xi32, #tpu.memory_space<vmem>>
      %dma_wait3A_366 = tpu.memref_squeeze %dma_wait3A_365 : memref<1x128xi32, #tpu.memory_space<vmem>> -> memref<128xi32, #tpu.memory_space<vmem>>
      %dma_wait3A_367 = arith.constant 0 : i32
      %dma_wait3A_368 = arith.constant 0 : i32
      %dma_wait3A_369 = tpu.memref_slice %arg2[%dma_wait3A_367, %dma_wait3A_368] : memref<5120x128xf32, #tpu.memory_space<hbm>> -> memref<5120x128xf32, #tpu.memory_space<hbm>>
      tpu.wait_indirect_dma semaphore(%arg9 : memref<!tpu.dma_semaphore, #tpu.memory_space<semaphore_mem>>) src(%dma_wait3A_369 : memref<5120x128xf32, #tpu.memory_space<hbm>>) dst(%dma_wait3A_363 : memref<128x128xf32, #tpu.memory_space<vmem>>)
      %add3A_370 = arith.constant 1792 : i32
      %add3A_371 = arith.addi %multiple_of3A, %add3A_370 : i32
      %multiple_of3A_372 = tpu.assume_multiple %add3A_371, 256 : i32
      "tpu.region"() ({
        %run_scoped3A = tpu.sem_alloc : memref<!tpu.dma_semaphore, #tpu.memory_space<semaphore_mem>>
        %dma_start3A_374 = arith.constant 0 : i32
        %dma_start3A_375 = tpu.memref_slice %arg4[%multiple_of3A_372, %dma_start3A_374] : memref<655360x128xf32, #tpu.memory_space<hbm>> -> memref<256x128xf32, #tpu.memory_space<hbm>>
        %dma_start3A_376 = arith.constant 0 : i32
        %dma_start3A_377 = tpu.memref_slice %arg4[%multiple_of3A_372, %dma_start3A_376] : memref<655360x128xf32, #tpu.memory_space<hbm>> -> memref<256x128xf32, #tpu.memory_space<hbm>>
        tpu.enqueue_dma source(%arg7 : memref<256x128xf32, #tpu.memory_space<vmem>>) target(%dma_start3A_377 : memref<256x128xf32, #tpu.memory_space<hbm>>) target_semaphore(%run_scoped3A : memref<!tpu.dma_semaphore, #tpu.memory_space<semaphore_mem>>)
        %dma_wait3A_378 = arith.constant 0 : i32
        %dma_wait3A_379 = tpu.memref_slice %arg4[%multiple_of3A_372, %dma_wait3A_378] : memref<655360x128xf32, #tpu.memory_space<hbm>> -> memref<256x128xf32, #tpu.memory_space<hbm>>
        %dma_wait3A_380 = arith.constant 0 : i32
        %dma_wait3A_381 = tpu.memref_slice %arg4[%multiple_of3A_372, %dma_wait3A_380] : memref<655360x128xf32, #tpu.memory_space<hbm>> -> memref<256x128xf32, #tpu.memory_space<hbm>>
        tpu.wait_dma2 semaphore(%run_scoped3A : memref<!tpu.dma_semaphore, #tpu.memory_space<semaphore_mem>>) src(%arg7 : memref<256x128xf32, #tpu.memory_space<vmem>>) dst(%dma_wait3A_381 : memref<256x128xf32, #tpu.memory_space<hbm>>)
        tpu.yield
      }) : () -> ()
      %scan3A_373 = arith.constant 0 : i32
      scf.yield %scan3A_373 : i32
    }
    %scan3A_8 = arith.constant 10 : i32
    return
  }
}

module attributes {stable_mosaic.version = 14 : i64} {
  func.func @_pairmlp_body(%arg0: i32, %arg1: memref<8192x128xf32, #tpu.memory_space<vmem>>, %arg2: memref<64x64xf32, #tpu.memory_space<vmem>>, %arg3: memref<64x128xf32, #tpu.memory_space<vmem>>, %arg4: memref<1x64xf32, #tpu.memory_space<vmem>>, %arg5: memref<64x64xf32, #tpu.memory_space<vmem>>, %arg6: memref<1x64xf32, #tpu.memory_space<vmem>>, %arg7: memref<64x65xf32, #tpu.memory_space<vmem>>, %arg8: memref<1x65xf32, #tpu.memory_space<vmem>>, %arg9: memref<64x65xf32, #tpu.memory_space<vmem>>, %arg10: memref<64x65xf32, #tpu.memory_space<vmem>>) attributes {dimension_semantics = [#tpu.dimension_semantics<arbitrary>], iteration_bounds = array<i64: 80>, scalar_prefetch = 0 : i64, scratch_operands = 0 : i64, tpu.core_type = #tpu.core_type<tc>, window_params = [{transform_indices = @transform_0, window_bounds = array<i64: 8192, 128>}, {transform_indices = @transform_1, window_bounds = array<i64: 64, 64>}, {transform_indices = @transform_2, window_bounds = array<i64: 64, 128>}, {pipeline_mode = #tpu.pipeline_mode<synchronous>, transform_indices = @transform_3, window_bounds = array<i64: 1, 64>}, {pipeline_mode = #tpu.pipeline_mode<synchronous>, transform_indices = @transform_4, window_bounds = array<i64: 64, 64>}, {pipeline_mode = #tpu.pipeline_mode<synchronous>, transform_indices = @transform_5, window_bounds = array<i64: 1, 64>}, {pipeline_mode = #tpu.pipeline_mode<synchronous>, transform_indices = @transform_6, window_bounds = array<i64: 64, 65>}, {pipeline_mode = #tpu.pipeline_mode<synchronous>, transform_indices = @transform_7, window_bounds = array<i64: 1, 65>}, {transform_indices = @transform_8, window_bounds = array<i64: 64, 65>}, {transform_indices = @transform_9, window_bounds = array<i64: 64, 65>}]} {
    %get3A = arith.constant 0 : index
    %get3A_0 = arith.constant 0 : index
    %get3A_1 = vector.load %arg3[%get3A, %get3A_0] : memref<64x128xf32, #tpu.memory_space<vmem>>, vector<64x128xf32>
    %get3A_2 = arith.constant 0 : index
    %get3A_3 = arith.constant 0 : index
    %get3A_4 = vector.load %arg1[%get3A_2, %get3A_3] : memref<8192x128xf32, #tpu.memory_space<vmem>>, vector<8192x128xf32>
    %slice3A = vector.extract_strided_slice %get3A_4 {offsets = [0, 0], sizes = [8192, 64], strides = [1, 1]} : vector<8192x128xf32> to vector<8192x64xf32>
    %reshape3A = vector.shape_cast %slice3A : vector<8192x64xf32> to vector<64x128x64xf32>
    %get3A_5 = arith.constant 0 : index
    %get3A_6 = arith.constant 0 : index
    %get3A_7 = vector.load %arg2[%get3A_5, %get3A_6] : memref<64x64xf32, #tpu.memory_space<vmem>>, vector<64x64xf32>
    %broadcast_in_dim3A = vector.shape_cast %get3A_7 : vector<64x64xf32> to vector<64x1x64xf32>
    %add3A = vector.broadcast %broadcast_in_dim3A : vector<64x1x64xf32> to vector<64x128x64xf32>
    %add3A_8 = arith.addf %reshape3A, %add3A : vector<64x128x64xf32>
    %broadcast_in_dim3A_9 = vector.shape_cast %get3A_1 : vector<64x128xf32> to vector<64x128x1xf32>
    %get3A_10 = arith.constant 0 : index
    %get3A_11 = arith.constant 0 : index
    %get3A_12 = vector.load %arg4[%get3A_10, %get3A_11] : memref<1x64xf32, #tpu.memory_space<vmem>>, vector<1x64xf32>
    %broadcast_in_dim3A_13 = vector.shape_cast %get3A_12 : vector<1x64xf32> to vector<1x1x64xf32>
    %mul3A = vector.broadcast %broadcast_in_dim3A_9 : vector<64x128x1xf32> to vector<64x128x64xf32>
    %mul3A_14 = vector.broadcast %broadcast_in_dim3A_13 : vector<1x1x64xf32> to vector<64x128x64xf32>
    %mul3A_15 = arith.mulf %mul3A, %mul3A_14 : vector<64x128x64xf32>
    %add3A_16 = arith.addf %add3A_8, %mul3A_15 : vector<64x128x64xf32>
    %max3A = arith.constant 0.000000e+00 : f32
    %max3A_17 = vector.broadcast %max3A : f32 to vector<64x128x64xf32>
    %max3A_18 = arith.maximumf %add3A_16, %max3A_17 : vector<64x128x64xf32>
    %reshape3A_19 = vector.shape_cast %max3A_18 : vector<64x128x64xf32> to vector<8192x64xf32>
    %get3A_20 = arith.constant 0 : index
    %get3A_21 = arith.constant 0 : index
    %get3A_22 = vector.load %arg5[%get3A_20, %get3A_21] : memref<64x64xf32, #tpu.memory_space<vmem>>, vector<64x64xf32>
    %dot_general3A = arith.constant dense<0.000000e+00> : vector<8192x64xf32>
    %dot_general3A_23 = tpu.matmul %reshape3A_19, %get3A_22, %dot_general3A {dimension_numbers = #tpu.dot_dimension_numbers<[1], [0], [0], [1], [0, 0, 1, 1], [], []>, transpose_lhs_hint = false} : vector<8192x64xf32>, vector<64x64xf32>, vector<8192x64xf32> -> vector<8192x64xf32>
    %get3A_24 = arith.constant 0 : index
    %get3A_25 = arith.constant 0 : index
    %get3A_26 = vector.load %arg6[%get3A_24, %get3A_25] : memref<1x64xf32, #tpu.memory_space<vmem>>, vector<1x64xf32>
    %add3A_27 = vector.broadcast %get3A_26 : vector<1x64xf32> to vector<8192x64xf32>
    %add3A_28 = arith.addf %dot_general3A_23, %add3A_27 : vector<8192x64xf32>
    %max3A_29 = arith.constant 0.000000e+00 : f32
    %max3A_30 = vector.broadcast %max3A_29 : f32 to vector<8192x64xf32>
    %max3A_31 = arith.maximumf %add3A_28, %max3A_30 : vector<8192x64xf32>
    %reshape3A_32 = vector.shape_cast %max3A_31 : vector<8192x64xf32> to vector<64x128x64xf32>
    %reduce_max3A = arith.constant dense<0xFF800000> : vector<64x64xf32>
    %reduce_max3A_33 = vector.multi_reduction <maximumf>, %reshape3A_32, %reduce_max3A [1] : vector<64x128x64xf32> to vector<64x64xf32>
    %get3A_34 = arith.constant 0 : index
    %get3A_35 = arith.constant 0 : index
    %get3A_36 = vector.load %arg9[%get3A_34, %get3A_35] : memref<64x65xf32, #tpu.memory_space<vmem>>, vector<64x65xf32>
    %get3A_37 = arith.constant 0 : index
    %get3A_38 = arith.constant 0 : index
    %get3A_39 = vector.load %arg7[%get3A_37, %get3A_38] : memref<64x65xf32, #tpu.memory_space<vmem>>, vector<64x65xf32>
    %dot_general3A_40 = arith.constant dense<0.000000e+00> : vector<64x65xf32>
    %dot_general3A_41 = tpu.matmul %reduce_max3A_33, %get3A_39, %dot_general3A_40 {dimension_numbers = #tpu.dot_dimension_numbers<[1], [0], [0], [1], [0, 0, 1, 1], [], []>, transpose_lhs_hint = false} : vector<64x64xf32>, vector<64x65xf32>, vector<64x65xf32> -> vector<64x65xf32>
    %add3A_42 = arith.addf %get3A_36, %dot_general3A_41 : vector<64x65xf32>
    %get3A_43 = arith.constant 0 : index
    %get3A_44 = arith.constant 0 : index
    %get3A_45 = vector.load %arg8[%get3A_43, %get3A_44] : memref<1x65xf32, #tpu.memory_space<vmem>>, vector<1x65xf32>
    %add3A_46 = vector.broadcast %get3A_45 : vector<1x65xf32> to vector<64x65xf32>
    %add3A_47 = arith.addf %add3A_42, %add3A_46 : vector<64x65xf32>
    %swap3A = arith.constant 0 : index
    %swap3A_48 = arith.constant 0 : index
    %swap3A_49 = vector.load %arg10[%swap3A, %swap3A_48] : memref<64x65xf32, #tpu.memory_space<vmem>>, vector<64x65xf32>
    tpu.vector_store %arg10[%swap3A, %swap3A_48], %add3A_47 {strides = array<i32>} : memref<64x65xf32, #tpu.memory_space<vmem>>, vector<64x65xf32>,
    return
  }
  func.func @transform_0(%arg0: i32) -> (i32, i32) {
    %c0_i32 = arith.constant 0 : i32
    %c0_i32_0 = arith.constant 0 : i32
    return %arg0, %c0_i32 : i32, i32
  }
  func.func @transform_1(%arg0: i32) -> (i32, i32) {
    %c0_i32 = arith.constant 0 : i32
    %c0_i32_0 = arith.constant 0 : i32
    return %arg0, %c0_i32 : i32, i32
  }
  func.func @transform_2(%arg0: i32) -> (i32, i32) {
    %c0_i32 = arith.constant 0 : i32
    %c0_i32_0 = arith.constant 0 : i32
    return %arg0, %c0_i32 : i32, i32
  }
  func.func @transform_3(%arg0: i32) -> (i32, i32) {
    %c0_i32 = arith.constant 0 : i32
    %c0_i32_0 = arith.constant 0 : i32
    %c0_i32_1 = arith.constant 0 : i32
    return %c0_i32, %c0_i32_0 : i32, i32
  }
  func.func @transform_4(%arg0: i32) -> (i32, i32) {
    %c0_i32 = arith.constant 0 : i32
    %c0_i32_0 = arith.constant 0 : i32
    %c0_i32_1 = arith.constant 0 : i32
    return %c0_i32, %c0_i32_0 : i32, i32
  }
  func.func @transform_5(%arg0: i32) -> (i32, i32) {
    %c0_i32 = arith.constant 0 : i32
    %c0_i32_0 = arith.constant 0 : i32
    %c0_i32_1 = arith.constant 0 : i32
    return %c0_i32, %c0_i32_0 : i32, i32
  }
  func.func @transform_6(%arg0: i32) -> (i32, i32) {
    %c0_i32 = arith.constant 0 : i32
    %c0_i32_0 = arith.constant 0 : i32
    %c0_i32_1 = arith.constant 0 : i32
    return %c0_i32, %c0_i32_0 : i32, i32
  }
  func.func @transform_7(%arg0: i32) -> (i32, i32) {
    %c0_i32 = arith.constant 0 : i32
    %c0_i32_0 = arith.constant 0 : i32
    %c0_i32_1 = arith.constant 0 : i32
    return %c0_i32, %c0_i32_0 : i32, i32
  }
  func.func @transform_8(%arg0: i32) -> (i32, i32) {
    %c0_i32 = arith.constant 0 : i32
    %c0_i32_0 = arith.constant 0 : i32
    return %arg0, %c0_i32 : i32, i32
  }
  func.func @transform_9(%arg0: i32) -> (i32, i32) {
    %c0_i32 = arith.constant 0 : i32
    %c0_i32_0 = arith.constant 0 : i32
    return %arg0, %c0_i32 : i32, i32
  }
}

module attributes {stable_mosaic.version = 14 : i64} {
  func.func @_pre_body(%arg0: i32, %arg1: memref<512x65xf32, #tpu.memory_space<vmem>>, %arg2: memref<512x8xf32, #tpu.memory_space<vmem>>, %arg3: memref<65x128xf32, #tpu.memory_space<vmem>>, %arg4: memref<65x64xf32, #tpu.memory_space<vmem>>, %arg5: memref<5x128xf32, #tpu.memory_space<vmem>>, %arg6: memref<1x64xf32, #tpu.memory_space<vmem>>, %arg7: memref<512x128xf32, #tpu.memory_space<vmem>>, %arg8: memref<512x64xf32, #tpu.memory_space<vmem>>) attributes {dimension_semantics = [#tpu.dimension_semantics<arbitrary>], iteration_bounds = array<i64: 10>, scalar_prefetch = 0 : i64, scratch_operands = 0 : i64, tpu.core_type = #tpu.core_type<tc>, window_params = [{transform_indices = @transform_0, window_bounds = array<i64: 512, 65>}, {transform_indices = @transform_1, window_bounds = array<i64: 512, 8>}, {pipeline_mode = #tpu.pipeline_mode<synchronous>, transform_indices = @transform_2, window_bounds = array<i64: 65, 128>}, {pipeline_mode = #tpu.pipeline_mode<synchronous>, transform_indices = @transform_3, window_bounds = array<i64: 65, 64>}, {pipeline_mode = #tpu.pipeline_mode<synchronous>, transform_indices = @transform_4, window_bounds = array<i64: 5, 128>}, {pipeline_mode = #tpu.pipeline_mode<synchronous>, transform_indices = @transform_5, window_bounds = array<i64: 1, 64>}, {transform_indices = @transform_6, window_bounds = array<i64: 512, 128>}, {transform_indices = @transform_7, window_bounds = array<i64: 512, 64>}]} {
    %get3A = arith.constant 0 : index
    %get3A_0 = arith.constant 0 : index
    %get3A_1 = vector.load %arg1[%get3A, %get3A_0] : memref<512x65xf32, #tpu.memory_space<vmem>>, vector<512x65xf32>
    %get3A_2 = arith.constant 0 : index
    %get3A_3 = arith.constant 0 : index
    %get3A_4 = vector.load %arg2[%get3A_2, %get3A_3] : memref<512x8xf32, #tpu.memory_space<vmem>>, vector<512x8xf32>
    %get3A_5 = arith.constant 0 : index
    %get3A_6 = arith.constant 0 : index
    %get3A_7 = vector.load %arg5[%get3A_5, %get3A_6] : memref<5x128xf32, #tpu.memory_space<vmem>>, vector<5x128xf32>
    %slice3A = vector.extract_strided_slice %get3A_4 {offsets = [0, 4], sizes = [512, 1], strides = [1, 1]} : vector<512x8xf32> to vector<512x1xf32>
    %slice3A_8 = vector.extract_strided_slice %get3A_7 {offsets = [1, 0], sizes = [1, 128], strides = [1, 1]} : vector<5x128xf32> to vector<1x128xf32>
    %mul3A = vector.broadcast %slice3A : vector<512x1xf32> to vector<512x128xf32>
    %mul3A_9 = vector.broadcast %slice3A_8 : vector<1x128xf32> to vector<512x128xf32>
    %mul3A_10 = arith.mulf %mul3A, %mul3A_9 : vector<512x128xf32>
    %slice3A_11 = vector.extract_strided_slice %get3A_4 {offsets = [0, 5], sizes = [512, 1], strides = [1, 1]} : vector<512x8xf32> to vector<512x1xf32>
    %slice3A_12 = vector.extract_strided_slice %get3A_7 {offsets = [2, 0], sizes = [1, 128], strides = [1, 1]} : vector<5x128xf32> to vector<1x128xf32>
    %mul3A_13 = vector.broadcast %slice3A_11 : vector<512x1xf32> to vector<512x128xf32>
    %mul3A_14 = vector.broadcast %slice3A_12 : vector<1x128xf32> to vector<512x128xf32>
    %mul3A_15 = arith.mulf %mul3A_13, %mul3A_14 : vector<512x128xf32>
    %add3A = arith.addf %mul3A_10, %mul3A_15 : vector<512x128xf32>
    %slice3A_16 = vector.extract_strided_slice %get3A_4 {offsets = [0, 6], sizes = [512, 1], strides = [1, 1]} : vector<512x8xf32> to vector<512x1xf32>
    %slice3A_17 = vector.extract_strided_slice %get3A_7 {offsets = [3, 0], sizes = [1, 128], strides = [1, 1]} : vector<5x128xf32> to vector<1x128xf32>
    %mul3A_18 = vector.broadcast %slice3A_16 : vector<512x1xf32> to vector<512x128xf32>
    %mul3A_19 = vector.broadcast %slice3A_17 : vector<1x128xf32> to vector<512x128xf32>
    %mul3A_20 = arith.mulf %mul3A_18, %mul3A_19 : vector<512x128xf32>
    %add3A_21 = arith.addf %add3A, %mul3A_20 : vector<512x128xf32>
    %slice3A_22 = vector.extract_strided_slice %get3A_4 {offsets = [0, 7], sizes = [512, 1], strides = [1, 1]} : vector<512x8xf32> to vector<512x1xf32>
    %slice3A_23 = vector.extract_strided_slice %get3A_7 {offsets = [4, 0], sizes = [1, 128], strides = [1, 1]} : vector<5x128xf32> to vector<1x128xf32>
    %mul3A_24 = vector.broadcast %slice3A_22 : vector<512x1xf32> to vector<512x128xf32>
    %mul3A_25 = vector.broadcast %slice3A_23 : vector<1x128xf32> to vector<512x128xf32>
    %mul3A_26 = arith.mulf %mul3A_24, %mul3A_25 : vector<512x128xf32>
    %add3A_27 = arith.addf %add3A_21, %mul3A_26 : vector<512x128xf32>
    %mul3A_28 = arith.constant 0.00446428591 : f32
    %mul3A_29 = vector.broadcast %mul3A_28 : f32 to vector<512x128xf32>
    %mul3A_30 = arith.mulf %add3A_27, %mul3A_29 : vector<512x128xf32>
    %get3A_31 = arith.constant 0 : index
    %get3A_32 = arith.constant 0 : index
    %get3A_33 = vector.load %arg3[%get3A_31, %get3A_32] : memref<65x128xf32, #tpu.memory_space<vmem>>, vector<65x128xf32>
    %dot_general3A = arith.constant dense<0.000000e+00> : vector<512x128xf32>
    %dot_general3A_34 = tpu.matmul %get3A_1, %get3A_33, %dot_general3A {dimension_numbers = #tpu.dot_dimension_numbers<[1], [0], [0], [1], [0, 0, 1, 1], [], []>, transpose_lhs_hint = false} : vector<512x65xf32>, vector<65x128xf32>, vector<512x128xf32> -> vector<512x128xf32>
    %add3A_35 = arith.addf %dot_general3A_34, %mul3A_30 : vector<512x128xf32>
    %swap3A = arith.constant 0 : index
    %swap3A_36 = arith.constant 0 : index
    %swap3A_37 = vector.load %arg7[%swap3A, %swap3A_36] : memref<512x128xf32, #tpu.memory_space<vmem>>, vector<512x128xf32>
    tpu.vector_store %arg7[%swap3A, %swap3A_36], %add3A_35 {strides = array<i32>} : memref<512x128xf32, #tpu.memory_space<vmem>>, vector<512x128xf32>,
    %get3A_38 = arith.constant 0 : index
    %get3A_39 = arith.constant 0 : index
    %get3A_40 = vector.load %arg4[%get3A_38, %get3A_39] : memref<65x64xf32, #tpu.memory_space<vmem>>, vector<65x64xf32>
    %dot_general3A_41 = arith.constant dense<0.000000e+00> : vector<512x64xf32>
    %dot_general3A_42 = tpu.matmul %get3A_1, %get3A_40, %dot_general3A_41 {dimension_numbers = #tpu.dot_dimension_numbers<[1], [0], [0], [1], [0, 0, 1, 1], [], []>, transpose_lhs_hint = false} : vector<512x65xf32>, vector<65x64xf32>, vector<512x64xf32> -> vector<512x64xf32>
    %slice3A_43 = vector.extract_strided_slice %mul3A_30 {offsets = [0, 0], sizes = [512, 64], strides = [1, 1]} : vector<512x128xf32> to vector<512x64xf32>
    %sub3A = arith.subf %dot_general3A_42, %slice3A_43 : vector<512x64xf32>
    %get3A_44 = arith.constant 0 : index
    %get3A_45 = arith.constant 0 : index
    %get3A_46 = vector.load %arg6[%get3A_44, %get3A_45] : memref<1x64xf32, #tpu.memory_space<vmem>>, vector<1x64xf32>
    %add3A_47 = vector.broadcast %get3A_46 : vector<1x64xf32> to vector<512x64xf32>
    %add3A_48 = arith.addf %sub3A, %add3A_47 : vector<512x64xf32>
    %swap3A_49 = arith.constant 0 : index
    %swap3A_50 = arith.constant 0 : index
    %swap3A_51 = vector.load %arg8[%swap3A_49, %swap3A_50] : memref<512x64xf32, #tpu.memory_space<vmem>>, vector<512x64xf32>
    tpu.vector_store %arg8[%swap3A_49, %swap3A_50], %add3A_48 {strides = array<i32>} : memref<512x64xf32, #tpu.memory_space<vmem>>, vector<512x64xf32>,
    return
  }
  func.func @transform_0(%arg0: i32) -> (i32, i32) {
    %c0_i32 = arith.constant 0 : i32
    %c0_i32_0 = arith.constant 0 : i32
    return %arg0, %c0_i32 : i32, i32
  }
  func.func @transform_1(%arg0: i32) -> (i32, i32) {
    %c0_i32 = arith.constant 0 : i32
    %c0_i32_0 = arith.constant 0 : i32
    return %arg0, %c0_i32 : i32, i32
  }
  func.func @transform_2(%arg0: i32) -> (i32, i32) {
    %c0_i32 = arith.constant 0 : i32
    %c0_i32_0 = arith.constant 0 : i32
    %c0_i32_1 = arith.constant 0 : i32
    return %c0_i32, %c0_i32_0 : i32, i32
  }
  func.func @transform_3(%arg0: i32) -> (i32, i32) {
    %c0_i32 = arith.constant 0 : i32
    %c0_i32_0 = arith.constant 0 : i32
    %c0_i32_1 = arith.constant 0 : i32
    return %c0_i32, %c0_i32_0 : i32, i32
  }
  func.func @transform_4(%arg0: i32) -> (i32, i32) {
    %c0_i32 = arith.constant 0 : i32
    %c0_i32_0 = arith.constant 0 : i32
    %c0_i32_1 = arith.constant 0 : i32
    return %c0_i32, %c0_i32_0 : i32, i32
  }
  func.func @transform_5(%arg0: i32) -> (i32, i32) {
    %c0_i32 = arith.constant 0 : i32
    %c0_i32_0 = arith.constant 0 : i32
    %c0_i32_1 = arith.constant 0 : i32
    return %c0_i32, %c0_i32_0 : i32, i32
  }
  func.func @transform_6(%arg0: i32) -> (i32, i32) {
    %c0_i32 = arith.constant 0 : i32
    %c0_i32_0 = arith.constant 0 : i32
    return %arg0, %c0_i32 : i32, i32
  }
  func.func @transform_7(%arg0: i32) -> (i32, i32) {
    %c0_i32 = arith.constant 0 : i32
    %c0_i32_0 = arith.constant 0 : i32
    return %arg0, %c0_i32 : i32, i32
  }
}

module attributes {stable_mosaic.version = 14 : i64} {
  func.func @_final_body(%arg0: i32, %arg1: memref<512x65xf32, #tpu.memory_space<vmem>>, %arg2: memref<65x64xf32, #tpu.memory_space<vmem>>, %arg3: memref<1x64xf32, #tpu.memory_space<vmem>>, %arg4: memref<64x1xf32, #tpu.memory_space<vmem>>, %arg5: memref<1x1xf32, #tpu.memory_space<vmem>>, %arg6: memref<512x1xf32, #tpu.memory_space<vmem>>) attributes {dimension_semantics = [#tpu.dimension_semantics<arbitrary>], iteration_bounds = array<i64: 10>, scalar_prefetch = 0 : i64, scratch_operands = 0 : i64, tpu.core_type = #tpu.core_type<tc>, window_params = [{transform_indices = @transform_0, window_bounds = array<i64: 512, 65>}, {pipeline_mode = #tpu.pipeline_mode<synchronous>, transform_indices = @transform_1, window_bounds = array<i64: 65, 64>}, {pipeline_mode = #tpu.pipeline_mode<synchronous>, transform_indices = @transform_2, window_bounds = array<i64: 1, 64>}, {pipeline_mode = #tpu.pipeline_mode<synchronous>, transform_indices = @transform_3, window_bounds = array<i64: 64, 1>}, {pipeline_mode = #tpu.pipeline_mode<synchronous>, transform_indices = @transform_4, window_bounds = array<i64: 1, 1>}, {transform_indices = @transform_5, window_bounds = array<i64: 512, 1>}]} {
    %get3A = arith.constant 0 : index
    %get3A_0 = arith.constant 0 : index
    %get3A_1 = vector.load %arg1[%get3A, %get3A_0] : memref<512x65xf32, #tpu.memory_space<vmem>>, vector<512x65xf32>
    %get3A_2 = arith.constant 0 : index
    %get3A_3 = arith.constant 0 : index
    %get3A_4 = vector.load %arg2[%get3A_2, %get3A_3] : memref<65x64xf32, #tpu.memory_space<vmem>>, vector<65x64xf32>
    %dot_general3A = arith.constant dense<0.000000e+00> : vector<512x64xf32>
    %dot_general3A_5 = tpu.matmul %get3A_1, %get3A_4, %dot_general3A {dimension_numbers = #tpu.dot_dimension_numbers<[1], [0], [0], [1], [0, 0, 1, 1], [], []>, transpose_lhs_hint = false} : vector<512x65xf32>, vector<65x64xf32>, vector<512x64xf32> -> vector<512x64xf32>
    %get3A_6 = arith.constant 0 : index
    %get3A_7 = arith.constant 0 : index
    %get3A_8 = vector.load %arg3[%get3A_6, %get3A_7] : memref<1x64xf32, #tpu.memory_space<vmem>>, vector<1x64xf32>
    %add3A = vector.broadcast %get3A_8 : vector<1x64xf32> to vector<512x64xf32>
    %add3A_9 = arith.addf %dot_general3A_5, %add3A : vector<512x64xf32>
    %max3A = arith.constant 0.000000e+00 : f32
    %max3A_10 = vector.broadcast %max3A : f32 to vector<512x64xf32>
    %max3A_11 = arith.maximumf %add3A_9, %max3A_10 : vector<512x64xf32>
    %get3A_12 = arith.constant 0 : index
    %get3A_13 = arith.constant 0 : index
    %get3A_14 = vector.load %arg4[%get3A_12, %get3A_13] : memref<64x1xf32, #tpu.memory_space<vmem>>, vector<64x1xf32>
    %dot_general3A_15 = arith.constant dense<0.000000e+00> : vector<512x1xf32>
    %dot_general3A_16 = tpu.matmul %max3A_11, %get3A_14, %dot_general3A_15 {dimension_numbers = #tpu.dot_dimension_numbers<[1], [0], [0], [1], [0, 0, 1, 1], [], []>, transpose_lhs_hint = false} : vector<512x64xf32>, vector<64x1xf32>, vector<512x1xf32> -> vector<512x1xf32>
    %get3A_17 = arith.constant 0 : index
    %get3A_18 = arith.constant 0 : index
    %get3A_19 = vector.load %arg5[%get3A_17, %get3A_18] : memref<1x1xf32, #tpu.memory_space<vmem>>, vector<1x1xf32>
    %add3A_20 = vector.broadcast %get3A_19 : vector<1x1xf32> to vector<512x1xf32>
    %add3A_21 = arith.addf %dot_general3A_16, %add3A_20 : vector<512x1xf32>
    %swap3A = arith.constant 0 : index
    %swap3A_22 = arith.constant 0 : index
    %swap3A_23 = vector.load %arg6[%swap3A, %swap3A_22] : memref<512x1xf32, #tpu.memory_space<vmem>>, vector<512x1xf32>
    tpu.vector_store %arg6[%swap3A, %swap3A_22], %add3A_21 {strides = array<i32>} : memref<512x1xf32, #tpu.memory_space<vmem>>, vector<512x1xf32>,
    return
  }
  func.func @transform_0(%arg0: i32) -> (i32, i32) {
    %c0_i32 = arith.constant 0 : i32
    %c0_i32_0 = arith.constant 0 : i32
    return %arg0, %c0_i32 : i32, i32
  }
  func.func @transform_1(%arg0: i32) -> (i32, i32) {
    %c0_i32 = arith.constant 0 : i32
    %c0_i32_0 = arith.constant 0 : i32
    %c0_i32_1 = arith.constant 0 : i32
    return %c0_i32, %c0_i32_0 : i32, i32
  }
  func.func @transform_2(%arg0: i32) -> (i32, i32) {
    %c0_i32 = arith.constant 0 : i32
    %c0_i32_0 = arith.constant 0 : i32
    %c0_i32_1 = arith.constant 0 : i32
    return %c0_i32, %c0_i32_0 : i32, i32
  }
  func.func @transform_3(%arg0: i32) -> (i32, i32) {
    %c0_i32 = arith.constant 0 : i32
    %c0_i32_0 = arith.constant 0 : i32
    %c0_i32_1 = arith.constant 0 : i32
    return %c0_i32, %c0_i32_0 : i32, i32
  }
  func.func @transform_4(%arg0: i32) -> (i32, i32) {
    %c0_i32 = arith.constant 0 : i32
    %c0_i32_0 = arith.constant 0 : i32
    %c0_i32_1 = arith.constant 0 : i32
    return %c0_i32, %c0_i32_0 : i32, i32
  }
  func.func @transform_5(%arg0: i32) -> (i32, i32) {
    %c0_i32 = arith.constant 0 : i32
    %c0_i32_0 = arith.constant 0 : i32
    return %arg0, %c0_i32 : i32, i32
  }
}

</mosaic_0001>

<sc_bundles>
// kernel: kernel.10.cloned.1.call-start
scs
__scs_entry_jumppad:
0x0: {  	(pc) =	sbr.rel $0x88, $3  }
0x1: {  	(tag) =	ssettag $0x0;
	lr =	simm.s32 $0x1  }
0x2: {  	[smem:$0x3F8F] =	sst lr;
	_ =	strace $0xD0000000  }
0x3: {  	_ = 	snop  }
0x4: {  	_ = 	snop  }
0x5: {  	_ = 	snop  }
0x6: {  	_ = 	snop  }
0x7: {  	_ = 	snop  }
__scs_overlays_trampoline_lowered:
0x8: {  	[smem:$0x3F9E] =	sst s0  }
0x9: {  	[smem:$0x3F9F] =	sst s1  }
0xa: {  	[smem:$0x3FA0] =	sst s2  }
0xb: {  	[smem:$0x3FA1] =	sst s3  }
0xc: {  	[smem:$0x3FA2] =	sst s4  }
0xd: {  	[smem:$0x3FA3] =	sst s5  }
0xe: {  	[smem:$0x3FA4] =	sst s6  }
0xf: {  	[smem:$0x3FA5] =	sst s7  }
0x10: {  	[smem:$0x3FA6] =	sst s8  }
0x11: {  	[smem:$0x3FA7] =	sst s9;
	s0 =	simm.s32 @!p0 $0x0  }
0x12: {  	s1 =	sld [smem:$0x3F8D];
	s0 =	simm.s32 @p0 $0x1  }
0x13: {  	[smem:$0x3FA8] =	sst s0;
	s0 =	simm.s32 @!p1 $0x0  }
0x14: {  	s2 =	sld [smem:$0x3F8C];
	s0 =	simm.s32 @p1 $0x1  }
0x15: {  	[smem:$0x3FA9] =	sst s0;
	s0 =	simm.s32 @!p2 $0x0  }
0x16: {  	s3 =	sld [smem:$0x3FDB];
	s0 =	simm.s32 @p2 $0x1  }
0x17: {  	s4 =	simm.s32 $0x1BF5;
	[smem:$0x3FAB] =	sst s0  }
0x18: {  	s0 =	sld [smem:$0x3F8E];
	_ =	swait.ge [sflag:s4], $0x0  }
0x19: {  	s7 =	sld [smem:$0x3F8F]  }
0x1a: {  	s8 =	sadd.s32 $0xFFFFE003, lr  }
0x1b: {  	s9 =	sadd.s32 $0xFFFFFEF7, lr;
	s5 =	simm.s32 $0xFFFFFFFF;
	p2 =	slt.u32 s8, $0xFFFFF086  }
0x1c: {  	p1 =	slt.u32 s9, $0xF7A;
	s5 =	simm.s32 @!p2 $0x0  }
0x1d: {  	s5 =	simm.s32 @p1 $0x1;
	p0 =	seq.s32 s7, s2  }
0x1e: {  	s7 =	smul.u32 @!p0 $0xF7A, s2;
	p2 =	seq.s32 @!p0 s5, $0x0  }
0x1f: {  	s9 =	smul.u32 $0xF7A, s1;
	s8 =	simm.s32 @!p0 $0x1BF5;
	p2 =	por !p2, p0  }
0x20: {  	[sflag:s8] =	ssyncset.s32 @!p0 $0xFFFFF086;
	s6 =	sadd.s32 @!p0 s3, s7;
	s7 =	simm.s32 @!p0 $0x108  }
0x21: {  	s3 =	sadd.s32 s3, s9;
	s6 =	sadd.s32 @!p0 $0x88, s6;
	s7 =	simm.s32 @p2 $0x1082  }
0x22: {  	[simem:s7], [sflag:s8] =	dma.local @!p0 [hbm:s6], $0xF7A  }
0x23: {  	s9 =	sor.u32 $0xD0000000, s2;
	s6 =	simm.s32 $0x108;
	_ =	swait.ge @!p0 [sflag:s8], $0x0  }
0x24: {  	s3 =	sadd.s32 $0x88, s3;
	s6 =	simm.s32 @!p1 $0x1082;
	[sflag:s4] =	ssyncset.s32 $0xFFFFF086  }
0x25: {  	[simem:s6], [sflag:s4] =	dma.local [hbm:s3], $0xF7A  }
0x26: {  	[smem:$0x3F8F] =	sst s1;
	(tag) =	ssettag s2;
	_ =	strace s9  }
0x27: {  	s1 =	sld [smem:$0x3F9F]  }
0x28: {  	s2 =	sld [smem:$0x3FA0]  }
0x29: {  	s4 =	sld [smem:$0x3FA2]  }
0x2a: {  	p0 =	seq.s32 s5, $0x0;
	s5 =	sld [smem:$0x3FA3]  }
0x2b: {  	s6 =	sld [smem:$0x3FA4]  }
0x2c: {  	s7 =	sld [smem:$0x3FA5]  }
0x2d: {  	s3 =	simm.s32 $0x108;
	s8 =	sld [smem:$0x3FA6]  }
0x2e: {  	s3 =	simm.s32 @!p0 $0x1082;
	s9 =	sld [smem:$0x3FA7]  }
0x2f: {  	lr =	sadd.s32 s0, s3;
	s0 =	sld [smem:$0x3F9E]  }
0x30: {  	s3 =	sld [smem:$0x3FA1]  }
0x31: {  	[smem:$0x3FAA] =	sst s10  }
0x32: {  	s10 =	sld [smem:$0x3FA8];
	_ =	sdelay $0x3  }
0x33: {  	p0 =	seq.s32 s10, $0x1;
	s10 =	sld [smem:$0x3FAA];
	_ =	sdelay $0x3  }
0x34: {  	[smem:$0x3FAA] =	sst s10  }
0x35: {  	s10 =	sld [smem:$0x3FA9];
	_ =	sdelay $0x3  }
0x36: {  	p1 =	seq.s32 s10, $0x1;
	s10 =	sld [smem:$0x3FAA];
	_ =	sdelay $0x3  }
0x37: {  	[smem:$0x3FAA] =	sst s10  }
0x38: {  	s10 =	sld [smem:$0x3FAB]  }
0x39: {  	_ = 	snop;
	(pc) =	sbr.ind lr, $3  }
0x3a: {  	_ = 	snop  }
0x3b: {  	_ = 	snop  }
0x3c: {  	p2 =	seq.s32 s10, $0x1;
	s10 =	sld [smem:$0x3FAA]  }
0x3d: {  	_ =	shalt  }
0x3e: {  	_ =	shalt  }
0x3f: {  	_ =	shalt  }
0x40: {  	_ =	shalt  }
0x41: {  	_ =	shalt  }
0x42: {  	_ =	shalt  }
0x43: {  	_ =	shalt  }
0x44: {  	_ =	shalt  }
0x45: {  	_ =	shalt  }
0x46: {  	_ =	shalt  }
0x47: {  	_ =	shalt  }
0x48: {  	_ =	shalt  }
0x49: {  	_ =	shalt  }
0x4a: {  	_ =	shalt  }
0x4b: {  	_ =	shalt  }
0x4c: {  	_ =	shalt  }
0x4d: {  	_ =	shalt  }
0x4e: {  	_ =	shalt  }
0x4f: {  	_ =	shalt  }
0x50: {  	_ =	shalt  }
0x51: {  	_ =	shalt  }
0x52: {  	_ =	shalt  }
0x53: {  	_ =	shalt  }
0x54: {  	_ =	shalt  }
0x55: {  	_ =	shalt  }
0x56: {  	_ =	shalt  }
0x57: {  	_ =	shalt  }
0x58: {  	_ =	shalt  }
0x59: {  	_ =	shalt  }
0x5a: {  	_ =	shalt  }
0x5b: {  	_ =	shalt  }
0x5c: {  	_ =	shalt  }
0x5d: {  	_ =	shalt  }
0x5e: {  	_ =	shalt  }
0x5f: {  	_ =	shalt  }
0x60: {  	_ =	shalt  }
0x61: {  	_ =	shalt  }
0x62: {  	_ =	shalt  }
0x63: {  	_ =	shalt  }
0x64: {  	_ =	shalt  }
0x65: {  	_ =	shalt  }
0x66: {  	_ =	shalt  }
0x67: {  	_ =	shalt  }
0x68: {  	_ =	shalt  }
0x69: {  	_ =	shalt  }
0x6a: {  	_ =	shalt  }
0x6b: {  	_ =	shalt  }
0x6c: {  	_ =	shalt  }
0x6d: {  	_ =	shalt  }
0x6e: {  	_ =	shalt  }
0x6f: {  	_ =	shalt  }
0x70: {  	_ =	shalt  }
0x71: {  	_ =	shalt  }
0x72: {  	_ =	shalt  }
0x73: {  	_ =	shalt  }
0x74: {  	_ =	shalt  }
0x75: {  	_ =	shalt  }
0x76: {  	_ =	shalt  }
0x77: {  	_ =	shalt  }
0x78: {  	_ =	shalt  }
0x79: {  	_ =	shalt  }
0x7a: {  	_ =	shalt  }
0x7b: {  	_ =	shalt  }
0x7c: {  	_ =	shalt  }
0x7d: {  	_ =	shalt  }
0x7e: {  	_ =	shalt  }
0x7f: {  	_ =	shalt  }
0x80: {  	_ =	shalt  }
0x81: {  	_ =	shalt  }
0x82: {  	_ =	shalt  }
0x83: {  	_ =	shalt  }
0x84: {  	_ =	shalt  }
0x85: {  	_ =	shalt  }
0x86: {  	_ =	shalt  }
0x87: {  	_ =	shalt  }
.Lfunc_end0:
.L_simem_size_0:
called_computation_lowered:
.L_overlay_start_0:
0x88: {  	s2 =	sld [smem:$0x3FD9]  }
0x89: {  	s3 =	sld [smem:$0x3FFE];
	_ =	sdelay $0x1  }
0x8a: {  	s1 =	srdreg.scid  }
0x8b: {  	s0 =	sand.u32 $0x1, s1  }
0x8c: {  	s17 =	sshll.u32 s0, $0xA;
	s2 =	sadd.s32 s3, s2  }
0x8d: {  	s2 =	sadd.s32 s2, s17  }
0x8e: {  	[smem:$0x3FB6] =	sst s2  }
0x8f: {  	_ = 	snop  }
0x90: {  	s2 =	sld [smem:$0x3FD0];
	(tm) =	ssettm $0x1  }
0x91: {  	s18 =	sld [smem:$0x3FFB];
	_ =	sdelay $0x3  }
0x92: {  	_ =	strace s18  }
0x93: {  	s3 =	sld [smem:$0x3FFC];
	_ =	sdelay $0x3  }
0x94: {  	_ =	strace s3  }
0x95: {  	s3 =	sld [smem:$0x3FFD];
	_ =	sdelay $0x3  }
0x96: {  	_ =	strace s3  }
0x97: {  	_ =	strace $0x8FFFFFFF  }
0x98: {  	s19 =	sld [smem:$0x3FDB];
	_ =	sdelay $0x1  }
0x99: {  	s4 =	simm.s32 $_scs_section_size  }
0x9a: {  	s5 =	simm.s32 $_size__tile_overlayer_lowered;
	s6 =	simm.s32 $_tile_overlayer_lowered  }
0x9b: {  	s22 =	simm.s32 $0x1BFF;
	s21 =	sshll.u32 s6, $0x1;
	s3 =	sadd.s32 s4, s19  }
0x9c: {  	s7 =	simm.s32 $0x0;
	s20 =	sshll.u32 s5, $0x1;
	s5 =	sadd.s32 s21, s3  }
0x9d: {  	[timem:s7], [sflag:s22] =	dma.local [hbm:s5], s20  }
0x9e: {  	_ =	swait.ge [sflag:s22], s20  }
0x9f: {  	s4 =	ssub.s32 $0x0, s20;
	[sflag:s22] =	ssyncset.done $0x0  }
0xa0: {  	[sflag:s22] =	ssyncadd.s32 s4;
	_ =	sdelay $0x1  }
0xa1: {  	s23 =	simm.s32 $0x1B8B  }
0xa2: {  	_ =	swait.ge [sflag:s23], $0x1  }
0xa3: {  	[sflag:s23] =	ssyncset.done $0x0  }
0xa4: {  	s25 =	simm.s32 $0x1B8E;
	s24 =	sld [smem:$0x3FFE];
	[sflag:s23] =	ssyncadd.s32 $0xFFFFFFFF  }
0xa5: {  	s26 =	simm.s32 $execute0_lowered;
	[smem:$0x3FD2] =	sst s25  }
0xa6: {  	s5 =	sshll.u32 s26, $0x1;
	_ =	strace $0x80000046;
	[dreg:$0x1] =	wrdreg $0xFFFFFFFF  }
0xa7: {  	s28 =	simm.s32 $_size_execute0_lowered;
	s3 =	sadd.s32 s3, s5;
	[dreg:$0x0] =	wrdreg $0x0  }
0xa8: {  	s5 =	sshll.u32 s28, $0x1;
	[dreg:$0x2] =	wrdreg s3  }
0xa9: {  	[dreg:$0x3] =	wrdreg s5  }
0xaa: {  	[dreg:$0x4] =	wrdreg $0xC0  }
0xab: {  	_ =	task [dreg:s7], $0x5FFFF  }
0xac: {  	[dreg:$0x1] =	wrdreg $0xFFFFFFFF  }
0xad: {  	[dreg:$0x0] =	wrdreg $0x60  }
0xae: {  	[dreg:$0x2] =	wrdreg s24  }
0xaf: {  	[dreg:$0x3] =	wrdreg s2  }
0xb0: {  	[dreg:$0x4] =	wrdreg $0x9  }
0xb1: {  	_ =	task.clear_ibuf [dreg:s7], $0x5FFFF;
	_ =	strace $0x90000046  }
0xb2: {  	s29 =	simm.s32 $0x9;
	_ =	strace $0x80000048  }
0xb3: {  	_ =	swait.ge [sflag:s29], $0x1  }
0xb4: {  	[sflag:s29] =	ssyncadd.s32 $0xFFFFFFFF  }
0xb5: {  	_ =	strace $0x90000048  }
0xb6: {  	_ =	sfence  }
0xb7: {  	s30 =	sld [smem:$0x0];
	_ =	sdelay $0x2  }
0xb8: {  	s31 =	sshll.u32 s1, $0xD;
	s1 =	sshrl.u32 s1, $0x2  }
0xb9: {  	s3 =	sand.u32 $0x4000, s31;
	s1 =	sadd.s32 s1, s30  }
0xba: {  	s0 =	sor.u32 s3, s0;
	s1 =	sshll.u32 s1, $0x11  }
0xbb: {  	s0 =	sor.u32 s1, s0  }
0xbc: {  	s0 =	sadd.s32 $0x8F2B, s0  }
0xbd: {  	[sflag:s0] =	ssyncadd.remote.s32 $0x1  }
0xbe: {  	_ =	sfence.sel $0xFFFF  }
0xbf: {  	[dreg:$0x0] =	wrdreg $0xFFFFFFFF;
	(pc) =	sbr.abs _section_cstart, $3  }
0xc0: {  	[dreg:$0x1] =	wrdreg $0xFFFFFFFF  }
0xc1: {  	_ =	task.clear_ibuf [dreg:s7], $0x2FFFF;
	_ =	strace $0x9FFFFFFF  }
0xc2: {  	(tm) =	ssettm $0x7FFFFFFF  }
0xc3: {  	_ =	shalt  }
tec
execute0_lowered:
.L_overlay_start_1:
0x0: {  	(tag) =	ssettag $0x1  }
0x1: {  	s8 =	rddreg [dreg:$0x0]  }
0x2: {  	s2 =	rddreg [dreg:$0x1]  }
0x3: {  	s0 =	rddreg [dreg:$0x2];
	s3 =	simm.s32 $0x0;
	s4 =	srdreg.scid  }
0x4: {  	s1 =	stileid.u32;
	s13 =	simm.s32 $0x1400;
	s14 =	simm.s32 $0x2800  }
0x5: {  	s15 =	simm.s32 $0x3C00;
	s16 =	simm.s32 $0x5000;
	s17 =	simm.s32 $0x6400  }
0x6: {  	s18 =	simm.s32 $0xB400;
	s19 =	simm.s32 $0x0;
	[smem:$0x7FF] =	sst s3  }
0x7: {  	s5 =	sand.u32 $0x1, s4;
	s31 =	sshll.u32 s1, $0x1;
	s4 =	sadd.s32 $0x6400, s8  }
0x8: {  	s6 =	sadd.s32 $0x6800, s8;
	s9 =	sor.u32 s5, s31;
	s11 =	ssub.s32 $0x2, s5  }
0x9: {  	s7 =	sadd.s32 $0x7000, s8;
	s10 =	smul.u32 $0xA00, s9;
	s12 =	sshrl.u32 s11, $0x1  }
0xa: {  	_ =	strace $0x80000047;
	s5 =	sadd.s32 $0x6C00, s8;
	s11 =	ssub.s32 s11, s12  }
0xb: {  	s12 =	simm.s32 $0x1;
	s10 =	sadd.s32 s10, s8;
	s8 =	smul.u32 $0xA0, s9  }
0xc: {  	v0 =	vimm.f32 $1.000000000e+00;
	v1 =	vimm.s32 $0x0;
	v2 =	vlaneseq.u32;
	s11 =	smax.u32 s11, $0x1;
	s9 =	sadd.s32 $0x7400, s10;
	s10 =	sadd.s32 $0x1B400, s10  }
.LBB2_1:
0xd: {  	[tilespmem:s3], [sflag:$0x1] =	stream.linear.gather [hbm4b:s4+s3], $0x1400, $0x38;
	[tilespmem:$0x10400] =	vst v63  }
0xe: {  	_ =	swait.ge [sflag:s12], $0x1400  }
0xf: {  	[sflag:s12] =	ssyncset.done $0x0  }
0x10: {  	[sflag:s12] =	ssyncadd.s32 $0xFFFFEC00  }
0x11: {  	[tilespmem:s13], [sflag:$0x1] =	stream.linear.gather [hbm4b:s2+s3], $0x1400, $0x38;
	[tilespmem:$0x10400] =	vst v63  }
0x12: {  	_ =	swait.ge [sflag:s12], $0x1400  }
0x13: {  	[sflag:s12] =	ssyncset.done $0x0  }
0x14: {  	[sflag:s12] =	ssyncadd.s32 $0xFFFFEC00  }
0x15: {  	[tilespmem:s14], [sflag:$0x1] =	stream.linear.gather [hbm4b:s5+s3], $0x1400, $0x38;
	[tilespmem:$0x10400] =	vst v63  }
0x16: {  	_ =	swait.ge [sflag:s12], $0x1400  }
0x17: {  	[sflag:s12] =	ssyncset.done $0x0  }
0x18: {  	[sflag:s12] =	ssyncadd.s32 $0xFFFFEC00  }
0x19: {  	[tilespmem:s15], [sflag:$0x1] =	stream.linear.gather [hbm4b:s6+s3], $0x1400, $0x38;
	[tilespmem:$0x10400] =	vst v63  }
0x1a: {  	_ =	swait.ge [sflag:s12], $0x1400  }
0x1b: {  	[sflag:s12] =	ssyncset.done $0x0  }
0x1c: {  	[sflag:s12] =	ssyncadd.s32 $0xFFFFEC00  }
0x1d: {  	[tilespmem:s16], [sflag:$0x1] =	stream.linear.gather [hbm4b:s7+s3], $0x1400, $0x38;
	[tilespmem:$0x10400] =	vst v63  }
0x1e: {  	_ =	swait.ge [sflag:s12], $0x1400  }
0x1f: {  	[sflag:s12] =	ssyncset.done $0x0  }
0x20: {  	s20 =	simm.s32 $0x0;
	[sflag:s12] =	ssyncadd.s32 $0xFFFFEC00  }
.LBB2_2:
0x21: {  	s21 =	sadd.s32 s8, s20  }
0x22: {  	v8 =	vmov s21;
	_ =	sdelay $0x3  }
0x23: {  	s21 =	simm.s32 $0x0  }
0x24: {  	v3 =	vld.idx.msk [tilespmem:v8+s21+$0x0], $0xffff  }
0x25: {  	v4 =	vld.idx.msk [tilespmem:v8+s13+$0x0], $0xffff  }
0x26: {  	v5 =	vld.idx.msk [tilespmem:v8+s14+$0x0], $0xffff  }
0x27: {  	s25 =	sshll.u32 s20, $0x7;
	v6 =	vld.idx.msk [tilespmem:v8+s15+$0x0], $0xffff  }
0x28: {  	v7 =	vld.idx.msk [tilespmem:v8+s16+$0x0], $0xffff;
	[tilespmem:s25+$0x6400] =	vst v8  }
0x29: {  	[tilespmem:s25+$0xB400] =	vst v0  }
0x2a: {  	[tilespmem:s25+$0x6410] =	vst v8  }
0x2b: {  	[tilespmem:s25+$0xB410] =	vst v0  }
0x2c: {  	[tilespmem:s25+$0x6420] =	vst v8  }
0x2d: {  	[tilespmem:s25+$0xB420] =	vst v0  }
0x2e: {  	[tilespmem:s25+$0x6430] =	vst v8  }
0x2f: {  	[tilespmem:s25+$0xB430] =	vst v0  }
0x30: {  	[tilespmem:s25+$0x6440] =	vst v8  }
0x31: {  	[tilespmem:s25+$0xB440] =	vst v0  }
0x32: {  	[tilespmem:s25+$0x6450] =	vst v8  }
0x33: {  	[tilespmem:s25+$0xB450] =	vst v0  }
0x34: {  	[tilespmem:s25+$0x6460] =	vst v8  }
0x35: {  	s22 =	simm.s32 $0xFFFFFFFE;
	[tilespmem:s25+$0xB460] =	vst v0  }
0x36: {  	s23 =	simm.s32 $0x1410;
	s24 =	simm.s32 $0x2810;
	s26 =	sadd.s32 $0xFFFFFFFF, s25;
	[tilespmem:s25+$0x6470] =	vst v8  }
0x37: {  	v9 =	vimm.s32 $0x0;
	s28 =	simm.s32 $0x10;
	[tilespmem:s25+$0xB470] =	vst v0;
	v8 =	vmov s26;
	s25 =	simm.s32 $0x3C10;
	s26 =	simm.s32 $0x5010  }
.LBB2_3:
0x38: {  	v10 =	vld [tilespmem:s28+$0xFFFFFFF0]  }
0x39: {  	v11 =	vld [tilespmem:s23+$0xFFFFFFF0]  }
0x3a: {  	v12 =	vld [tilespmem:s24+$0xFFFFFFF0]  }
0x3b: {  	v13 =	vld [tilespmem:s25+$0xFFFFFFF0];
	_ =	sdelay $0x3  }
0x3c: {  	v14 =	vld [tilespmem:s26+$0xFFFFFFF0];
	v12 =	vmin.f32 v5, v12  }
0x3d: {  	v10 =	vmax.f32 v3, v10;
	v13 =	vmin.f32 v6, v13;
	v11 =	vmax.f32 v4, v11  }
0x3e: {  	v10 =	vsub.f32 v12, v10;
	v11 =	vsub.f32 v13, v11;
	_ =	sdelay $0x1  }
0x3f: {  	v10 =	vmax.f32 v10, $0.0e+00;
	v11 =	vmax.f32 v11, $0.0e+00  }
0x40: {  	v10 =	vmul.f32 v11, v10;
	v11 =	vadd.f32 v14, v7;
	_ =	sdelay $0x1  }
0x41: {  	v53 =	vmul.f32 $3.000000000e+00, v10;
	v54 =	vadd.f32 $9.999999930e-09, v11;
	_ =	sdelay $0x1  }
0x42: {  	vm0 =	vgt.f32 v53, v54  }
0x43: {  	v12 =	vsel vm0, $0x1, v1  }
0x44: {  	v11 =	vsub.f32 v11, v10;
	(xrf0) =	vadd.scan.msk.s32 $0xffff, v12;
	_ =	sdelay $0x1  }
0x45: {  	v11 =	vadd.f32 $9.999999930e-09, v11;
	_ =	sdelay $0x1  }
0x46: {  	(erf) = vrcp.f32 v11;
	_ =	sdelay $0x1  }
0x47: {  	v11, _, _ =	vpop (xrf0)  }
0x48: {  	v11 =	vadd.s32 v9, v11  }
0x49: {  	vm1 =	vlt.s32 v11, $0x81  }
0x4a: {  	vm1 =	vmand vm0, vm1  }
0x4b: {  	v11 =	vadd.s32 v8, v11;
	_ =	sdelay $0x2  }
0x4c: {  	v55 =	vpop (erf)  }
0x4d: {  	v56 =	vor.u32 s21, v2;
	v10 =	vmul.f32 v55, v10  }
0x4e: {  	[tilespmem:v11+s17+$0x0] =	vst.idx.msk vm1, v56  }
0x4f: {  	[tilespmem:v11+s18+$0x0] =	vst.idx.msk vm1, v10  }
0x50: {  	v10 =	vld [tilespmem:s28+$0x0]  }
0x51: {  	v11 =	vld [tilespmem:s23+$0x0]  }
0x52: {  	v12 =	vld [tilespmem:s24+$0x0]  }
0x53: {  	v57 =	vld [tilespmem:s25+$0x0];
	_ =	sdelay $0x3  }
0x54: {  	v58 =	vld [tilespmem:s26+$0x0];
	v12 =	vmin.f32 v5, v12  }
0x55: {  	v10 =	vmax.f32 v3, v10;
	v13 =	vmin.f32 v6, v57;
	v11 =	vmax.f32 v4, v11  }
0x56: {  	v10 =	vsub.f32 v12, v10;
	v11 =	vsub.f32 v13, v11;
	_ =	sdelay $0x1  }
0x57: {  	v10 =	vmax.f32 v10, $0.0e+00;
	v11 =	vmax.f32 v11, $0.0e+00  }
0x58: {  	v10 =	vmul.f32 v11, v10;
	v11 =	vadd.f32 v58, v7;
	_ =	sdelay $0x1  }
0x59: {  	v59 =	vmul.f32 $3.000000000e+00, v10;
	v60 =	vadd.f32 $9.999999930e-09, v11;
	_ =	sdelay $0x1  }
0x5a: {  	vm14 =	vgt.f32 v59, v60  }
0x5b: {  	v12 =	vsel vm14, $0x1, v1  }
0x5c: {  	v11 =	vsub.f32 v11, v10;
	(xrf0) =	vadd.scan.msk.s32 $0xffff, v12;
	_ =	sdelay $0x1  }
0x5d: {  	v11 =	vadd.f32 $9.999999930e-09, v11;
	_ =	sdelay $0x1  }
0x5e: {  	v61 =	vmpcnt.ones.xlane vm0;
	(erf) = vrcp.f32 v11;
	_ =	sdelay $0x1  }
0x5f: {  	v9 =	vadd.s32 v9, v61;
	v11, _, _ =	vpop (xrf0)  }
0x60: {  	v11 =	vadd.s32 v9, v11  }
0x61: {  	vm15 =	vlt.s32 v11, $0x81  }
0x62: {  	vm0 =	vmand vm14, vm15  }
0x63: {  	s22 =	sadd.s32 $0x2, s22;
	v11 =	vadd.s32 v8, v11  }
0x64: {  	p0 =	slt.u32 s22, $0x13E  }
.Ltmp0:
0x65: {  	_ = 	snop;
	(pc) =	sbr.rel @p0 .LBB2_3-.Ltmp0, $4  }
0x66: {  	s29 =	sadd.s32 $0x10, s21;
	v62 =	vpop (erf)  }
0x67: {  	v63 =	vor.u32 s29, v2;
	v13 =	vmpcnt.ones.xlane vm14;
	v10 =	vmul.f32 v62, v10  }
0x68: {  	s21 =	sadd.s32 $0x20, s21;
	s23 =	sadd.s32 $0x20, s23;
	s24 =	sadd.s32 $0x20, s24;
	[tilespmem:v11+s17+$0x0] =	vst.idx.msk vm0, v63  }
0x69: {  	s25 =	sadd.s32 $0x20, s25;
	s26 =	sadd.s32 $0x20, s26;
	s28 =	sadd.s32 $0x20, s28;
	v9 =	vadd.s32 v9, v13;
	[tilespmem:v11+s18+$0x0] =	vst.idx.msk vm0, v10  }
0x6a: {  	s20 =	sadd.s32 $0x1, s20  }
0x6b: {  	p0 =	sne.s32 s20, $0xA0  }
.Ltmp1:
0x6c: {  	_ = 	snop;
	(pc) =	sbr.rel @p0 .LBB2_2-.Ltmp1, $1  }
0x6d: {  	_ =	sdelay $0x3  }
0x6e: {  	[hbm4b:s9+s3] =	stream.linear.scatter [tilespmem:s17], [sflag:$0x1], $0x5000, $0x38;
	[tilespmem:$0x10400] =	vst v63  }
0x6f: {  	s19 =	sadd.s32 $0x1, s19;
	_ =	swait.ge [sflag:s12], $0x5000  }
0x70: {  	p0 =	sne.s32 s19, s11;
	[sflag:s12] =	ssyncset.done $0x0  }
.Ltmp2:
0x71: {  	[sflag:s12] =	ssyncadd.s32 $0xFFFFB000;
	(pc) =	sbr.rel @p0 .LBB2_1-.Ltmp2, $4  }
0x72: {  	[hbm4b:s10+s3] =	stream.linear.scatter [tilespmem:s18], [sflag:$0x1], $0x5000, $0x38;
	[tilespmem:$0x10400] =	vst v63  }
0x73: {  	_ =	swait.ge [sflag:s12], $0x5000  }
0x74: {  	[sflag:s12] =	ssyncset.done $0x0  }
0x75: {  	[sflag:s12] =	ssyncadd.s32 $0xFFFFB000  }
0x76: {  	_ =	sfence.sel $0x180000  }
0x77: {  	[bflag:$0x0] =	sbarrier.arrive $0xFFFF  }
0x78: {  	p0 =	sne.s32 s1, $0x0;
	_ =	strace $0x90000047  }
0x79: {  	s0 =	sadd.s32 @!p0 $0x100000, s0;
	[bflag:$0x2] =	sbarrier.arrive $0xFFFF  }
0x7a: {  	[sflag:s0] =	ssyncadd.tile.s32 @!p0 $0x1;
	_ =	shalt  }
.Lfunc_end2:
_tile_overlayer_lowered:
.L_overlay_start_2:
0x7b: {  	(tag) =	ssettag $0x2  }
0x7c: {  	s0 =	rddreg [dreg:$0x0];
	s2 =	stileid.u32  }
0x7d: {  	s1 =	rddreg [dreg:$0x1];
	p0 =	sne.s32 s2, $0x0  }
0x7e: {  	s3 =	rddreg [dreg:$0x2];
	[bflag:$0x3] =	sbarrier.arrive $0xFFFF;
	s2 =	simm.s32 @!p0 $0x1C01  }
0x7f: {  	[timem:s3], [sflag:s2] =	dma.local @!p0 [hbm:s0], s1  }
0x80: {  	s0 =	simm.s32 @!p0 $0x1  }
0x81: {  	_ =	swait.ge @!p0 [sflag:s0], s1  }
0x82: {  	s1 =	ssub.s32 @!p0 $0x0, s1;
	[sflag:s0] =	ssyncset.done @!p0 $0x0  }
0x83: {  	[sflag:s0] =	ssyncadd.s32 @!p0 s1  }
0x84: {  	[bflag:$0x3] =	sbarrier.arrive $0xFFFF  }
0x85: {  	_ =	shalt  }

// kernel: kernel.13.cloned.1.call-start
scs
__scs_entry_jumppad:
0x0: {  	(pc) =	sbr.rel $0x88, $3  }
0x1: {  	(tag) =	ssettag $0x0;
	lr =	simm.s32 $0x1  }
0x2: {  	[smem:$0x3F8F] =	sst lr;
	_ =	strace $0xD0000000  }
0x3: {  	_ = 	snop  }
0x4: {  	_ = 	snop  }
0x5: {  	_ = 	snop  }
0x6: {  	_ = 	snop  }
0x7: {  	_ = 	snop  }
__scs_overlays_trampoline_lowered:
0x8: {  	[smem:$0x3F9E] =	sst s0  }
0x9: {  	[smem:$0x3F9F] =	sst s1  }
0xa: {  	[smem:$0x3FA0] =	sst s2  }
0xb: {  	[smem:$0x3FA1] =	sst s3  }
0xc: {  	[smem:$0x3FA2] =	sst s4  }
0xd: {  	[smem:$0x3FA3] =	sst s5  }
0xe: {  	[smem:$0x3FA4] =	sst s6  }
0xf: {  	[smem:$0x3FA5] =	sst s7  }
0x10: {  	[smem:$0x3FA6] =	sst s8  }
0x11: {  	[smem:$0x3FA7] =	sst s9;
	s0 =	simm.s32 @!p0 $0x0  }
0x12: {  	s1 =	sld [smem:$0x3F8D];
	s0 =	simm.s32 @p0 $0x1  }
0x13: {  	[smem:$0x3FA8] =	sst s0;
	s0 =	simm.s32 @!p1 $0x0  }
0x14: {  	s2 =	sld [smem:$0x3F8C];
	s0 =	simm.s32 @p1 $0x1  }
0x15: {  	[smem:$0x3FA9] =	sst s0;
	s0 =	simm.s32 @!p2 $0x0  }
0x16: {  	s3 =	sld [smem:$0x3FDB];
	s0 =	simm.s32 @p2 $0x1  }
0x17: {  	s4 =	simm.s32 $0x1BF5;
	[smem:$0x3FAB] =	sst s0  }
0x18: {  	s0 =	sld [smem:$0x3F8E];
	_ =	swait.ge [sflag:s4], $0x0  }
0x19: {  	s7 =	sld [smem:$0x3F8F]  }
0x1a: {  	s8 =	sadd.s32 $0xFFFFE003, lr  }
0x1b: {  	s9 =	sadd.s32 $0xFFFFFEF7, lr;
	s5 =	simm.s32 $0xFFFFFFFF;
	p2 =	slt.u32 s8, $0xFFFFF086  }
0x1c: {  	p1 =	slt.u32 s9, $0xF7A;
	s5 =	simm.s32 @!p2 $0x0  }
0x1d: {  	s5 =	simm.s32 @p1 $0x1;
	p0 =	seq.s32 s7, s2  }
0x1e: {  	s7 =	smul.u32 @!p0 $0xF7A, s2;
	p2 =	seq.s32 @!p0 s5, $0x0  }
0x1f: {  	s9 =	smul.u32 $0xF7A, s1;
	s8 =	simm.s32 @!p0 $0x1BF5;
	p2 =	por !p2, p0  }
0x20: {  	[sflag:s8] =	ssyncset.s32 @!p0 $0xFFFFF086;
	s6 =	sadd.s32 @!p0 s3, s7;
	s7 =	simm.s32 @!p0 $0x108  }
0x21: {  	s3 =	sadd.s32 s3, s9;
	s6 =	sadd.s32 @!p0 $0x88, s6;
	s7 =	simm.s32 @p2 $0x1082  }
0x22: {  	[simem:s7], [sflag:s8] =	dma.local @!p0 [hbm:s6], $0xF7A  }
0x23: {  	s9 =	sor.u32 $0xD0000000, s2;
	s6 =	simm.s32 $0x108;
	_ =	swait.ge @!p0 [sflag:s8], $0x0  }
0x24: {  	s3 =	sadd.s32 $0x88, s3;
	s6 =	simm.s32 @!p1 $0x1082;
	[sflag:s4] =	ssyncset.s32 $0xFFFFF086  }
0x25: {  	[simem:s6], [sflag:s4] =	dma.local [hbm:s3], $0xF7A  }
0x26: {  	[smem:$0x3F8F] =	sst s1;
	(tag) =	ssettag s2;
	_ =	strace s9  }
0x27: {  	s1 =	sld [smem:$0x3F9F]  }
0x28: {  	s2 =	sld [smem:$0x3FA0]  }
0x29: {  	s4 =	sld [smem:$0x3FA2]  }
0x2a: {  	p0 =	seq.s32 s5, $0x0;
	s5 =	sld [smem:$0x3FA3]  }
0x2b: {  	s6 =	sld [smem:$0x3FA4]  }
0x2c: {  	s7 =	sld [smem:$0x3FA5]  }
0x2d: {  	s3 =	simm.s32 $0x108;
	s8 =	sld [smem:$0x3FA6]  }
0x2e: {  	s3 =	simm.s32 @!p0 $0x1082;
	s9 =	sld [smem:$0x3FA7]  }
0x2f: {  	lr =	sadd.s32 s0, s3;
	s0 =	sld [smem:$0x3F9E]  }
0x30: {  	s3 =	sld [smem:$0x3FA1]  }
0x31: {  	[smem:$0x3FAA] =	sst s10  }
0x32: {  	s10 =	sld [smem:$0x3FA8];
	_ =	sdelay $0x3  }
0x33: {  	p0 =	seq.s32 s10, $0x1;
	s10 =	sld [smem:$0x3FAA];
	_ =	sdelay $0x3  }
0x34: {  	[smem:$0x3FAA] =	sst s10  }
0x35: {  	s10 =	sld [smem:$0x3FA9];
	_ =	sdelay $0x3  }
0x36: {  	p1 =	seq.s32 s10, $0x1;
	s10 =	sld [smem:$0x3FAA];
	_ =	sdelay $0x3  }
0x37: {  	[smem:$0x3FAA] =	sst s10  }
0x38: {  	s10 =	sld [smem:$0x3FAB]  }
0x39: {  	_ = 	snop;
	(pc) =	sbr.ind lr, $3  }
0x3a: {  	_ = 	snop  }
0x3b: {  	_ = 	snop  }
0x3c: {  	p2 =	seq.s32 s10, $0x1;
	s10 =	sld [smem:$0x3FAA]  }
0x3d: {  	_ =	shalt  }
0x3e: {  	_ =	shalt  }
0x3f: {  	_ =	shalt  }
0x40: {  	_ =	shalt  }
0x41: {  	_ =	shalt  }
0x42: {  	_ =	shalt  }
0x43: {  	_ =	shalt  }
0x44: {  	_ =	shalt  }
0x45: {  	_ =	shalt  }
0x46: {  	_ =	shalt  }
0x47: {  	_ =	shalt  }
0x48: {  	_ =	shalt  }
0x49: {  	_ =	shalt  }
0x4a: {  	_ =	shalt  }
0x4b: {  	_ =	shalt  }
0x4c: {  	_ =	shalt  }
0x4d: {  	_ =	shalt  }
0x4e: {  	_ =	shalt  }
0x4f: {  	_ =	shalt  }
0x50: {  	_ =	shalt  }
0x51: {  	_ =	shalt  }
0x52: {  	_ =	shalt  }
0x53: {  	_ =	shalt  }
0x54: {  	_ =	shalt  }
0x55: {  	_ =	shalt  }
0x56: {  	_ =	shalt  }
0x57: {  	_ =	shalt  }
0x58: {  	_ =	shalt  }
0x59: {  	_ =	shalt  }
0x5a: {  	_ =	shalt  }
0x5b: {  	_ =	shalt  }
0x5c: {  	_ =	shalt  }
0x5d: {  	_ =	shalt  }
0x5e: {  	_ =	shalt  }
0x5f: {  	_ =	shalt  }
0x60: {  	_ =	shalt  }
0x61: {  	_ =	shalt  }
0x62: {  	_ =	shalt  }
0x63: {  	_ =	shalt  }
0x64: {  	_ =	shalt  }
0x65: {  	_ =	shalt  }
0x66: {  	_ =	shalt  }
0x67: {  	_ =	shalt  }
0x68: {  	_ =	shalt  }
0x69: {  	_ =	shalt  }
0x6a: {  	_ =	shalt  }
0x6b: {  	_ =	shalt  }
0x6c: {  	_ =	shalt  }
0x6d: {  	_ =	shalt  }
0x6e: {  	_ =	shalt  }
0x6f: {  	_ =	shalt  }
0x70: {  	_ =	shalt  }
0x71: {  	_ =	shalt  }
0x72: {  	_ =	shalt  }
0x73: {  	_ =	shalt  }
0x74: {  	_ =	shalt  }
0x75: {  	_ =	shalt  }
0x76: {  	_ =	shalt  }
0x77: {  	_ =	shalt  }
0x78: {  	_ =	shalt  }
0x79: {  	_ =	shalt  }
0x7a: {  	_ =	shalt  }
0x7b: {  	_ =	shalt  }
0x7c: {  	_ =	shalt  }
0x7d: {  	_ =	shalt  }
0x7e: {  	_ =	shalt  }
0x7f: {  	_ =	shalt  }
0x80: {  	_ =	shalt  }
0x81: {  	_ =	shalt  }
0x82: {  	_ =	shalt  }
0x83: {  	_ =	shalt  }
0x84: {  	_ =	shalt  }
0x85: {  	_ =	shalt  }
0x86: {  	_ =	shalt  }
0x87: {  	_ =	shalt  }
.Lfunc_end0:
.L_simem_size_0:
called_computation.1_lowered:
.L_overlay_start_0:
0x88: {  	s2 =	sld [smem:$0x3FD9]  }
0x89: {  	s3 =	sld [smem:$0x3FFE];
	_ =	sdelay $0x1  }
0x8a: {  	s1 =	srdreg.scid  }
0x8b: {  	s0 =	sand.u32 $0x1, s1  }
0x8c: {  	s16 =	sshll.u32 s0, $0xA;
	s2 =	sadd.s32 s3, s2  }
0x8d: {  	s2 =	sadd.s32 s2, s16  }
0x8e: {  	[smem:$0x3FB6] =	sst s2  }
0x8f: {  	_ = 	snop  }
0x90: {  	(tm) =	ssettm $0x1  }
0x91: {  	s17 =	sld [smem:$0x3FFB];
	_ =	sdelay $0x3  }
0x92: {  	_ =	strace s17  }
0x93: {  	s2 =	sld [smem:$0x3FFC];
	_ =	sdelay $0x3  }
0x94: {  	_ =	strace s2  }
0x95: {  	s2 =	sld [smem:$0x3FFD];
	_ =	sdelay $0x3  }
0x96: {  	_ =	strace s2  }
0x97: {  	_ =	strace $0x8FFFFFFF  }
0x98: {  	s18 =	sld [smem:$0x3FDB];
	_ =	sdelay $0x1  }
0x99: {  	s19 =	simm.s32 $_scs_section_size  }
0x9a: {  	s4 =	simm.s32 $_size__tile_overlayer_lowered;
	s5 =	simm.s32 $_tile_overlayer_lowered  }
0x9b: {  	s22 =	simm.s32 $0x1BFF;
	s21 =	sshll.u32 s5, $0x1;
	s2 =	sadd.s32 s19, s18  }
0x9c: {  	s6 =	simm.s32 $0x0;
	s20 =	sshll.u32 s4, $0x1;
	s4 =	sadd.s32 s21, s2  }
0x9d: {  	[timem:s6], [sflag:s22] =	dma.local [hbm:s4], s20  }
0x9e: {  	_ =	swait.ge [sflag:s22], s20  }
0x9f: {  	s3 =	ssub.s32 $0x0, s20;
	[sflag:s22] =	ssyncset.done $0x0  }
0xa0: {  	[sflag:s22] =	ssyncadd.s32 s3;
	_ =	sdelay $0x1  }
0xa1: {  	s23 =	simm.s32 $0x1B8B  }
0xa2: {  	_ =	swait.ge [sflag:s23], $0x1  }
0xa3: {  	[sflag:s23] =	ssyncset.done $0x0  }
0xa4: {  	s25 =	simm.s32 $0x1B8E;
	s24 =	sld [smem:$0x3FFE];
	[sflag:s23] =	ssyncadd.s32 $0xFFFFFFFF  }
0xa5: {  	s26 =	simm.s32 $execute0_lowered;
	[smem:$0x3FD2] =	sst s25  }
0xa6: {  	s4 =	sshll.u32 s26, $0x1;
	_ =	strace $0x80000049;
	[dreg:$0x1] =	wrdreg $0xFFFFFFFF  }
0xa7: {  	s28 =	simm.s32 $_size_execute0_lowered;
	s2 =	sadd.s32 s2, s4;
	[dreg:$0x0] =	wrdreg $0x0  }
0xa8: {  	s4 =	sshll.u32 s28, $0x1;
	[dreg:$0x2] =	wrdreg s2  }
0xa9: {  	[dreg:$0x3] =	wrdreg s4  }
0xaa: {  	[dreg:$0x4] =	wrdreg $0xC0  }
0xab: {  	_ =	task [dreg:s6], $0x5FFFF  }
0xac: {  	[dreg:$0x1] =	wrdreg $0xFFFFFFFF  }
0xad: {  	[dreg:$0x0] =	wrdreg $0x60  }
0xae: {  	[dreg:$0x2] =	wrdreg s24  }
0xaf: {  	[dreg:$0x3] =	wrdreg $0x9  }
0xb0: {  	_ =	task.clear_ibuf [dreg:s6], $0x4FFFF;
	_ =	strace $0x90000049  }
0xb1: {  	s29 =	simm.s32 $0x9;
	_ =	strace $0x8000004B  }
0xb2: {  	_ =	swait.ge [sflag:s29], $0x1  }
0xb3: {  	[sflag:s29] =	ssyncadd.s32 $0xFFFFFFFF  }
0xb4: {  	_ =	strace $0x9000004B  }
0xb5: {  	_ =	sfence  }
0xb6: {  	s30 =	sld [smem:$0x0];
	_ =	sdelay $0x2  }
0xb7: {  	s31 =	sshll.u32 s1, $0xD;
	s1 =	sshrl.u32 s1, $0x2  }
0xb8: {  	s3 =	sand.u32 $0x4000, s31;
	s1 =	sadd.s32 s1, s30  }
0xb9: {  	s0 =	sor.u32 s3, s0;
	s1 =	sshll.u32 s1, $0x11  }
0xba: {  	s0 =	sor.u32 s1, s0  }
0xbb: {  	s0 =	sadd.s32 $0x8F2B, s0  }
0xbc: {  	[sflag:s0] =	ssyncadd.remote.s32 $0x1  }
0xbd: {  	_ =	sfence.sel $0xFFFF  }
0xbe: {  	[dreg:$0x0] =	wrdreg $0xFFFFFFFF;
	(pc) =	sbr.abs _section_cstart, $3  }
0xbf: {  	[dreg:$0x1] =	wrdreg $0xFFFFFFFF  }
0xc0: {  	_ =	task.clear_ibuf [dreg:s6], $0x2FFFF;
	_ =	strace $0x9FFFFFFF  }
0xc1: {  	(tm) =	ssettm $0x7FFFFFFF  }
tec
execute0_lowered:
.L_overlay_start_1:
0x0: {  	(tag) =	ssettag $0x1  }
0x1: {  	s1 =	srdreg.scid  }
0x2: {  	s0 =	stileid.u32;
	s4 =	rddreg [dreg:$0x0];
	s2 =	simm.s32 $0x0  }
0x3: {  	s31 =	simm.s32 $0x100;
	s10 =	simm.s32 $0x180;
	s11 =	simm.s32 $0x200  }
0x4: {  	s13 =	simm.s32 $0x280;
	s12 =	simm.s32 $0x1;
	s14 =	simm.s32 $0x300  }
0x5: {  	s15 =	simm.s32 $0x380;
	s16 =	simm.s32 $0x400;
	s17 =	simm.s32 $0x480  }
0x6: {  	s18 =	simm.s32 $0x500;
	s19 =	simm.s32 $0x580;
	s20 =	simm.s32 $0x600  }
0x7: {  	s21 =	simm.s32 $0x680;
	s22 =	simm.s32 $0x700;
	s23 =	simm.s32 $0x780  }
0x8: {  	s5 =	sand.u32 $0x1, s1;
	s6 =	smul.u32 $0xA000, s0;
	s1 =	rddreg [dreg:$0x1]  }
0x9: {  	s24 =	simm.s32 $0x0;
	[smem:$0x7FF] =	sst s2;
	s8 =	smul.u32 $0xA0000, s0  }
0xa: {  	s7 =	smul.u32 $0x5000, s5;
	_ =	strace $0x8000004A;
	[dreg:$0x3] =	wrdreg s31  }
0xb: {  	s3 =	sadd.s32 $0x57400, s4;
	s9 =	smul.u32 $0x50000, s5;
	[dreg:$0x4] =	wrdreg s10  }
0xc: {  	s5 =	ssub.s32 $0x2, s5;
	s10 =	simm.s32 $0x8800;
	[dreg:$0x5] =	wrdreg s11  }
0xd: {  	s11 =	simm.s32 $0xC800;
	[dreg:$0x6] =	wrdreg s13;
	s13 =	simm.s32 $0x2  }
0xe: {  	s26 =	sadd.s32 s8, s4;
	s28 =	sshrl.u32 s5, $0x1;
	s8 =	simm.s32 $0x800  }
0xf: {  	s6 =	sadd.s32 s7, s6;
	s7 =	sadd.s32 s9, s26;
	s29 =	ssub.s32 s5, s28  }
0x10: {  	s9 =	simm.s32 $0x4800;
	s6 =	sshrl.u32 s6, $0x3;
	s30 =	sadd.s32 $0x7F400, s7  }
0x11: {  	s7 =	simm.s32 $0x80;
	s6 =	sadd.s32 s6, s4;
	s4 =	smax.u32 s29, $0x1  }
0x12: {  	[dreg:$0x2] =	wrdreg s30;
	s5 =	sadd.s32 $0x7400, s6;
	s6 =	simm.s32 $0x3  }
.LBB2_1:
0x13: {  	[tilespmem:s2], [sflag:$0x3] =	stream.linear.gather [hbm4b:s5+s2], $0x800, $0x38;
	[tilespmem:$0x10800] =	vst v63  }
0x14: {  	_ =	swait.ge [sflag:s6], $0x800  }
0x15: {  	[sflag:s6] =	ssyncset.done $0x0  }
0x16: {  	[sflag:s6] =	ssyncadd.s32 $0xFFFFF800  }
0x17: {  	[tilespmem:s8], [sflag:$0x1] =	stream.indirect.gather [hbm4b:s3+s7], $0x80, s2, s7, $0xb8;
	[tilespmem:$0x10800] =	vst v63  }
0x18: {  	_ = 	snop  }
0x19: {  	[tilespmem:s9], [sflag:$0x1] =	stream.indirect.gather [hbm4b:s3+s7], $0x80, s7, s7, $0xb8;
	[tilespmem:$0x10800] =	vst v63  }
0x1a: {  	s25 =	rddreg [dreg:$0x3]  }
0x1b: {  	[tilespmem:s10], [sflag:$0x2] =	stream.indirect.gather [hbm4b:s3+s7], $0x80, s25, s7, $0xb8;
	[tilespmem:$0x10800] =	vst v63  }
0x1c: {  	s26 =	rddreg [dreg:$0x4]  }
0x1d: {  	[tilespmem:s11], [sflag:$0x2] =	stream.indirect.gather [hbm4b:s3+s7], $0x80, s26, s7, $0xb8;
	[tilespmem:$0x10800] =	vst v63  }
0x1e: {  	_ =	swait.ge [sflag:s12], $0x4000  }
0x1f: {  	[sflag:s12] =	ssyncset.done $0x0  }
0x20: {  	[sflag:s12] =	ssyncadd.s32 $0xFFFFC000  }
0x21: {  	_ =	swait.ge [sflag:s12], $0x4000  }
0x22: {  	s28 =	rddreg [dreg:$0x2];
	[sflag:s12] =	ssyncset.done $0x0  }
0x23: {  	[sflag:s12] =	ssyncadd.s32 $0xFFFFC000;
	s25 =	sadd.s32 $0x0, s28  }
0x24: {  	[hbm4b:s25+s2] =	stream.linear.scatter [tilespmem:s8], [sflag:$0x3], $0x8000, $0x38;
	[tilespmem:$0x10800] =	vst v63  }
0x25: {  	_ =	swait.ge [sflag:s6], $0x8000  }
0x26: {  	[sflag:s6] =	ssyncset.done $0x0  }
0x27: {  	s29 =	rddreg [dreg:$0x5];
	[sflag:s6] =	ssyncadd.s32 $0xFFFF8000  }
0x28: {  	[tilespmem:s8], [sflag:$0x1] =	stream.indirect.gather [hbm4b:s3+s7], $0x80, s29, s7, $0xb8;
	[tilespmem:$0x10800] =	vst v63  }
0x29: {  	s28 =	rddreg [dreg:$0x6]  }
0x2a: {  	[tilespmem:s9], [sflag:$0x1] =	stream.indirect.gather [hbm4b:s3+s7], $0x80, s28, s7, $0xb8;
	[tilespmem:$0x10800] =	vst v63  }
0x2b: {  	_ =	swait.ge [sflag:s13], $0x4000  }
0x2c: {  	[sflag:s13] =	ssyncset.done $0x0  }
0x2d: {  	[sflag:s13] =	ssyncadd.s32 $0xFFFFC000  }
0x2e: {  	_ =	swait.ge [sflag:s13], $0x4000  }
0x2f: {  	[sflag:s13] =	ssyncset.done $0x0  }
0x30: {  	s30 =	sadd.s32 $0x1000, s25;
	[sflag:s13] =	ssyncadd.s32 $0xFFFFC000  }
0x31: {  	[hbm4b:s30+s2] =	stream.linear.scatter [tilespmem:s10], [sflag:$0x3], $0x8000, $0x38;
	[tilespmem:$0x10800] =	vst v63  }
0x32: {  	_ =	swait.ge [sflag:s6], $0x8000  }
0x33: {  	[sflag:s6] =	ssyncset.done $0x0  }
0x34: {  	[sflag:s6] =	ssyncadd.s32 $0xFFFF8000  }
0x35: {  	[tilespmem:s10], [sflag:$0x2] =	stream.indirect.gather [hbm4b:s3+s7], $0x80, s14, s7, $0xb8;
	[tilespmem:$0x10800] =	vst v63  }
0x36: {  	_ = 	snop  }
0x37: {  	[tilespmem:s11], [sflag:$0x2] =	stream.indirect.gather [hbm4b:s3+s7], $0x80, s15, s7, $0xb8;
	[tilespmem:$0x10800] =	vst v63  }
0x38: {  	_ =	swait.ge [sflag:s12], $0x4000  }
0x39: {  	[sflag:s12] =	ssyncset.done $0x0  }
0x3a: {  	[sflag:s12] =	ssyncadd.s32 $0xFFFFC000  }
0x3b: {  	_ =	swait.ge [sflag:s12], $0x4000  }
0x3c: {  	[sflag:s12] =	ssyncset.done $0x0  }
0x3d: {  	s31 =	sadd.s32 $0x2000, s25;
	[sflag:s12] =	ssyncadd.s32 $0xFFFFC000  }
0x3e: {  	[hbm4b:s31+s2] =	stream.linear.scatter [tilespmem:s8], [sflag:$0x3], $0x8000, $0x38;
	[tilespmem:$0x10800] =	vst v63  }
0x3f: {  	_ =	swait.ge [sflag:s6], $0x8000  }
0x40: {  	[sflag:s6] =	ssyncset.done $0x0  }
0x41: {  	[sflag:s6] =	ssyncadd.s32 $0xFFFF8000  }
0x42: {  	[tilespmem:s8], [sflag:$0x1] =	stream.indirect.gather [hbm4b:s3+s7], $0x80, s16, s7, $0xb8;
	[tilespmem:$0x10800] =	vst v63  }
0x43: {  	_ = 	snop  }
0x44: {  	[tilespmem:s9], [sflag:$0x1] =	stream.indirect.gather [hbm4b:s3+s7], $0x80, s17, s7, $0xb8;
	[tilespmem:$0x10800] =	vst v63  }
0x45: {  	_ =	swait.ge [sflag:s13], $0x4000  }
0x46: {  	[sflag:s13] =	ssyncset.done $0x0  }
0x47: {  	[sflag:s13] =	ssyncadd.s32 $0xFFFFC000  }
0x48: {  	_ =	swait.ge [sflag:s13], $0x4000  }
0x49: {  	[sflag:s13] =	ssyncset.done $0x0  }
0x4a: {  	s28 =	sadd.s32 $0x3000, s25;
	[sflag:s13] =	ssyncadd.s32 $0xFFFFC000  }
0x4b: {  	[hbm4b:s28+s2] =	stream.linear.scatter [tilespmem:s10], [sflag:$0x3], $0x8000, $0x38;
	[tilespmem:$0x10800] =	vst v63  }
0x4c: {  	_ =	swait.ge [sflag:s6], $0x8000  }
0x4d: {  	[sflag:s6] =	ssyncset.done $0x0  }
0x4e: {  	[sflag:s6] =	ssyncadd.s32 $0xFFFF8000  }
0x4f: {  	[tilespmem:s10], [sflag:$0x2] =	stream.indirect.gather [hbm4b:s3+s7], $0x80, s18, s7, $0xb8;
	[tilespmem:$0x10800] =	vst v63  }
0x50: {  	_ = 	snop  }
0x51: {  	[tilespmem:s11], [sflag:$0x2] =	stream.indirect.gather [hbm4b:s3+s7], $0x80, s19, s7, $0xb8;
	[tilespmem:$0x10800] =	vst v63  }
0x52: {  	_ =	swait.ge [sflag:s12], $0x4000  }
0x53: {  	[sflag:s12] =	ssyncset.done $0x0  }
0x54: {  	[sflag:s12] =	ssyncadd.s32 $0xFFFFC000  }
0x55: {  	_ =	swait.ge [sflag:s12], $0x4000  }
0x56: {  	[sflag:s12] =	ssyncset.done $0x0  }
0x57: {  	s29 =	sadd.s32 $0x4000, s25;
	[sflag:s12] =	ssyncadd.s32 $0xFFFFC000  }
0x58: {  	[hbm4b:s29+s2] =	stream.linear.scatter [tilespmem:s8], [sflag:$0x3], $0x8000, $0x38;
	[tilespmem:$0x10800] =	vst v63  }
0x59: {  	_ =	swait.ge [sflag:s6], $0x8000  }
0x5a: {  	[sflag:s6] =	ssyncset.done $0x0  }
0x5b: {  	[sflag:s6] =	ssyncadd.s32 $0xFFFF8000  }
0x5c: {  	[tilespmem:s8], [sflag:$0x1] =	stream.indirect.gather [hbm4b:s3+s7], $0x80, s20, s7, $0xb8;
	[tilespmem:$0x10800] =	vst v63  }
0x5d: {  	_ = 	snop  }
0x5e: {  	[tilespmem:s9], [sflag:$0x1] =	stream.indirect.gather [hbm4b:s3+s7], $0x80, s21, s7, $0xb8;
	[tilespmem:$0x10800] =	vst v63  }
0x5f: {  	_ =	swait.ge [sflag:s13], $0x4000  }
0x60: {  	[sflag:s13] =	ssyncset.done $0x0  }
0x61: {  	[sflag:s13] =	ssyncadd.s32 $0xFFFFC000  }
0x62: {  	_ =	swait.ge [sflag:s13], $0x4000  }
0x63: {  	[sflag:s13] =	ssyncset.done $0x0  }
0x64: {  	s30 =	sadd.s32 $0x5000, s25;
	[sflag:s13] =	ssyncadd.s32 $0xFFFFC000  }
0x65: {  	[hbm4b:s30+s2] =	stream.linear.scatter [tilespmem:s10], [sflag:$0x3], $0x8000, $0x38;
	[tilespmem:$0x10800] =	vst v63  }
0x66: {  	_ =	swait.ge [sflag:s6], $0x8000  }
0x67: {  	[sflag:s6] =	ssyncset.done $0x0  }
0x68: {  	[sflag:s6] =	ssyncadd.s32 $0xFFFF8000  }
0x69: {  	[tilespmem:s10], [sflag:$0x2] =	stream.indirect.gather [hbm4b:s3+s7], $0x80, s22, s7, $0xb8;
	[tilespmem:$0x10800] =	vst v63  }
0x6a: {  	_ = 	snop  }
0x6b: {  	[tilespmem:s11], [sflag:$0x2] =	stream.indirect.gather [hbm4b:s3+s7], $0x80, s23, s7, $0xb8;
	[tilespmem:$0x10800] =	vst v63  }
0x6c: {  	_ =	swait.ge [sflag:s12], $0x4000  }
0x6d: {  	[sflag:s12] =	ssyncset.done $0x0  }
0x6e: {  	[sflag:s12] =	ssyncadd.s32 $0xFFFFC000  }
0x6f: {  	_ =	swait.ge [sflag:s12], $0x4000  }
0x70: {  	[sflag:s12] =	ssyncset.done $0x0  }
0x71: {  	s31 =	sadd.s32 $0x6000, s25;
	[sflag:s12] =	ssyncadd.s32 $0xFFFFC000  }
0x72: {  	[hbm4b:s31+s2] =	stream.linear.scatter [tilespmem:s8], [sflag:$0x3], $0x8000, $0x38;
	[tilespmem:$0x10800] =	vst v63  }
0x73: {  	_ =	swait.ge [sflag:s6], $0x8000  }
0x74: {  	[sflag:s6] =	ssyncset.done $0x0  }
0x75: {  	[sflag:s6] =	ssyncadd.s32 $0xFFFF8000  }
0x76: {  	_ =	swait.ge [sflag:s13], $0x4000  }
0x77: {  	[sflag:s13] =	ssyncset.done $0x0  }
0x78: {  	[sflag:s13] =	ssyncadd.s32 $0xFFFFC000  }
0x79: {  	_ =	swait.ge [sflag:s13], $0x4000  }
0x7a: {  	[sflag:s13] =	ssyncset.done $0x0  }
0x7b: {  	s25 =	sadd.s32 $0x7000, s25;
	[sflag:s13] =	ssyncadd.s32 $0xFFFFC000  }
0x7c: {  	[hbm4b:s25+s2] =	stream.linear.scatter [tilespmem:s10], [sflag:$0x3], $0x8000, $0x38;
	[tilespmem:$0x10800] =	vst v63  }
0x7d: {  	_ =	swait.ge [sflag:s6], $0x8000  }
0x7e: {  	s26 =	smov.u32 s5;
	s25 =	simm.s32 $0x8000;
	[sflag:s6] =	ssyncset.done $0x0  }
.LBB2_2:
0x7f: {  	[sflag:s6] =	ssyncadd.s32 $0xFFFF8000;
	s26 =	sadd.s32 $0x100, s26  }
0x80: {  	[tilespmem:s2], [sflag:$0x3] =	stream.linear.gather [hbm4b:s26+s2], $0x800, $0x38;
	[tilespmem:$0x10800] =	vst v63  }
0x81: {  	_ =	swait.ge [sflag:s6], $0x800  }
0x82: {  	[sflag:s6] =	ssyncset.done $0x0  }
0x83: {  	[sflag:s6] =	ssyncadd.s32 $0xFFFFF800  }
0x84: {  	[tilespmem:s8], [sflag:$0x1] =	stream.indirect.gather [hbm4b:s3+s7], $0x80, s2, s7, $0xb8;
	[tilespmem:$0x10800] =	vst v63  }
0x85: {  	_ = 	snop  }
0x86: {  	[tilespmem:s9], [sflag:$0x1] =	stream.indirect.gather [hbm4b:s3+s7], $0x80, s7, s7, $0xb8;
	[tilespmem:$0x10800] =	vst v63  }
0x87: {  	s29 =	rddreg [dreg:$0x3]  }
0x88: {  	[tilespmem:s10], [sflag:$0x2] =	stream.indirect.gather [hbm4b:s3+s7], $0x80, s29, s7, $0xb8;
	[tilespmem:$0x10800] =	vst v63  }
0x89: {  	s30 =	rddreg [dreg:$0x4]  }
0x8a: {  	[tilespmem:s11], [sflag:$0x2] =	stream.indirect.gather [hbm4b:s3+s7], $0x80, s30, s7, $0xb8;
	[tilespmem:$0x10800] =	vst v63  }
0x8b: {  	_ =	swait.ge [sflag:s12], $0x4000  }
0x8c: {  	[sflag:s12] =	ssyncset.done $0x0  }
0x8d: {  	[sflag:s12] =	ssyncadd.s32 $0xFFFFC000  }
0x8e: {  	_ =	swait.ge [sflag:s12], $0x4000  }
0x8f: {  	s28 =	smov.u32 s25;
	s30 =	rddreg [dreg:$0x2];
	[sflag:s12] =	ssyncset.done $0x0  }
0x90: {  	[sflag:s12] =	ssyncadd.s32 $0xFFFFC000;
	s28 =	sadd.s32 s28, s30  }
0x91: {  	[hbm4b:s28+s2] =	stream.linear.scatter [tilespmem:s8], [sflag:$0x3], $0x8000, $0x38;
	[tilespmem:$0x10800] =	vst v63  }
0x92: {  	_ =	swait.ge [sflag:s6], $0x8000  }
0x93: {  	[sflag:s6] =	ssyncset.done $0x0  }
0x94: {  	s29 =	rddreg [dreg:$0x5];
	[sflag:s6] =	ssyncadd.s32 $0xFFFF8000  }
0x95: {  	[tilespmem:s8], [sflag:$0x1] =	stream.indirect.gather [hbm4b:s3+s7], $0x80, s29, s7, $0xb8;
	[tilespmem:$0x10800] =	vst v63  }
0x96: {  	s31 =	rddreg [dreg:$0x6]  }
0x97: {  	[tilespmem:s9], [sflag:$0x1] =	stream.indirect.gather [hbm4b:s3+s7], $0x80, s31, s7, $0xb8;
	[tilespmem:$0x10800] =	vst v63  }
0x98: {  	_ =	swait.ge [sflag:s13], $0x4000  }
0x99: {  	[sflag:s13] =	ssyncset.done $0x0  }
0x9a: {  	[sflag:s13] =	ssyncadd.s32 $0xFFFFC000  }
0x9b: {  	_ =	swait.ge [sflag:s13], $0x4000  }
0x9c: {  	[sflag:s13] =	ssyncset.done $0x0  }
0x9d: {  	s30 =	sadd.s32 $0x1000, s28;
	[sflag:s13] =	ssyncadd.s32 $0xFFFFC000  }
0x9e: {  	[hbm4b:s30+s2] =	stream.linear.scatter [tilespmem:s10], [sflag:$0x3], $0x8000, $0x38;
	[tilespmem:$0x10800] =	vst v63  }
0x9f: {  	_ =	swait.ge [sflag:s6], $0x8000  }
0xa0: {  	[sflag:s6] =	ssyncset.done $0x0  }
0xa1: {  	[sflag:s6] =	ssyncadd.s32 $0xFFFF8000  }
0xa2: {  	[tilespmem:s10], [sflag:$0x2] =	stream.indirect.gather [hbm4b:s3+s7], $0x80, s14, s7, $0xb8;
	[tilespmem:$0x10800] =	vst v63  }
0xa3: {  	_ = 	snop  }
0xa4: {  	[tilespmem:s11], [sflag:$0x2] =	stream.indirect.gather [hbm4b:s3+s7], $0x80, s15, s7, $0xb8;
	[tilespmem:$0x10800] =	vst v63  }
0xa5: {  	_ =	swait.ge [sflag:s12], $0x4000  }
0xa6: {  	[sflag:s12] =	ssyncset.done $0x0  }
0xa7: {  	[sflag:s12] =	ssyncadd.s32 $0xFFFFC000  }
0xa8: {  	_ =	swait.ge [sflag:s12], $0x4000  }
0xa9: {  	[sflag:s12] =	ssyncset.done $0x0  }
0xaa: {  	s31 =	sadd.s32 $0x2000, s28;
	[sflag:s12] =	ssyncadd.s32 $0xFFFFC000  }
0xab: {  	[hbm4b:s31+s2] =	stream.linear.scatter [tilespmem:s8], [sflag:$0x3], $0x8000, $0x38;
	[tilespmem:$0x10800] =	vst v63  }
0xac: {  	_ =	swait.ge [sflag:s6], $0x8000  }
0xad: {  	[sflag:s6] =	ssyncset.done $0x0  }
0xae: {  	[sflag:s6] =	ssyncadd.s32 $0xFFFF8000  }
0xaf: {  	[tilespmem:s8], [sflag:$0x1] =	stream.indirect.gather [hbm4b:s3+s7], $0x80, s16, s7, $0xb8;
	[tilespmem:$0x10800] =	vst v63  }
0xb0: {  	_ = 	snop  }
0xb1: {  	[tilespmem:s9], [sflag:$0x1] =	stream.indirect.gather [hbm4b:s3+s7], $0x80, s17, s7, $0xb8;
	[tilespmem:$0x10800] =	vst v63  }
0xb2: {  	_ =	swait.ge [sflag:s13], $0x4000  }
0xb3: {  	[sflag:s13] =	ssyncset.done $0x0  }
0xb4: {  	[sflag:s13] =	ssyncadd.s32 $0xFFFFC000  }
0xb5: {  	_ =	swait.ge [sflag:s13], $0x4000  }
0xb6: {  	[sflag:s13] =	ssyncset.done $0x0  }
0xb7: {  	s30 =	sadd.s32 $0x3000, s28;
	[sflag:s13] =	ssyncadd.s32 $0xFFFFC000  }
0xb8: {  	[hbm4b:s30+s2] =	stream.linear.scatter [tilespmem:s10], [sflag:$0x3], $0x8000, $0x38;
	[tilespmem:$0x10800] =	vst v63  }
0xb9: {  	_ =	swait.ge [sflag:s6], $0x8000  }
0xba: {  	[sflag:s6] =	ssyncset.done $0x0  }
0xbb: {  	[sflag:s6] =	ssyncadd.s32 $0xFFFF8000  }
0xbc: {  	[tilespmem:s10], [sflag:$0x2] =	stream.indirect.gather [hbm4b:s3+s7], $0x80, s18, s7, $0xb8;
	[tilespmem:$0x10800] =	vst v63  }
0xbd: {  	_ = 	snop  }
0xbe: {  	[tilespmem:s11], [sflag:$0x2] =	stream.indirect.gather [hbm4b:s3+s7], $0x80, s19, s7, $0xb8;
	[tilespmem:$0x10800] =	vst v63  }
0xbf: {  	_ =	swait.ge [sflag:s12], $0x4000  }
0xc0: {  	[sflag:s12] =	ssyncset.done $0x0  }
0xc1: {  	[sflag:s12] =	ssyncadd.s32 $0xFFFFC000  }
0xc2: {  	_ =	swait.ge [sflag:s12], $0x4000  }
0xc3: {  	[sflag:s12] =	ssyncset.done $0x0  }
0xc4: {  	s31 =	sadd.s32 $0x4000, s28;
	[sflag:s12] =	ssyncadd.s32 $0xFFFFC000  }
0xc5: {  	[hbm4b:s31+s2] =	stream.linear.scatter [tilespmem:s8], [sflag:$0x3], $0x8000, $0x38;
	[tilespmem:$0x10800] =	vst v63  }
0xc6: {  	_ =	swait.ge [sflag:s6], $0x8000  }
0xc7: {  	[sflag:s6] =	ssyncset.done $0x0  }
0xc8: {  	[sflag:s6] =	ssyncadd.s32 $0xFFFF8000  }
0xc9: {  	[tilespmem:s8], [sflag:$0x1] =	stream.indirect.gather [hbm4b:s3+s7], $0x80, s20, s7, $0xb8;
	[tilespmem:$0x10800] =	vst v63  }
0xca: {  	_ = 	snop  }
0xcb: {  	[tilespmem:s9], [sflag:$0x1] =	stream.indirect.gather [hbm4b:s3+s7], $0x80, s21, s7, $0xb8;
	[tilespmem:$0x10800] =	vst v63  }
0xcc: {  	_ =	swait.ge [sflag:s13], $0x4000  }
0xcd: {  	[sflag:s13] =	ssyncset.done $0x0  }
0xce: {  	[sflag:s13] =	ssyncadd.s32 $0xFFFFC000  }
0xcf: {  	_ =	swait.ge [sflag:s13], $0x4000  }
0xd0: {  	[sflag:s13] =	ssyncset.done $0x0  }
0xd1: {  	s30 =	sadd.s32 $0x5000, s28;
	[sflag:s13] =	ssyncadd.s32 $0xFFFFC000  }
0xd2: {  	[hbm4b:s30+s2] =	stream.linear.scatter [tilespmem:s10], [sflag:$0x3], $0x8000, $0x38;
	[tilespmem:$0x10800] =	vst v63  }
0xd3: {  	_ =	swait.ge [sflag:s6], $0x8000  }
0xd4: {  	[sflag:s6] =	ssyncset.done $0x0  }
0xd5: {  	[sflag:s6] =	ssyncadd.s32 $0xFFFF8000  }
0xd6: {  	[tilespmem:s10], [sflag:$0x2] =	stream.indirect.gather [hbm4b:s3+s7], $0x80, s22, s7, $0xb8;
	[tilespmem:$0x10800] =	vst v63  }
0xd7: {  	_ = 	snop  }
0xd8: {  	[tilespmem:s11], [sflag:$0x2] =	stream.indirect.gather [hbm4b:s3+s7], $0x80, s23, s7, $0xb8;
	[tilespmem:$0x10800] =	vst v63  }
0xd9: {  	_ =	swait.ge [sflag:s12], $0x4000  }
0xda: {  	[sflag:s12] =	ssyncset.done $0x0  }
0xdb: {  	[sflag:s12] =	ssyncadd.s32 $0xFFFFC000  }
0xdc: {  	_ =	swait.ge [sflag:s12], $0x4000  }
0xdd: {  	[sflag:s12] =	ssyncset.done $0x0  }
0xde: {  	s31 =	sadd.s32 $0x6000, s28;
	[sflag:s12] =	ssyncadd.s32 $0xFFFFC000  }
0xdf: {  	[hbm4b:s31+s2] =	stream.linear.scatter [tilespmem:s8], [sflag:$0x3], $0x8000, $0x38;
	[tilespmem:$0x10800] =	vst v63  }
0xe0: {  	_ =	swait.ge [sflag:s6], $0x8000  }
0xe1: {  	[sflag:s6] =	ssyncset.done $0x0  }
0xe2: {  	[sflag:s6] =	ssyncadd.s32 $0xFFFF8000  }
0xe3: {  	_ =	swait.ge [sflag:s13], $0x4000  }
0xe4: {  	[sflag:s13] =	ssyncset.done $0x0  }
0xe5: {  	[sflag:s13] =	ssyncadd.s32 $0xFFFFC000  }
0xe6: {  	p0 =	sne.s32 s25, $0x48000;
	_ =	swait.ge [sflag:s13], $0x4000  }
.Ltmp0:
0xe7: {  	[sflag:s13] =	ssyncset.done $0x0;
	(pc) =	sbr.rel @p0 .LBB2_2-.Ltmp0, $4  }
0xe8: {  	s28 =	sadd.s32 $0x7000, s28;
	[sflag:s13] =	ssyncadd.s32 $0xFFFFC000  }
0xe9: {  	[hbm4b:s28+s2] =	stream.linear.scatter [tilespmem:s10], [sflag:$0x3], $0x8000, $0x38;
	[tilespmem:$0x10800] =	vst v63  }
0xea: {  	_ =	swait.ge [sflag:s6], $0x8000  }
0xeb: {  	s25 =	sadd.s32 $0x8000, s25;
	[sflag:s6] =	ssyncset.done $0x0  }
0xec: {  	s24 =	sadd.s32 $0x1, s24  }
0xed: {  	p0 =	sne.s32 s24, s4  }
.Ltmp1:
0xee: {  	_ = 	snop;
	(pc) =	sbr.rel @p0 .LBB2_1-.Ltmp1, $2  }
0xef: {  	_ =	sdelay $0x2  }
0xf0: {  	[sflag:s6] =	ssyncadd.s32 $0xFFFF8000  }
0xf1: {  	_ =	sfence.sel $0x180000  }
0xf2: {  	[bflag:$0x0] =	sbarrier.arrive $0xFFFF  }
0xf3: {  	p0 =	sne.s32 s0, $0x0;
	_ =	strace $0x9000004A  }
0xf4: {  	s0 =	sadd.s32 @!p0 $0x100000, s1;
	[bflag:$0x2] =	sbarrier.arrive $0xFFFF  }
0xf5: {  	[sflag:s0] =	ssyncadd.tile.s32 @!p0 $0x1;
	_ =	shalt  }
.Lfunc_end2:
_tile_overlayer_lowered:
.L_overlay_start_2:
0xf6: {  	(tag) =	ssettag $0x2  }
0xf7: {  	s0 =	rddreg [dreg:$0x0];
	s2 =	stileid.u32  }
0xf8: {  	s1 =	rddreg [dreg:$0x1];
	p0 =	sne.s32 s2, $0x0  }
0xf9: {  	s3 =	rddreg [dreg:$0x2];
	[bflag:$0x3] =	sbarrier.arrive $0xFFFF;
	s2 =	simm.s32 @!p0 $0x1C03  }
0xfa: {  	[timem:s3], [sflag:s2] =	dma.local @!p0 [hbm:s0], s1  }
0xfb: {  	s0 =	simm.s32 @!p0 $0x3  }
0xfc: {  	_ =	swait.ge @!p0 [sflag:s0], s1  }
0xfd: {  	s1 =	ssub.s32 @!p0 $0x0, s1;
	[sflag:s0] =	ssyncset.done @!p0 $0x0  }
0xfe: {  	[sflag:s0] =	ssyncadd.s32 @!p0 s1  }
0xff: {  	[bflag:$0x3] =	sbarrier.arrive $0xFFFF  }
0x100: {  	_ =	shalt  }

// kernel: kernel.16.cloned.1.call-start
scs
__scs_entry_jumppad:
0x0: {  	(pc) =	sbr.rel $0x88, $3  }
0x1: {  	(tag) =	ssettag $0x0;
	lr =	simm.s32 $0x1  }
0x2: {  	[smem:$0x3F8F] =	sst lr;
	_ =	strace $0xD0000000  }
0x3: {  	_ = 	snop  }
0x4: {  	_ = 	snop  }
0x5: {  	_ = 	snop  }
0x6: {  	_ = 	snop  }
0x7: {  	_ = 	snop  }
__scs_overlays_trampoline_lowered:
0x8: {  	[smem:$0x3F9E] =	sst s0  }
0x9: {  	[smem:$0x3F9F] =	sst s1  }
0xa: {  	[smem:$0x3FA0] =	sst s2  }
0xb: {  	[smem:$0x3FA1] =	sst s3  }
0xc: {  	[smem:$0x3FA2] =	sst s4  }
0xd: {  	[smem:$0x3FA3] =	sst s5  }
0xe: {  	[smem:$0x3FA4] =	sst s6  }
0xf: {  	[smem:$0x3FA5] =	sst s7  }
0x10: {  	[smem:$0x3FA6] =	sst s8  }
0x11: {  	[smem:$0x3FA7] =	sst s9;
	s0 =	simm.s32 @!p0 $0x0  }
0x12: {  	s1 =	sld [smem:$0x3F8D];
	s0 =	simm.s32 @p0 $0x1  }
0x13: {  	[smem:$0x3FA8] =	sst s0;
	s0 =	simm.s32 @!p1 $0x0  }
0x14: {  	s2 =	sld [smem:$0x3F8C];
	s0 =	simm.s32 @p1 $0x1  }
0x15: {  	[smem:$0x3FA9] =	sst s0;
	s0 =	simm.s32 @!p2 $0x0  }
0x16: {  	s3 =	sld [smem:$0x3FDB];
	s0 =	simm.s32 @p2 $0x1  }
0x17: {  	s4 =	simm.s32 $0x1BF5;
	[smem:$0x3FAB] =	sst s0  }
0x18: {  	s0 =	sld [smem:$0x3F8E];
	_ =	swait.ge [sflag:s4], $0x0  }
0x19: {  	s7 =	sld [smem:$0x3F8F]  }
0x1a: {  	s8 =	sadd.s32 $0xFFFFE003, lr  }
0x1b: {  	s9 =	sadd.s32 $0xFFFFFEF7, lr;
	s5 =	simm.s32 $0xFFFFFFFF;
	p2 =	slt.u32 s8, $0xFFFFF086  }
0x1c: {  	p1 =	slt.u32 s9, $0xF7A;
	s5 =	simm.s32 @!p2 $0x0  }
0x1d: {  	s5 =	simm.s32 @p1 $0x1;
	p0 =	seq.s32 s7, s2  }
0x1e: {  	s7 =	smul.u32 @!p0 $0xF7A, s2;
	p2 =	seq.s32 @!p0 s5, $0x0  }
0x1f: {  	s9 =	smul.u32 $0xF7A, s1;
	s8 =	simm.s32 @!p0 $0x1BF5;
	p2 =	por !p2, p0  }
0x20: {  	[sflag:s8] =	ssyncset.s32 @!p0 $0xFFFFF086;
	s6 =	sadd.s32 @!p0 s3, s7;
	s7 =	simm.s32 @!p0 $0x108  }
0x21: {  	s3 =	sadd.s32 s3, s9;
	s6 =	sadd.s32 @!p0 $0x88, s6;
	s7 =	simm.s32 @p2 $0x1082  }
0x22: {  	[simem:s7], [sflag:s8] =	dma.local @!p0 [hbm:s6], $0xF7A  }
0x23: {  	s9 =	sor.u32 $0xD0000000, s2;
	s6 =	simm.s32 $0x108;
	_ =	swait.ge @!p0 [sflag:s8], $0x0  }
0x24: {  	s3 =	sadd.s32 $0x88, s3;
	s6 =	simm.s32 @!p1 $0x1082;
	[sflag:s4] =	ssyncset.s32 $0xFFFFF086  }
0x25: {  	[simem:s6], [sflag:s4] =	dma.local [hbm:s3], $0xF7A  }
0x26: {  	[smem:$0x3F8F] =	sst s1;
	(tag) =	ssettag s2;
	_ =	strace s9  }
0x27: {  	s1 =	sld [smem:$0x3F9F]  }
0x28: {  	s2 =	sld [smem:$0x3FA0]  }
0x29: {  	s4 =	sld [smem:$0x3FA2]  }
0x2a: {  	p0 =	seq.s32 s5, $0x0;
	s5 =	sld [smem:$0x3FA3]  }
0x2b: {  	s6 =	sld [smem:$0x3FA4]  }
0x2c: {  	s7 =	sld [smem:$0x3FA5]  }
0x2d: {  	s3 =	simm.s32 $0x108;
	s8 =	sld [smem:$0x3FA6]  }
0x2e: {  	s3 =	simm.s32 @!p0 $0x1082;
	s9 =	sld [smem:$0x3FA7]  }
0x2f: {  	lr =	sadd.s32 s0, s3;
	s0 =	sld [smem:$0x3F9E]  }
0x30: {  	s3 =	sld [smem:$0x3FA1]  }
0x31: {  	[smem:$0x3FAA] =	sst s10  }
0x32: {  	s10 =	sld [smem:$0x3FA8];
	_ =	sdelay $0x3  }
0x33: {  	p0 =	seq.s32 s10, $0x1;
	s10 =	sld [smem:$0x3FAA];
	_ =	sdelay $0x3  }
0x34: {  	[smem:$0x3FAA] =	sst s10  }
0x35: {  	s10 =	sld [smem:$0x3FA9];
	_ =	sdelay $0x3  }
0x36: {  	p1 =	seq.s32 s10, $0x1;
	s10 =	sld [smem:$0x3FAA];
	_ =	sdelay $0x3  }
0x37: {  	[smem:$0x3FAA] =	sst s10  }
0x38: {  	s10 =	sld [smem:$0x3FAB]  }
0x39: {  	_ = 	snop;
	(pc) =	sbr.ind lr, $3  }
0x3a: {  	_ = 	snop  }
0x3b: {  	_ = 	snop  }
0x3c: {  	p2 =	seq.s32 s10, $0x1;
	s10 =	sld [smem:$0x3FAA]  }
0x3d: {  	_ =	shalt  }
0x3e: {  	_ =	shalt  }
0x3f: {  	_ =	shalt  }
0x40: {  	_ =	shalt  }
0x41: {  	_ =	shalt  }
0x42: {  	_ =	shalt  }
0x43: {  	_ =	shalt  }
0x44: {  	_ =	shalt  }
0x45: {  	_ =	shalt  }
0x46: {  	_ =	shalt  }
0x47: {  	_ =	shalt  }
0x48: {  	_ =	shalt  }
0x49: {  	_ =	shalt  }
0x4a: {  	_ =	shalt  }
0x4b: {  	_ =	shalt  }
0x4c: {  	_ =	shalt  }
0x4d: {  	_ =	shalt  }
0x4e: {  	_ =	shalt  }
0x4f: {  	_ =	shalt  }
0x50: {  	_ =	shalt  }
0x51: {  	_ =	shalt  }
0x52: {  	_ =	shalt  }
0x53: {  	_ =	shalt  }
0x54: {  	_ =	shalt  }
0x55: {  	_ =	shalt  }
0x56: {  	_ =	shalt  }
0x57: {  	_ =	shalt  }
0x58: {  	_ =	shalt  }
0x59: {  	_ =	shalt  }
0x5a: {  	_ =	shalt  }
0x5b: {  	_ =	shalt  }
0x5c: {  	_ =	shalt  }
0x5d: {  	_ =	shalt  }
0x5e: {  	_ =	shalt  }
0x5f: {  	_ =	shalt  }
0x60: {  	_ =	shalt  }
0x61: {  	_ =	shalt  }
0x62: {  	_ =	shalt  }
0x63: {  	_ =	shalt  }
0x64: {  	_ =	shalt  }
0x65: {  	_ =	shalt  }
0x66: {  	_ =	shalt  }
0x67: {  	_ =	shalt  }
0x68: {  	_ =	shalt  }
0x69: {  	_ =	shalt  }
0x6a: {  	_ =	shalt  }
0x6b: {  	_ =	shalt  }
0x6c: {  	_ =	shalt  }
0x6d: {  	_ =	shalt  }
0x6e: {  	_ =	shalt  }
0x6f: {  	_ =	shalt  }
0x70: {  	_ =	shalt  }
0x71: {  	_ =	shalt  }
0x72: {  	_ =	shalt  }
0x73: {  	_ =	shalt  }
0x74: {  	_ =	shalt  }
0x75: {  	_ =	shalt  }
0x76: {  	_ =	shalt  }
0x77: {  	_ =	shalt  }
0x78: {  	_ =	shalt  }
0x79: {  	_ =	shalt  }
0x7a: {  	_ =	shalt  }
0x7b: {  	_ =	shalt  }
0x7c: {  	_ =	shalt  }
0x7d: {  	_ =	shalt  }
0x7e: {  	_ =	shalt  }
0x7f: {  	_ =	shalt  }
0x80: {  	_ =	shalt  }
0x81: {  	_ =	shalt  }
0x82: {  	_ =	shalt  }
0x83: {  	_ =	shalt  }
0x84: {  	_ =	shalt  }
0x85: {  	_ =	shalt  }
0x86: {  	_ =	shalt  }
0x87: {  	_ =	shalt  }
.Lfunc_end0:
.L_simem_size_0:
called_computation.2_lowered:
.L_overlay_start_0:
0x88: {  	s2 =	sld [smem:$0x3FD9]  }
0x89: {  	s3 =	sld [smem:$0x3FFE];
	_ =	sdelay $0x1  }
0x8a: {  	s1 =	srdreg.scid  }
0x8b: {  	s0 =	sand.u32 $0x1, s1  }
0x8c: {  	s16 =	sshll.u32 s0, $0xA;
	s2 =	sadd.s32 s3, s2  }
0x8d: {  	s2 =	sadd.s32 s2, s16  }
0x8e: {  	[smem:$0x3FB6] =	sst s2  }
0x8f: {  	_ = 	snop  }
0x90: {  	(tm) =	ssettm $0x1  }
0x91: {  	s17 =	sld [smem:$0x3FFB];
	_ =	sdelay $0x3  }
0x92: {  	_ =	strace s17  }
0x93: {  	s2 =	sld [smem:$0x3FFC];
	_ =	sdelay $0x3  }
0x94: {  	_ =	strace s2  }
0x95: {  	s2 =	sld [smem:$0x3FFD];
	_ =	sdelay $0x3  }
0x96: {  	_ =	strace s2  }
0x97: {  	_ =	strace $0x8FFFFFFF  }
0x98: {  	s18 =	sld [smem:$0x3FDB];
	_ =	sdelay $0x1  }
0x99: {  	s19 =	simm.s32 $_scs_section_size  }
0x9a: {  	s4 =	simm.s32 $_size__tile_overlayer_lowered;
	s5 =	simm.s32 $_tile_overlayer_lowered  }
0x9b: {  	s22 =	simm.s32 $0x1BFF;
	s21 =	sshll.u32 s5, $0x1;
	s2 =	sadd.s32 s19, s18  }
0x9c: {  	s6 =	simm.s32 $0x0;
	s20 =	sshll.u32 s4, $0x1;
	s4 =	sadd.s32 s21, s2  }
0x9d: {  	[timem:s6], [sflag:s22] =	dma.local [hbm:s4], s20  }
0x9e: {  	_ =	swait.ge [sflag:s22], s20  }
0x9f: {  	s3 =	ssub.s32 $0x0, s20;
	[sflag:s22] =	ssyncset.done $0x0  }
0xa0: {  	[sflag:s22] =	ssyncadd.s32 s3;
	_ =	sdelay $0x1  }
0xa1: {  	s23 =	simm.s32 $0x1B8B  }
0xa2: {  	_ =	swait.ge [sflag:s23], $0x1  }
0xa3: {  	[sflag:s23] =	ssyncset.done $0x0  }
0xa4: {  	s25 =	simm.s32 $0x1B8E;
	s24 =	sld [smem:$0x3FFE];
	[sflag:s23] =	ssyncadd.s32 $0xFFFFFFFF  }
0xa5: {  	s26 =	simm.s32 $execute0_lowered;
	[smem:$0x3FD2] =	sst s25  }
0xa6: {  	s4 =	sshll.u32 s26, $0x1;
	_ =	strace $0x8000004C;
	[dreg:$0x1] =	wrdreg $0xFFFFFFFF  }
0xa7: {  	s28 =	simm.s32 $_size_execute0_lowered;
	s2 =	sadd.s32 s2, s4;
	[dreg:$0x0] =	wrdreg $0x0  }
0xa8: {  	s4 =	sshll.u32 s28, $0x1;
	[dreg:$0x2] =	wrdreg s2  }
0xa9: {  	[dreg:$0x3] =	wrdreg s4  }
0xaa: {  	[dreg:$0x4] =	wrdreg $0xC0  }
0xab: {  	_ =	task [dreg:s6], $0x5FFFF  }
0xac: {  	[dreg:$0x1] =	wrdreg $0xFFFFFFFF  }
0xad: {  	[dreg:$0x0] =	wrdreg $0x60  }
0xae: {  	[dreg:$0x2] =	wrdreg s24  }
0xaf: {  	[dreg:$0x3] =	wrdreg $0x9  }
0xb0: {  	_ =	task.clear_ibuf [dreg:s6], $0x4FFFF;
	_ =	strace $0x9000004C  }
0xb1: {  	s29 =	simm.s32 $0x9;
	_ =	strace $0x8000004E  }
0xb2: {  	_ =	swait.ge [sflag:s29], $0x1  }
0xb3: {  	[sflag:s29] =	ssyncadd.s32 $0xFFFFFFFF  }
0xb4: {  	_ =	strace $0x9000004E  }
0xb5: {  	_ =	sfence  }
0xb6: {  	s30 =	sld [smem:$0x0];
	_ =	sdelay $0x2  }
0xb7: {  	s31 =	sshll.u32 s1, $0xD;
	s1 =	sshrl.u32 s1, $0x2  }
0xb8: {  	s3 =	sand.u32 $0x4000, s31;
	s1 =	sadd.s32 s1, s30  }
0xb9: {  	s0 =	sor.u32 s3, s0;
	s1 =	sshll.u32 s1, $0x11  }
0xba: {  	s0 =	sor.u32 s1, s0  }
0xbb: {  	s0 =	sadd.s32 $0x8F2B, s0  }
0xbc: {  	[sflag:s0] =	ssyncadd.remote.s32 $0x1  }
0xbd: {  	_ =	sfence.sel $0xFFFF  }
0xbe: {  	[dreg:$0x0] =	wrdreg $0xFFFFFFFF;
	(pc) =	sbr.abs _section_cstart, $3  }
0xbf: {  	[dreg:$0x1] =	wrdreg $0xFFFFFFFF  }
0xc0: {  	_ =	task.clear_ibuf [dreg:s6], $0x2FFFF;
	_ =	strace $0x9FFFFFFF  }
0xc1: {  	(tm) =	ssettm $0x7FFFFFFF  }
tec
execute0_lowered:
.L_overlay_start_1:
0x0: {  	(tag) =	ssettag $0x1  }
0x1: {  	s1 =	srdreg.scid  }
0x2: {  	s0 =	stileid.u32;
	s4 =	rddreg [dreg:$0x0];
	s2 =	simm.s32 $0x0  }
0x3: {  	s31 =	simm.s32 $0x100;
	s10 =	simm.s32 $0x180;
	s11 =	simm.s32 $0x200  }
0x4: {  	s13 =	simm.s32 $0x280;
	s12 =	simm.s32 $0x1;
	s14 =	simm.s32 $0x300  }
0x5: {  	s15 =	simm.s32 $0x380;
	s16 =	simm.s32 $0x400;
	s17 =	simm.s32 $0x480  }
0x6: {  	s18 =	simm.s32 $0x500;
	s19 =	simm.s32 $0x580;
	s20 =	simm.s32 $0x600  }
0x7: {  	s21 =	simm.s32 $0x680;
	s22 =	simm.s32 $0x700;
	s23 =	simm.s32 $0x780  }
0x8: {  	s5 =	sand.u32 $0x1, s1;
	s6 =	smul.u32 $0xA000, s0;
	s1 =	rddreg [dreg:$0x1]  }
0x9: {  	s24 =	simm.s32 $0x0;
	[smem:$0x7FF] =	sst s2;
	s8 =	smul.u32 $0xA0000, s0  }
0xa: {  	s7 =	smul.u32 $0x5000, s5;
	_ =	strace $0x8000004D;
	[dreg:$0x3] =	wrdreg s31  }
0xb: {  	s3 =	sadd.s32 $0x2F400, s4;
	s9 =	smul.u32 $0x50000, s5;
	[dreg:$0x4] =	wrdreg s10  }
0xc: {  	s5 =	ssub.s32 $0x2, s5;
	s10 =	simm.s32 $0x8800;
	[dreg:$0x5] =	wrdreg s11  }
0xd: {  	s11 =	simm.s32 $0xC800;
	[dreg:$0x6] =	wrdreg s13;
	s13 =	simm.s32 $0x2  }
0xe: {  	s26 =	sadd.s32 s8, s4;
	s28 =	sshrl.u32 s5, $0x1;
	s8 =	simm.s32 $0x800  }
0xf: {  	s6 =	sadd.s32 s7, s6;
	s7 =	sadd.s32 s9, s26;
	s29 =	ssub.s32 s5, s28  }
0x10: {  	s9 =	simm.s32 $0x4800;
	s6 =	sshrl.u32 s6, $0x3;
	s30 =	sadd.s32 $0x6B400, s7  }
0x11: {  	s7 =	simm.s32 $0x80;
	s6 =	sadd.s32 s6, s4;
	s4 =	smax.u32 s29, $0x1  }
0x12: {  	[dreg:$0x2] =	wrdreg s30;
	s5 =	sadd.s32 $0x7400, s6;
	s6 =	simm.s32 $0x3  }
.LBB2_1:
0x13: {  	[tilespmem:s2], [sflag:$0x3] =	stream.linear.gather [hbm4b:s5+s2], $0x800, $0x38;
	[tilespmem:$0x10800] =	vst v63  }
0x14: {  	_ =	swait.ge [sflag:s6], $0x800  }
0x15: {  	[sflag:s6] =	ssyncset.done $0x0  }
0x16: {  	[sflag:s6] =	ssyncadd.s32 $0xFFFFF800  }
0x17: {  	[tilespmem:s8], [sflag:$0x1] =	stream.indirect.gather [hbm4b:s3+s7], $0x80, s2, s7, $0xb8;
	[tilespmem:$0x10800] =	vst v63  }
0x18: {  	_ = 	snop  }
0x19: {  	[tilespmem:s9], [sflag:$0x1] =	stream.indirect.gather [hbm4b:s3+s7], $0x80, s7, s7, $0xb8;
	[tilespmem:$0x10800] =	vst v63  }
0x1a: {  	s25 =	rddreg [dreg:$0x3]  }
0x1b: {  	[tilespmem:s10], [sflag:$0x2] =	stream.indirect.gather [hbm4b:s3+s7], $0x80, s25, s7, $0xb8;
	[tilespmem:$0x10800] =	vst v63  }
0x1c: {  	s26 =	rddreg [dreg:$0x4]  }
0x1d: {  	[tilespmem:s11], [sflag:$0x2] =	stream.indirect.gather [hbm4b:s3+s7], $0x80, s26, s7, $0xb8;
	[tilespmem:$0x10800] =	vst v63  }
0x1e: {  	_ =	swait.ge [sflag:s12], $0x4000  }
0x1f: {  	[sflag:s12] =	ssyncset.done $0x0  }
0x20: {  	[sflag:s12] =	ssyncadd.s32 $0xFFFFC000  }
0x21: {  	_ =	swait.ge [sflag:s12], $0x4000  }
0x22: {  	s28 =	rddreg [dreg:$0x2];
	[sflag:s12] =	ssyncset.done $0x0  }
0x23: {  	[sflag:s12] =	ssyncadd.s32 $0xFFFFC000;
	s25 =	sadd.s32 $0x0, s28  }
0x24: {  	[hbm4b:s25+s2] =	stream.linear.scatter [tilespmem:s8], [sflag:$0x3], $0x8000, $0x38;
	[tilespmem:$0x10800] =	vst v63  }
0x25: {  	_ =	swait.ge [sflag:s6], $0x8000  }
0x26: {  	[sflag:s6] =	ssyncset.done $0x0  }
0x27: {  	s29 =	rddreg [dreg:$0x5];
	[sflag:s6] =	ssyncadd.s32 $0xFFFF8000  }
0x28: {  	[tilespmem:s8], [sflag:$0x1] =	stream.indirect.gather [hbm4b:s3+s7], $0x80, s29, s7, $0xb8;
	[tilespmem:$0x10800] =	vst v63  }
0x29: {  	s28 =	rddreg [dreg:$0x6]  }
0x2a: {  	[tilespmem:s9], [sflag:$0x1] =	stream.indirect.gather [hbm4b:s3+s7], $0x80, s28, s7, $0xb8;
	[tilespmem:$0x10800] =	vst v63  }
0x2b: {  	_ =	swait.ge [sflag:s13], $0x4000  }
0x2c: {  	[sflag:s13] =	ssyncset.done $0x0  }
0x2d: {  	[sflag:s13] =	ssyncadd.s32 $0xFFFFC000  }
0x2e: {  	_ =	swait.ge [sflag:s13], $0x4000  }
0x2f: {  	[sflag:s13] =	ssyncset.done $0x0  }
0x30: {  	s30 =	sadd.s32 $0x1000, s25;
	[sflag:s13] =	ssyncadd.s32 $0xFFFFC000  }
0x31: {  	[hbm4b:s30+s2] =	stream.linear.scatter [tilespmem:s10], [sflag:$0x3], $0x8000, $0x38;
	[tilespmem:$0x10800] =	vst v63  }
0x32: {  	_ =	swait.ge [sflag:s6], $0x8000  }
0x33: {  	[sflag:s6] =	ssyncset.done $0x0  }
0x34: {  	[sflag:s6] =	ssyncadd.s32 $0xFFFF8000  }
0x35: {  	[tilespmem:s10], [sflag:$0x2] =	stream.indirect.gather [hbm4b:s3+s7], $0x80, s14, s7, $0xb8;
	[tilespmem:$0x10800] =	vst v63  }
0x36: {  	_ = 	snop  }
0x37: {  	[tilespmem:s11], [sflag:$0x2] =	stream.indirect.gather [hbm4b:s3+s7], $0x80, s15, s7, $0xb8;
	[tilespmem:$0x10800] =	vst v63  }
0x38: {  	_ =	swait.ge [sflag:s12], $0x4000  }
0x39: {  	[sflag:s12] =	ssyncset.done $0x0  }
0x3a: {  	[sflag:s12] =	ssyncadd.s32 $0xFFFFC000  }
0x3b: {  	_ =	swait.ge [sflag:s12], $0x4000  }
0x3c: {  	[sflag:s12] =	ssyncset.done $0x0  }
0x3d: {  	s31 =	sadd.s32 $0x2000, s25;
	[sflag:s12] =	ssyncadd.s32 $0xFFFFC000  }
0x3e: {  	[hbm4b:s31+s2] =	stream.linear.scatter [tilespmem:s8], [sflag:$0x3], $0x8000, $0x38;
	[tilespmem:$0x10800] =	vst v63  }
0x3f: {  	_ =	swait.ge [sflag:s6], $0x8000  }
0x40: {  	[sflag:s6] =	ssyncset.done $0x0  }
0x41: {  	[sflag:s6] =	ssyncadd.s32 $0xFFFF8000  }
0x42: {  	[tilespmem:s8], [sflag:$0x1] =	stream.indirect.gather [hbm4b:s3+s7], $0x80, s16, s7, $0xb8;
	[tilespmem:$0x10800] =	vst v63  }
0x43: {  	_ = 	snop  }
0x44: {  	[tilespmem:s9], [sflag:$0x1] =	stream.indirect.gather [hbm4b:s3+s7], $0x80, s17, s7, $0xb8;
	[tilespmem:$0x10800] =	vst v63  }
0x45: {  	_ =	swait.ge [sflag:s13], $0x4000  }
0x46: {  	[sflag:s13] =	ssyncset.done $0x0  }
0x47: {  	[sflag:s13] =	ssyncadd.s32 $0xFFFFC000  }
0x48: {  	_ =	swait.ge [sflag:s13], $0x4000  }
0x49: {  	[sflag:s13] =	ssyncset.done $0x0  }
0x4a: {  	s28 =	sadd.s32 $0x3000, s25;
	[sflag:s13] =	ssyncadd.s32 $0xFFFFC000  }
0x4b: {  	[hbm4b:s28+s2] =	stream.linear.scatter [tilespmem:s10], [sflag:$0x3], $0x8000, $0x38;
	[tilespmem:$0x10800] =	vst v63  }
0x4c: {  	_ =	swait.ge [sflag:s6], $0x8000  }
0x4d: {  	[sflag:s6] =	ssyncset.done $0x0  }
0x4e: {  	[sflag:s6] =	ssyncadd.s32 $0xFFFF8000  }
0x4f: {  	[tilespmem:s10], [sflag:$0x2] =	stream.indirect.gather [hbm4b:s3+s7], $0x80, s18, s7, $0xb8;
	[tilespmem:$0x10800] =	vst v63  }
0x50: {  	_ = 	snop  }
0x51: {  	[tilespmem:s11], [sflag:$0x2] =	stream.indirect.gather [hbm4b:s3+s7], $0x80, s19, s7, $0xb8;
	[tilespmem:$0x10800] =	vst v63  }
0x52: {  	_ =	swait.ge [sflag:s12], $0x4000  }
0x53: {  	[sflag:s12] =	ssyncset.done $0x0  }
0x54: {  	[sflag:s12] =	ssyncadd.s32 $0xFFFFC000  }
0x55: {  	_ =	swait.ge [sflag:s12], $0x4000  }
0x56: {  	[sflag:s12] =	ssyncset.done $0x0  }
0x57: {  	s29 =	sadd.s32 $0x4000, s25;
	[sflag:s12] =	ssyncadd.s32 $0xFFFFC000  }
0x58: {  	[hbm4b:s29+s2] =	stream.linear.scatter [tilespmem:s8], [sflag:$0x3], $0x8000, $0x38;
	[tilespmem:$0x10800] =	vst v63  }
0x59: {  	_ =	swait.ge [sflag:s6], $0x8000  }
0x5a: {  	[sflag:s6] =	ssyncset.done $0x0  }
0x5b: {  	[sflag:s6] =	ssyncadd.s32 $0xFFFF8000  }
0x5c: {  	[tilespmem:s8], [sflag:$0x1] =	stream.indirect.gather [hbm4b:s3+s7], $0x80, s20, s7, $0xb8;
	[tilespmem:$0x10800] =	vst v63  }
0x5d: {  	_ = 	snop  }
0x5e: {  	[tilespmem:s9], [sflag:$0x1] =	stream.indirect.gather [hbm4b:s3+s7], $0x80, s21, s7, $0xb8;
	[tilespmem:$0x10800] =	vst v63  }
0x5f: {  	_ =	swait.ge [sflag:s13], $0x4000  }
0x60: {  	[sflag:s13] =	ssyncset.done $0x0  }
0x61: {  	[sflag:s13] =	ssyncadd.s32 $0xFFFFC000  }
0x62: {  	_ =	swait.ge [sflag:s13], $0x4000  }
0x63: {  	[sflag:s13] =	ssyncset.done $0x0  }
0x64: {  	s30 =	sadd.s32 $0x5000, s25;
	[sflag:s13] =	ssyncadd.s32 $0xFFFFC000  }
0x65: {  	[hbm4b:s30+s2] =	stream.linear.scatter [tilespmem:s10], [sflag:$0x3], $0x8000, $0x38;
	[tilespmem:$0x10800] =	vst v63  }
0x66: {  	_ =	swait.ge [sflag:s6], $0x8000  }
0x67: {  	[sflag:s6] =	ssyncset.done $0x0  }
0x68: {  	[sflag:s6] =	ssyncadd.s32 $0xFFFF8000  }
0x69: {  	[tilespmem:s10], [sflag:$0x2] =	stream.indirect.gather [hbm4b:s3+s7], $0x80, s22, s7, $0xb8;
	[tilespmem:$0x10800] =	vst v63  }
0x6a: {  	_ = 	snop  }
0x6b: {  	[tilespmem:s11], [sflag:$0x2] =	stream.indirect.gather [hbm4b:s3+s7], $0x80, s23, s7, $0xb8;
	[tilespmem:$0x10800] =	vst v63  }
0x6c: {  	_ =	swait.ge [sflag:s12], $0x4000  }
0x6d: {  	[sflag:s12] =	ssyncset.done $0x0  }
0x6e: {  	[sflag:s12] =	ssyncadd.s32 $0xFFFFC000  }
0x6f: {  	_ =	swait.ge [sflag:s12], $0x4000  }
0x70: {  	[sflag:s12] =	ssyncset.done $0x0  }
0x71: {  	s31 =	sadd.s32 $0x6000, s25;
	[sflag:s12] =	ssyncadd.s32 $0xFFFFC000  }
0x72: {  	[hbm4b:s31+s2] =	stream.linear.scatter [tilespmem:s8], [sflag:$0x3], $0x8000, $0x38;
	[tilespmem:$0x10800] =	vst v63  }
0x73: {  	_ =	swait.ge [sflag:s6], $0x8000  }
0x74: {  	[sflag:s6] =	ssyncset.done $0x0  }
0x75: {  	[sflag:s6] =	ssyncadd.s32 $0xFFFF8000  }
0x76: {  	_ =	swait.ge [sflag:s13], $0x4000  }
0x77: {  	[sflag:s13] =	ssyncset.done $0x0  }
0x78: {  	[sflag:s13] =	ssyncadd.s32 $0xFFFFC000  }
0x79: {  	_ =	swait.ge [sflag:s13], $0x4000  }
0x7a: {  	[sflag:s13] =	ssyncset.done $0x0  }
0x7b: {  	s25 =	sadd.s32 $0x7000, s25;
	[sflag:s13] =	ssyncadd.s32 $0xFFFFC000  }
0x7c: {  	[hbm4b:s25+s2] =	stream.linear.scatter [tilespmem:s10], [sflag:$0x3], $0x8000, $0x38;
	[tilespmem:$0x10800] =	vst v63  }
0x7d: {  	_ =	swait.ge [sflag:s6], $0x8000  }
0x7e: {  	s26 =	smov.u32 s5;
	s25 =	simm.s32 $0x8000;
	[sflag:s6] =	ssyncset.done $0x0  }
.LBB2_2:
0x7f: {  	[sflag:s6] =	ssyncadd.s32 $0xFFFF8000;
	s26 =	sadd.s32 $0x100, s26  }
0x80: {  	[tilespmem:s2], [sflag:$0x3] =	stream.linear.gather [hbm4b:s26+s2], $0x800, $0x38;
	[tilespmem:$0x10800] =	vst v63  }
0x81: {  	_ =	swait.ge [sflag:s6], $0x800  }
0x82: {  	[sflag:s6] =	ssyncset.done $0x0  }
0x83: {  	[sflag:s6] =	ssyncadd.s32 $0xFFFFF800  }
0x84: {  	[tilespmem:s8], [sflag:$0x1] =	stream.indirect.gather [hbm4b:s3+s7], $0x80, s2, s7, $0xb8;
	[tilespmem:$0x10800] =	vst v63  }
0x85: {  	_ = 	snop  }
0x86: {  	[tilespmem:s9], [sflag:$0x1] =	stream.indirect.gather [hbm4b:s3+s7], $0x80, s7, s7, $0xb8;
	[tilespmem:$0x10800] =	vst v63  }
0x87: {  	s29 =	rddreg [dreg:$0x3]  }
0x88: {  	[tilespmem:s10], [sflag:$0x2] =	stream.indirect.gather [hbm4b:s3+s7], $0x80, s29, s7, $0xb8;
	[tilespmem:$0x10800] =	vst v63  }
0x89: {  	s30 =	rddreg [dreg:$0x4]  }
0x8a: {  	[tilespmem:s11], [sflag:$0x2] =	stream.indirect.gather [hbm4b:s3+s7], $0x80, s30, s7, $0xb8;
	[tilespmem:$0x10800] =	vst v63  }
0x8b: {  	_ =	swait.ge [sflag:s12], $0x4000  }
0x8c: {  	[sflag:s12] =	ssyncset.done $0x0  }
0x8d: {  	[sflag:s12] =	ssyncadd.s32 $0xFFFFC000  }
0x8e: {  	_ =	swait.ge [sflag:s12], $0x4000  }
0x8f: {  	s28 =	smov.u32 s25;
	s30 =	rddreg [dreg:$0x2];
	[sflag:s12] =	ssyncset.done $0x0  }
0x90: {  	[sflag:s12] =	ssyncadd.s32 $0xFFFFC000;
	s28 =	sadd.s32 s28, s30  }
0x91: {  	[hbm4b:s28+s2] =	stream.linear.scatter [tilespmem:s8], [sflag:$0x3], $0x8000, $0x38;
	[tilespmem:$0x10800] =	vst v63  }
0x92: {  	_ =	swait.ge [sflag:s6], $0x8000  }
0x93: {  	[sflag:s6] =	ssyncset.done $0x0  }
0x94: {  	s29 =	rddreg [dreg:$0x5];
	[sflag:s6] =	ssyncadd.s32 $0xFFFF8000  }
0x95: {  	[tilespmem:s8], [sflag:$0x1] =	stream.indirect.gather [hbm4b:s3+s7], $0x80, s29, s7, $0xb8;
	[tilespmem:$0x10800] =	vst v63  }
0x96: {  	s31 =	rddreg [dreg:$0x6]  }
0x97: {  	[tilespmem:s9], [sflag:$0x1] =	stream.indirect.gather [hbm4b:s3+s7], $0x80, s31, s7, $0xb8;
	[tilespmem:$0x10800] =	vst v63  }
0x98: {  	_ =	swait.ge [sflag:s13], $0x4000  }
0x99: {  	[sflag:s13] =	ssyncset.done $0x0  }
0x9a: {  	[sflag:s13] =	ssyncadd.s32 $0xFFFFC000  }
0x9b: {  	_ =	swait.ge [sflag:s13], $0x4000  }
0x9c: {  	[sflag:s13] =	ssyncset.done $0x0  }
0x9d: {  	s30 =	sadd.s32 $0x1000, s28;
	[sflag:s13] =	ssyncadd.s32 $0xFFFFC000  }
0x9e: {  	[hbm4b:s30+s2] =	stream.linear.scatter [tilespmem:s10], [sflag:$0x3], $0x8000, $0x38;
	[tilespmem:$0x10800] =	vst v63  }
0x9f: {  	_ =	swait.ge [sflag:s6], $0x8000  }
0xa0: {  	[sflag:s6] =	ssyncset.done $0x0  }
0xa1: {  	[sflag:s6] =	ssyncadd.s32 $0xFFFF8000  }
0xa2: {  	[tilespmem:s10], [sflag:$0x2] =	stream.indirect.gather [hbm4b:s3+s7], $0x80, s14, s7, $0xb8;
	[tilespmem:$0x10800] =	vst v63  }
0xa3: {  	_ = 	snop  }
0xa4: {  	[tilespmem:s11], [sflag:$0x2] =	stream.indirect.gather [hbm4b:s3+s7], $0x80, s15, s7, $0xb8;
	[tilespmem:$0x10800] =	vst v63  }
0xa5: {  	_ =	swait.ge [sflag:s12], $0x4000  }
0xa6: {  	[sflag:s12] =	ssyncset.done $0x0  }
0xa7: {  	[sflag:s12] =	ssyncadd.s32 $0xFFFFC000  }
0xa8: {  	_ =	swait.ge [sflag:s12], $0x4000  }
0xa9: {  	[sflag:s12] =	ssyncset.done $0x0  }
0xaa: {  	s31 =	sadd.s32 $0x2000, s28;
	[sflag:s12] =	ssyncadd.s32 $0xFFFFC000  }
0xab: {  	[hbm4b:s31+s2] =	stream.linear.scatter [tilespmem:s8], [sflag:$0x3], $0x8000, $0x38;
	[tilespmem:$0x10800] =	vst v63  }
0xac: {  	_ =	swait.ge [sflag:s6], $0x8000  }
0xad: {  	[sflag:s6] =	ssyncset.done $0x0  }
0xae: {  	[sflag:s6] =	ssyncadd.s32 $0xFFFF8000  }
0xaf: {  	[tilespmem:s8], [sflag:$0x1] =	stream.indirect.gather [hbm4b:s3+s7], $0x80, s16, s7, $0xb8;
	[tilespmem:$0x10800] =	vst v63  }
0xb0: {  	_ = 	snop  }
0xb1: {  	[tilespmem:s9], [sflag:$0x1] =	stream.indirect.gather [hbm4b:s3+s7], $0x80, s17, s7, $0xb8;
	[tilespmem:$0x10800] =	vst v63  }
0xb2: {  	_ =	swait.ge [sflag:s13], $0x4000  }
0xb3: {  	[sflag:s13] =	ssyncset.done $0x0  }
0xb4: {  	[sflag:s13] =	ssyncadd.s32 $0xFFFFC000  }
0xb5: {  	_ =	swait.ge [sflag:s13], $0x4000  }
0xb6: {  	[sflag:s13] =	ssyncset.done $0x0  }
0xb7: {  	s30 =	sadd.s32 $0x3000, s28;
	[sflag:s13] =	ssyncadd.s32 $0xFFFFC000  }
0xb8: {  	[hbm4b:s30+s2] =	stream.linear.scatter [tilespmem:s10], [sflag:$0x3], $0x8000, $0x38;
	[tilespmem:$0x10800] =	vst v63  }
0xb9: {  	_ =	swait.ge [sflag:s6], $0x8000  }
0xba: {  	[sflag:s6] =	ssyncset.done $0x0  }
0xbb: {  	[sflag:s6] =	ssyncadd.s32 $0xFFFF8000  }
0xbc: {  	[tilespmem:s10], [sflag:$0x2] =	stream.indirect.gather [hbm4b:s3+s7], $0x80, s18, s7, $0xb8;
	[tilespmem:$0x10800] =	vst v63  }
0xbd: {  	_ = 	snop  }
0xbe: {  	[tilespmem:s11], [sflag:$0x2] =	stream.indirect.gather [hbm4b:s3+s7], $0x80, s19, s7, $0xb8;
	[tilespmem:$0x10800] =	vst v63  }
0xbf: {  	_ =	swait.ge [sflag:s12], $0x4000  }
0xc0: {  	[sflag:s12] =	ssyncset.done $0x0  }
0xc1: {  	[sflag:s12] =	ssyncadd.s32 $0xFFFFC000  }
0xc2: {  	_ =	swait.ge [sflag:s12], $0x4000  }
0xc3: {  	[sflag:s12] =	ssyncset.done $0x0  }
0xc4: {  	s31 =	sadd.s32 $0x4000, s28;
	[sflag:s12] =	ssyncadd.s32 $0xFFFFC000  }
0xc5: {  	[hbm4b:s31+s2] =	stream.linear.scatter [tilespmem:s8], [sflag:$0x3], $0x8000, $0x38;
	[tilespmem:$0x10800] =	vst v63  }
0xc6: {  	_ =	swait.ge [sflag:s6], $0x8000  }
0xc7: {  	[sflag:s6] =	ssyncset.done $0x0  }
0xc8: {  	[sflag:s6] =	ssyncadd.s32 $0xFFFF8000  }
0xc9: {  	[tilespmem:s8], [sflag:$0x1] =	stream.indirect.gather [hbm4b:s3+s7], $0x80, s20, s7, $0xb8;
	[tilespmem:$0x10800] =	vst v63  }
0xca: {  	_ = 	snop  }
0xcb: {  	[tilespmem:s9], [sflag:$0x1] =	stream.indirect.gather [hbm4b:s3+s7], $0x80, s21, s7, $0xb8;
	[tilespmem:$0x10800] =	vst v63  }
0xcc: {  	_ =	swait.ge [sflag:s13], $0x4000  }
0xcd: {  	[sflag:s13] =	ssyncset.done $0x0  }
0xce: {  	[sflag:s13] =	ssyncadd.s32 $0xFFFFC000  }
0xcf: {  	_ =	swait.ge [sflag:s13], $0x4000  }
0xd0: {  	[sflag:s13] =	ssyncset.done $0x0  }
0xd1: {  	s30 =	sadd.s32 $0x5000, s28;
	[sflag:s13] =	ssyncadd.s32 $0xFFFFC000  }
0xd2: {  	[hbm4b:s30+s2] =	stream.linear.scatter [tilespmem:s10], [sflag:$0x3], $0x8000, $0x38;
	[tilespmem:$0x10800] =	vst v63  }
0xd3: {  	_ =	swait.ge [sflag:s6], $0x8000  }
0xd4: {  	[sflag:s6] =	ssyncset.done $0x0  }
0xd5: {  	[sflag:s6] =	ssyncadd.s32 $0xFFFF8000  }
0xd6: {  	[tilespmem:s10], [sflag:$0x2] =	stream.indirect.gather [hbm4b:s3+s7], $0x80, s22, s7, $0xb8;
	[tilespmem:$0x10800] =	vst v63  }
0xd7: {  	_ = 	snop  }
0xd8: {  	[tilespmem:s11], [sflag:$0x2] =	stream.indirect.gather [hbm4b:s3+s7], $0x80, s23, s7, $0xb8;
	[tilespmem:$0x10800] =	vst v63  }
0xd9: {  	_ =	swait.ge [sflag:s12], $0x4000  }
0xda: {  	[sflag:s12] =	ssyncset.done $0x0  }
0xdb: {  	[sflag:s12] =	ssyncadd.s32 $0xFFFFC000  }
0xdc: {  	_ =	swait.ge [sflag:s12], $0x4000  }
0xdd: {  	[sflag:s12] =	ssyncset.done $0x0  }
0xde: {  	s31 =	sadd.s32 $0x6000, s28;
	[sflag:s12] =	ssyncadd.s32 $0xFFFFC000  }
0xdf: {  	[hbm4b:s31+s2] =	stream.linear.scatter [tilespmem:s8], [sflag:$0x3], $0x8000, $0x38;
	[tilespmem:$0x10800] =	vst v63  }
0xe0: {  	_ =	swait.ge [sflag:s6], $0x8000  }
0xe1: {  	[sflag:s6] =	ssyncset.done $0x0  }
0xe2: {  	[sflag:s6] =	ssyncadd.s32 $0xFFFF8000  }
0xe3: {  	_ =	swait.ge [sflag:s13], $0x4000  }
0xe4: {  	[sflag:s13] =	ssyncset.done $0x0  }
0xe5: {  	[sflag:s13] =	ssyncadd.s32 $0xFFFFC000  }
0xe6: {  	p0 =	sne.s32 s25, $0x48000;
	_ =	swait.ge [sflag:s13], $0x4000  }
.Ltmp0:
0xe7: {  	[sflag:s13] =	ssyncset.done $0x0;
	(pc) =	sbr.rel @p0 .LBB2_2-.Ltmp0, $4  }
0xe8: {  	s28 =	sadd.s32 $0x7000, s28;
	[sflag:s13] =	ssyncadd.s32 $0xFFFFC000  }
0xe9: {  	[hbm4b:s28+s2] =	stream.linear.scatter [tilespmem:s10], [sflag:$0x3], $0x8000, $0x38;
	[tilespmem:$0x10800] =	vst v63  }
0xea: {  	_ =	swait.ge [sflag:s6], $0x8000  }
0xeb: {  	s25 =	sadd.s32 $0x8000, s25;
	[sflag:s6] =	ssyncset.done $0x0  }
0xec: {  	s24 =	sadd.s32 $0x1, s24  }
0xed: {  	p0 =	sne.s32 s24, s4  }
.Ltmp1:
0xee: {  	_ = 	snop;
	(pc) =	sbr.rel @p0 .LBB2_1-.Ltmp1, $2  }
0xef: {  	_ =	sdelay $0x2  }
0xf0: {  	[sflag:s6] =	ssyncadd.s32 $0xFFFF8000  }
0xf1: {  	_ =	sfence.sel $0x180000  }
0xf2: {  	[bflag:$0x0] =	sbarrier.arrive $0xFFFF  }
0xf3: {  	p0 =	sne.s32 s0, $0x0;
	_ =	strace $0x9000004D  }
0xf4: {  	s0 =	sadd.s32 @!p0 $0x100000, s1;
	[bflag:$0x2] =	sbarrier.arrive $0xFFFF  }
0xf5: {  	[sflag:s0] =	ssyncadd.tile.s32 @!p0 $0x1;
	_ =	shalt  }
.Lfunc_end2:
_tile_overlayer_lowered:
.L_overlay_start_2:
0xf6: {  	(tag) =	ssettag $0x2  }
0xf7: {  	s0 =	rddreg [dreg:$0x0];
	s2 =	stileid.u32  }
0xf8: {  	s1 =	rddreg [dreg:$0x1];
	p0 =	sne.s32 s2, $0x0  }
0xf9: {  	s3 =	rddreg [dreg:$0x2];
	[bflag:$0x3] =	sbarrier.arrive $0xFFFF;
	s2 =	simm.s32 @!p0 $0x1C03  }
0xfa: {  	[timem:s3], [sflag:s2] =	dma.local @!p0 [hbm:s0], s1  }
0xfb: {  	s0 =	simm.s32 @!p0 $0x3  }
0xfc: {  	_ =	swait.ge @!p0 [sflag:s0], s1  }
0xfd: {  	s1 =	ssub.s32 @!p0 $0x0, s1;
	[sflag:s0] =	ssyncset.done @!p0 $0x0  }
0xfe: {  	[sflag:s0] =	ssyncadd.s32 @!p0 s1  }
0xff: {  	[bflag:$0x3] =	sbarrier.arrive $0xFFFF  }
0x100: {  	_ =	shalt  }

</sc_bundles>
